<compile_context>
chip_gen: v7x
topology: tpu7x:2x2x1
jax: 0.10.2.dev20260603
libtpu: 0.0.44.dev20260713+nightly
codegen_flags: <defaults>
</compile_context>

<pallas_src>
import functools

import jax
import jax.numpy as jnp
from jax import lax
from jax.experimental import pallas as pl
from jax.experimental.pallas import tpu as pltpu
from jax.experimental.pallas import tpu_sc as plsc

N = 10000
E = 320000
D = 128
BN_EPS = 1e-5
BN_C = 1.0 / (1.0 + BN_EPS) ** 0.5

NC = 2
NS = 16
NW = NC * NS
CHUNK = 128
CPW = 80
E_PAD = NW * CPW * CHUNK
ROWS_PT = 632
N_SH = NS * ROWS_PT
DH = D // 2

_mesh = plsc.VectorSubcoreMesh(core_axis_name="c", subcore_axis_name="s")



@functools.partial(
    pl.kernel,
    out_type=jax.ShapeDtypeStruct((NW * N_SH,), jnp.float32),
    mesh=_mesh,
    scratch_types=[
        pltpu.VMEM((CPW, CHUNK), jnp.int32),
        pltpu.VMEM((N_SH,), jnp.float32),
    ],
    compiler_params=pltpu.CompilerParams(needs_layout_passes=False),
)
def _sc_degree(dst_hbm, zeros_hbm, out_hbm, dst_v, hist_v):
    c = lax.axis_index("c")
    s = lax.axis_index("s")
    w = s * NC + c
    pltpu.sync_copy(dst_hbm.at[pl.ds(w * CPW, CPW)], dst_v)
    pltpu.sync_copy(zeros_hbm, hist_v)
    ones = jnp.ones((16,), jnp.float32)

    def body(j, carry):
        for k in range(CHUNK // 16):
            idx = dst_v[j, pl.ds(k * 16, 16)]
            plsc.addupdate_scatter(hist_v, [idx], ones)
        return carry

    lax.fori_loop(0, CPW, body, 0)
    pltpu.sync_copy(hist_v, out_hbm.at[pl.ds(w * N_SH, N_SH)])


_TPW = 2 * CPW
_NBUF = 4


@functools.partial(
    pl.kernel,
    out_type=jax.ShapeDtypeStruct((NC, N_SH, DH), jnp.float32),
    mesh=_mesh,
    scratch_types=[
        pltpu.VMEM((_TPW, CHUNK), jnp.int32),
        pltpu.VMEM((_TPW, CHUNK), jnp.int32),
        [pltpu.VMEM((CHUNK, DH), jnp.float32)] * _NBUF,
        pltpu.VMEM_SHARED((N_SH, DH), jnp.float32),
        [pltpu.SemaphoreType.DMA] * _NBUF,
    ],
    compiler_params=pltpu.CompilerParams(use_tc_tiling_on_sc=False),
)
def _sc_edge_agg(t_hbm, src_hbm, dst_hbm, out_hbm, src_v, dst_v,
                 rows, agg_sh, sems):
    c = lax.axis_index("c")
    s = lax.axis_index("s")
    table = t_hbm.at[c]
    pltpu.sync_copy(src_hbm.at[pl.ds(s * _TPW, _TPW)], src_v)
    pltpu.sync_copy(dst_hbm.at[pl.ds(s * _TPW, _TPW)], dst_v)
    rows_slice = pl.ds(s * ROWS_PT, ROWS_PT)
    pltpu.sync_copy(table.at[rows_slice], agg_sh.at[rows_slice])
    plsc.subcore_barrier()

    def _step(j, k):
        pltpu.make_async_copy(table.at[pl.ds(0, CHUNK)], rows[k],
                              sems[k]).wait()
        pltpu.sync_copy(rows[k], agg_sh.at[dst_v.at[j]], add=True)

        @pl.when(j + _NBUF < _TPW)
        def _():
            pltpu.async_copy(table.at[src_v.at[j + _NBUF]], rows[k], sems[k])

    def body(jj, carry):
        for k in range(_NBUF):
            _step(_NBUF * jj + k, k)
        return carry

    for k in range(_NBUF):
        pltpu.async_copy(table.at[src_v.at[k]], rows[k], sems[k])
    lax.fori_loop(0, _TPW // _NBUF, body, 0)
    plsc.subcore_barrier()
    pltpu.sync_copy(agg_sh.at[rows_slice], out_hbm.at[c, rows_slice])



_R = N_SH // 8


def _row_mask(i):
    rows = lax.broadcasted_iota(jnp.int32, (_R, 1), 0) + i * _R
    return rows < N


def _split_table(p, t_ref):
    t_ref[0] = p[:, :DH]
    t_ref[1] = p[:, DH:]


def _tc_prep_body(dp_ref, x_ref, w_ref, dinv_ref, t_ref):
    deg = jnp.sum(dp_ref[...], axis=1, keepdims=True) + 1.0
    di = lax.rsqrt(deg)
    dinv_ref[...] = jnp.broadcast_to(di, (_R, D))
    p = jnp.dot(x_ref[...], w_ref[...],
                preferred_element_type=jnp.float32) * di
    _split_table(p, t_ref)


def _tc_prep(degpart, xp, W0):
    return pl.pallas_call(
        _tc_prep_body,
        grid=(N_SH // _R,),
        in_specs=[
            pl.BlockSpec((_R, NW), lambda i: (i, 0)),
            pl.BlockSpec((_R, D), lambda i: (i, 0)),
            pl.BlockSpec((D, D), lambda i: (0, 0)),
        ],
        out_specs=[
            pl.BlockSpec((_R, D), lambda i: (i, 0)),
            pl.BlockSpec((NC, _R, DH), lambda i: (0, i, 0)),
        ],
        out_shape=[
            jax.ShapeDtypeStruct((N_SH, D), jnp.float32),
            jax.ShapeDtypeStruct((NC, N_SH, DH), jnp.float32),
        ],
    )(degpart, xp, W0)


def _agg_from_parts(pa):
    return jnp.concatenate([pa[0], pa[1]], axis=-1)


def _tc_combine_body(pa_ref, dinv_ref, res_ref, w_ref, b_ref, g_ref,
                     be_ref, h_ref, t_ref):
    i = pl.program_id(0)
    agg = _agg_from_parts(pa_ref[...])
    gcn = agg * dinv_ref[...] + b_ref[...]
    h = jax.nn.relu(gcn * (BN_C * g_ref[...]) + be_ref[...]) + res_ref[...]
    h = jnp.where(_row_mask(i), h, 0.0)
    h_ref[...] = h
    pn = jnp.dot(h, w_ref[...],
                 preferred_element_type=jnp.float32) * dinv_ref[...]
    _split_table(pn, t_ref)


def _tc_combine(part, dinvb, res, Wn, b, g, be):
    return pl.pallas_call(
        _tc_combine_body,
        grid=(N_SH // _R,),
        in_specs=[
            pl.BlockSpec((NC, _R, DH), lambda i: (0, i, 0)),
            pl.BlockSpec((_R, D), lambda i: (i, 0)),
            pl.BlockSpec((_R, D), lambda i: (i, 0)),
            pl.BlockSpec((D, D), lambda i: (0, 0)),
            pl.BlockSpec((1, D), lambda i: (0, 0)),
            pl.BlockSpec((1, D), lambda i: (0, 0)),
            pl.BlockSpec((1, D), lambda i: (0, 0)),
        ],
        out_specs=[
            pl.BlockSpec((_R, D), lambda i: (i, 0)),
            pl.BlockSpec((NC, _R, DH), lambda i: (0, i, 0)),
        ],
        out_shape=[
            jax.ShapeDtypeStruct((N_SH, D), jnp.float32),
            jax.ShapeDtypeStruct((NC, N_SH, DH), jnp.float32),
        ],
    )(part, dinvb, res, Wn, b.reshape(1, D), g.reshape(1, D),
      be.reshape(1, D))


_RF = 2000


def _tc_final_body(pa_ref, dinv_ref, b_ref, out_ref):
    agg = _agg_from_parts(pa_ref[...])
    out_ref[...] = agg * dinv_ref[...] + b_ref[...]


def _tc_final(part, dinvb, b):
    return pl.pallas_call(
        _tc_final_body,
        grid=(N // _RF,),
        in_specs=[
            pl.BlockSpec((NC, _RF, DH), lambda i: (0, i, 0)),
            pl.BlockSpec((_RF, D), lambda i: (i, 0)),
            pl.BlockSpec((1, D), lambda i: (0, 0)),
        ],
        out_specs=pl.BlockSpec((_RF, D), lambda i: (i, 0)),
        out_shape=jax.ShapeDtypeStruct((N, D), jnp.float32),
    )(part, dinvb, b.reshape(1, D))



@jax.jit
def kernel(x, edge_index, W0, b0, W1, b1, W2, b2, g0, be0, g1, be1):
    ei = edge_index.astype(jnp.int32)
    pad = jnp.full((E_PAD - E,), N, jnp.int32)
    src2d = jnp.concatenate([ei[0], pad]).reshape(NW * CPW, CHUNK)
    dst2d = jnp.concatenate([ei[1], pad]).reshape(NW * CPW, CHUNK)
    zeros_hbm = jnp.zeros((N_SH,), jnp.float32)
    xp = jnp.concatenate([x, jnp.zeros((N_SH - N, D), jnp.float32)], axis=0)

    degpart = _sc_degree(dst2d, zeros_hbm)
    dp_t = degpart.reshape(NW, N_SH).T
    dinvb, t0 = _tc_prep(dp_t, xp, W0)

    part0 = _sc_edge_agg(t0, src2d, dst2d)
    h1, t1 = _tc_combine(part0, dinvb, xp, W1, b0, g0, be0)

    part1 = _sc_edge_agg(t1, src2d, dst2d)
    h2, t2 = _tc_combine(part1, dinvb, h1, W2, b1, g1, be1)

    part2 = _sc_edge_agg(t2, src2d, dst2d)
    return _tc_final(part2, dinvb, b2)

# --- scband reference (transcript-rebuilt; emitter-appended) ---
"""Pipeline reference for scband-advanced-gcn-17231408792366 (READ-ONLY COPY).

The authoritative reference and input builder live on the scoring server;
editing this copy changes nothing except your own understanding.
"""

import jax, jax.numpy as jnp
import numpy as np

N = 10000
E = 320000
D = 128
BN_EPS = 1e-5


def gcn_conv(x, edge_index, W, b):
    # torch_geometric GCNConv: add self-loops, symmetric normalization,
    # h = D^{-1/2} (A+I) D^{-1/2} X W + b
    n = x.shape[0]
    loop = jnp.arange(n, dtype=edge_index.dtype)
    src = jnp.concatenate([edge_index[0], loop])
    dst = jnp.concatenate([edge_index[1], loop])
    deg = jnp.zeros((n,), x.dtype).at[dst].add(jnp.ones_like(dst, dtype=x.dtype))
    deg_inv_sqrt = jnp.where(deg > 0, deg ** -0.5, 0.0)
    norm = deg_inv_sqrt[src] * deg_inv_sqrt[dst]
    h = x @ W
    msg = h[src] * norm[:, None]
    out = jnp.zeros((n, W.shape[1]), x.dtype).at[dst].add(msg)
    return out + b


def batch_norm_eval(x, gamma, beta):
    # BatchNorm1d in eval mode with default running stats (mean=0, var=1)
    return x / jnp.sqrt(1.0 + BN_EPS) * gamma + beta


def setup_inputs(seed: int = 0) -> dict:
    key = jax.random.key(seed)
    ks = jax.random.split(key, 12)
    x = jax.random.normal(ks[0], (N, D), dtype=jnp.float32)
    edge_index = jax.random.randint(ks[1], (2, E), 0, N)
    s = 1.0 / np.sqrt(D)
    W0 = jax.random.normal(ks[2], (D, D), dtype=jnp.float32) * s
    b0 = jnp.zeros((D,), jnp.float32)
    W1 = jax.random.normal(ks[3], (D, D), dtype=jnp.float32) * s
    b1 = jnp.zeros((D,), jnp.float32)
    W2 = jax.random.normal(ks[4], (D, D), dtype=jnp.float32) * s
    b2 = jnp.zeros((D,), jnp.float32)
    g0 = jnp.ones((D,), jnp.float32)
    be0 = jnp.zeros((D,), jnp.float32)
    g1 = jnp.ones((D,), jnp.float32)
    be1 = jnp.zeros((D,), jnp.float32)
    return {"x": x, "edge_index": edge_index, "W0": W0, "b0": b0, "W1": W1, "b1": b1, "W2": W2, "b2": b2, "g0": g0, "be0": be0, "g1": g1, "be1": be1}


def reference(x, edge_index, W0, b0, W1, b1, W2, b2, g0, be0, g1, be1):
    # AdvancedGCN forward, eval mode (dropout is a no-op), use_attention=False,
    # use_residual=True, input_dim == hidden_dim so residual = x directly.
    residual = x
    h = gcn_conv(x, edge_index, W0, b0)
    h = batch_norm_eval(h, g0, be0)
    h = jax.nn.relu(h)
    h = h + residual
    # middle layers: num_layers=3 -> one middle layer (index 1)
    residual = h
    h = gcn_conv(h, edge_index, W1, b1)
    h = batch_norm_eval(h, g1, be1)
    h = jax.nn.relu(h)
    h = h + residual
    # final layer
    h = gcn_conv(h, edge_index, W2, b2)
    return h

if __name__ == "__main__":
    import jax
    _d = setup_inputs()
    print(jax.jit(kernel)(*tuple(_d.values())))

</pallas_src>

<mosaic_0001>
#map = affine_map<(d0, d1) -> (0, 0, 0)>
#map1 = affine_map<(d0, d1) -> (0, 0)>
module attributes {stable_mosaic.version = 14 : i64} {
  func.func @_sc_edge_agg(%arg0: i32, %arg1: i32, %arg2: memref<2x10112x64xf32, #tpu.memory_space<hbm>>, %arg3: memref<2560x128xi32, #tpu.memory_space<hbm>>, %arg4: memref<2560x128xi32, #tpu.memory_space<hbm>>, %arg5: memref<2x10112x64xf32, #tpu.memory_space<hbm>>, %arg6: memref<160x128xi32, #tpu.memory_space<vmem>>, %arg7: memref<160x128xi32, #tpu.memory_space<vmem>>, %arg8: memref<128x64xf32, #tpu.memory_space<vmem>>, %arg9: memref<128x64xf32, #tpu.memory_space<vmem>>, %arg10: memref<128x64xf32, #tpu.memory_space<vmem>>, %arg11: memref<128x64xf32, #tpu.memory_space<vmem>>, %arg12: memref<10112x64xf32, #tpu.memory_space<vmem_shared>>, %arg13: memref<!tpu.dma_semaphore, #tpu.memory_space<semaphore_mem>>, %arg14: memref<!tpu.dma_semaphore, #tpu.memory_space<semaphore_mem>>, %arg15: memref<!tpu.dma_semaphore, #tpu.memory_space<semaphore_mem>>, %arg16: memref<!tpu.dma_semaphore, #tpu.memory_space<semaphore_mem>>) attributes {dimension_semantics = [#tpu.dimension_semantics<core_parallel>, #tpu.dimension_semantics<subcore_parallel>], iteration_bounds = array<i64: 2, 16>, scalar_prefetch = 0 : i64, scratch_operands = 11 : i64, tpu.core_type = #tpu.core_type<sc_vector_subcore>, window_params = [{transform_indices = #map}, {transform_indices = #map1}, {transform_indices = #map1}, {transform_indices = #map}]} {
    %mul3A = arith.constant 160 : i32
    %mul3A_0 = arith.muli %arg1, %mul3A : i32
    "tpu.region"() ({
      %run_scoped3A = tpu.sem_alloc : memref<!tpu.dma_semaphore, #tpu.memory_space<semaphore_mem>>
      %dma_start3A_54 = arith.constant 0 : i32
      %dma_start3A_55 = tpu.memref_slice %arg3[%mul3A_0, %dma_start3A_54] : memref<2560x128xi32, #tpu.memory_space<hbm>> -> memref<160x128xi32, #tpu.memory_space<hbm>>
      %dma_start3A_56 = arith.constant 0 : i32
      %dma_start3A_57 = tpu.memref_slice %arg3[%mul3A_0, %dma_start3A_56] : memref<2560x128xi32, #tpu.memory_space<hbm>> -> memref<160x128xi32, #tpu.memory_space<hbm>>
      tpu.enqueue_dma source(%dma_start3A_57 : memref<160x128xi32, #tpu.memory_space<hbm>>) target(%arg6 : memref<160x128xi32, #tpu.memory_space<vmem>>) target_semaphore(%run_scoped3A : memref<!tpu.dma_semaphore, #tpu.memory_space<semaphore_mem>>)
      %dma_wait3A = arith.constant 0 : i32
      %dma_wait3A_58 = tpu.memref_slice %arg3[%mul3A_0, %dma_wait3A] : memref<2560x128xi32, #tpu.memory_space<hbm>> -> memref<160x128xi32, #tpu.memory_space<hbm>>
      %dma_wait3A_59 = arith.constant 0 : i32
      %dma_wait3A_60 = tpu.memref_slice %arg3[%mul3A_0, %dma_wait3A_59] : memref<2560x128xi32, #tpu.memory_space<hbm>> -> memref<160x128xi32, #tpu.memory_space<hbm>>
      tpu.wait_dma2 semaphore(%run_scoped3A : memref<!tpu.dma_semaphore, #tpu.memory_space<semaphore_mem>>) src(%dma_wait3A_60 : memref<160x128xi32, #tpu.memory_space<hbm>>) dst(%arg6 : memref<160x128xi32, #tpu.memory_space<vmem>>)
      tpu.yield
    }) : () -> ()
    %mul3A_1 = arith.constant 160 : i32
    %mul3A_2 = arith.muli %arg1, %mul3A_1 : i32
    "tpu.region"() ({
      %run_scoped3A = tpu.sem_alloc : memref<!tpu.dma_semaphore, #tpu.memory_space<semaphore_mem>>
      %dma_start3A_54 = arith.constant 0 : i32
      %dma_start3A_55 = tpu.memref_slice %arg4[%mul3A_2, %dma_start3A_54] : memref<2560x128xi32, #tpu.memory_space<hbm>> -> memref<160x128xi32, #tpu.memory_space<hbm>>
      %dma_start3A_56 = arith.constant 0 : i32
      %dma_start3A_57 = tpu.memref_slice %arg4[%mul3A_2, %dma_start3A_56] : memref<2560x128xi32, #tpu.memory_space<hbm>> -> memref<160x128xi32, #tpu.memory_space<hbm>>
      tpu.enqueue_dma source(%dma_start3A_57 : memref<160x128xi32, #tpu.memory_space<hbm>>) target(%arg7 : memref<160x128xi32, #tpu.memory_space<vmem>>) target_semaphore(%run_scoped3A : memref<!tpu.dma_semaphore, #tpu.memory_space<semaphore_mem>>)
      %dma_wait3A = arith.constant 0 : i32
      %dma_wait3A_58 = tpu.memref_slice %arg4[%mul3A_2, %dma_wait3A] : memref<2560x128xi32, #tpu.memory_space<hbm>> -> memref<160x128xi32, #tpu.memory_space<hbm>>
      %dma_wait3A_59 = arith.constant 0 : i32
      %dma_wait3A_60 = tpu.memref_slice %arg4[%mul3A_2, %dma_wait3A_59] : memref<2560x128xi32, #tpu.memory_space<hbm>> -> memref<160x128xi32, #tpu.memory_space<hbm>>
      tpu.wait_dma2 semaphore(%run_scoped3A : memref<!tpu.dma_semaphore, #tpu.memory_space<semaphore_mem>>) src(%dma_wait3A_60 : memref<160x128xi32, #tpu.memory_space<hbm>>) dst(%arg7 : memref<160x128xi32, #tpu.memory_space<vmem>>)
      tpu.yield
    }) : () -> ()
    %mul3A_3 = arith.constant 632 : i32
    %mul3A_4 = arith.muli %arg1, %mul3A_3 : i32
    "tpu.region"() ({
      %run_scoped3A = tpu.sem_alloc : memref<!tpu.dma_semaphore, #tpu.memory_space<semaphore_mem>>
      %dma_start3A_54 = arith.constant 0 : i32
      %dma_start3A_55 = tpu.memref_slice %arg12[%mul3A_4, %dma_start3A_54] : memref<10112x64xf32, #tpu.memory_space<vmem_shared>> -> memref<632x64xf32, #tpu.memory_space<vmem_shared>>
      %dma_start3A_56 = arith.constant 0 : i32
      %dma_start3A_57 = arith.constant 0 : i32
      %dma_start3A_58 = tpu.memref_slice %arg2[%arg0, %dma_start3A_56, %dma_start3A_57] : memref<2x10112x64xf32, #tpu.memory_space<hbm>> -> memref<1x10112x64xf32, #tpu.memory_space<hbm>>
      %dma_start3A_59 = tpu.memref_squeeze %dma_start3A_58 : memref<1x10112x64xf32, #tpu.memory_space<hbm>> -> memref<10112x64xf32, #tpu.memory_space<hbm>>
      %dma_start3A_60 = arith.constant 0 : i32
      %dma_start3A_61 = tpu.memref_slice %dma_start3A_59[%mul3A_4, %dma_start3A_60] : memref<10112x64xf32, #tpu.memory_space<hbm>> -> memref<632x64xf32, #tpu.memory_space<hbm>>
      tpu.enqueue_dma source(%dma_start3A_61 : memref<632x64xf32, #tpu.memory_space<hbm>>) target(%dma_start3A_55 : memref<632x64xf32, #tpu.memory_space<vmem_shared>>) target_semaphore(%run_scoped3A : memref<!tpu.dma_semaphore, #tpu.memory_space<semaphore_mem>>)
      %dma_wait3A = arith.constant 0 : i32
      %dma_wait3A_62 = tpu.memref_slice %arg12[%mul3A_4, %dma_wait3A] : memref<10112x64xf32, #tpu.memory_space<vmem_shared>> -> memref<632x64xf32, #tpu.memory_space<vmem_shared>>
      %dma_wait3A_63 = arith.constant 0 : i32
      %dma_wait3A_64 = arith.constant 0 : i32
      %dma_wait3A_65 = tpu.memref_slice %arg2[%arg0, %dma_wait3A_63, %dma_wait3A_64] : memref<2x10112x64xf32, #tpu.memory_space<hbm>> -> memref<1x10112x64xf32, #tpu.memory_space<hbm>>
      %dma_wait3A_66 = tpu.memref_squeeze %dma_wait3A_65 : memref<1x10112x64xf32, #tpu.memory_space<hbm>> -> memref<10112x64xf32, #tpu.memory_space<hbm>>
      %dma_wait3A_67 = arith.constant 0 : i32
      %dma_wait3A_68 = tpu.memref_slice %dma_wait3A_66[%mul3A_4, %dma_wait3A_67] : memref<10112x64xf32, #tpu.memory_space<hbm>> -> memref<632x64xf32, #tpu.memory_space<hbm>>
      tpu.wait_dma2 semaphore(%run_scoped3A : memref<!tpu.dma_semaphore, #tpu.memory_space<semaphore_mem>>) src(%dma_wait3A_68 : memref<632x64xf32, #tpu.memory_space<hbm>>) dst(%dma_wait3A_62 : memref<632x64xf32, #tpu.memory_space<vmem_shared>>)
      tpu.yield
    }) : () -> ()
    %barrier3A = arith.constant 0 : index
    tpu.barrier barrier_id(%barrier3A)
    %dma_start3A = arith.constant 0 : i32
    %dma_start3A_5 = arith.constant 0 : i32
    %dma_start3A_6 = tpu.memref_slice %arg6[%dma_start3A, %dma_start3A_5] : memref<160x128xi32, #tpu.memory_space<vmem>> -> memref<1x128xi32, #tpu.memory_space<vmem>>
    %dma_start3A_7 = tpu.memref_squeeze %dma_start3A_6 : memref<1x128xi32, #tpu.memory_space<vmem>> -> memref<128xi32, #tpu.memory_space<vmem>>
    %dma_start3A_8 = arith.constant 0 : i32
    %dma_start3A_9 = arith.constant 0 : i32
    %dma_start3A_10 = tpu.memref_slice %arg2[%arg0, %dma_start3A_8, %dma_start3A_9] : memref<2x10112x64xf32, #tpu.memory_space<hbm>> -> memref<1x10112x64xf32, #tpu.memory_space<hbm>>
    %dma_start3A_11 = tpu.memref_squeeze %dma_start3A_10 : memref<1x10112x64xf32, #tpu.memory_space<hbm>> -> memref<10112x64xf32, #tpu.memory_space<hbm>>
    %dma_start3A_12 = arith.constant 0 : i32
    %dma_start3A_13 = arith.constant 0 : i32
    %dma_start3A_14 = tpu.memref_slice %dma_start3A_11[%dma_start3A_12, %dma_start3A_13] : memref<10112x64xf32, #tpu.memory_space<hbm>> -> memref<10112x64xf32, #tpu.memory_space<hbm>>
    tpu.enqueue_indirect_dma source(%dma_start3A_14 : memref<10112x64xf32, #tpu.memory_space<hbm>>) target(%arg8 : memref<128x64xf32, #tpu.memory_space<vmem>>) offsets(%dma_start3A_7 : memref<128xi32, #tpu.memory_space<vmem>>) semaphore(%arg13 : memref<!tpu.dma_semaphore, #tpu.memory_space<semaphore_mem>>)
    %dma_start3A_15 = arith.constant 1 : i32
    %dma_start3A_16 = arith.constant 0 : i32
    %dma_start3A_17 = tpu.memref_slice %arg6[%dma_start3A_15, %dma_start3A_16] : memref<160x128xi32, #tpu.memory_space<vmem>> -> memref<1x128xi32, #tpu.memory_space<vmem>>
    %dma_start3A_18 = tpu.memref_squeeze %dma_start3A_17 : memref<1x128xi32, #tpu.memory_space<vmem>> -> memref<128xi32, #tpu.memory_space<vmem>>
    %dma_start3A_19 = arith.constant 0 : i32
    %dma_start3A_20 = arith.constant 0 : i32
    %dma_start3A_21 = tpu.memref_slice %arg2[%arg0, %dma_start3A_19, %dma_start3A_20] : memref<2x10112x64xf32, #tpu.memory_space<hbm>> -> memref<1x10112x64xf32, #tpu.memory_space<hbm>>
    %dma_start3A_22 = tpu.memref_squeeze %dma_start3A_21 : memref<1x10112x64xf32, #tpu.memory_space<hbm>> -> memref<10112x64xf32, #tpu.memory_space<hbm>>
    %dma_start3A_23 = arith.constant 0 : i32
    %dma_start3A_24 = arith.constant 0 : i32
    %dma_start3A_25 = tpu.memref_slice %dma_start3A_22[%dma_start3A_23, %dma_start3A_24] : memref<10112x64xf32, #tpu.memory_space<hbm>> -> memref<10112x64xf32, #tpu.memory_space<hbm>>
    tpu.enqueue_indirect_dma source(%dma_start3A_25 : memref<10112x64xf32, #tpu.memory_space<hbm>>) target(%arg9 : memref<128x64xf32, #tpu.memory_space<vmem>>) offsets(%dma_start3A_18 : memref<128xi32, #tpu.memory_space<vmem>>) semaphore(%arg14 : memref<!tpu.dma_semaphore, #tpu.memory_space<semaphore_mem>>)
    %dma_start3A_26 = arith.constant 2 : i32
    %dma_start3A_27 = arith.constant 0 : i32
    %dma_start3A_28 = tpu.memref_slice %arg6[%dma_start3A_26, %dma_start3A_27] : memref<160x128xi32, #tpu.memory_space<vmem>> -> memref<1x128xi32, #tpu.memory_space<vmem>>
    %dma_start3A_29 = tpu.memref_squeeze %dma_start3A_28 : memref<1x128xi32, #tpu.memory_space<vmem>> -> memref<128xi32, #tpu.memory_space<vmem>>
    %dma_start3A_30 = arith.constant 0 : i32
    %dma_start3A_31 = arith.constant 0 : i32
    %dma_start3A_32 = tpu.memref_slice %arg2[%arg0, %dma_start3A_30, %dma_start3A_31] : memref<2x10112x64xf32, #tpu.memory_space<hbm>> -> memref<1x10112x64xf32, #tpu.memory_space<hbm>>
    %dma_start3A_33 = tpu.memref_squeeze %dma_start3A_32 : memref<1x10112x64xf32, #tpu.memory_space<hbm>> -> memref<10112x64xf32, #tpu.memory_space<hbm>>
    %dma_start3A_34 = arith.constant 0 : i32
    %dma_start3A_35 = arith.constant 0 : i32
    %dma_start3A_36 = tpu.memref_slice %dma_start3A_33[%dma_start3A_34, %dma_start3A_35] : memref<10112x64xf32, #tpu.memory_space<hbm>> -> memref<10112x64xf32, #tpu.memory_space<hbm>>
    tpu.enqueue_indirect_dma source(%dma_start3A_36 : memref<10112x64xf32, #tpu.memory_space<hbm>>) target(%arg10 : memref<128x64xf32, #tpu.memory_space<vmem>>) offsets(%dma_start3A_29 : memref<128xi32, #tpu.memory_space<vmem>>) semaphore(%arg15 : memref<!tpu.dma_semaphore, #tpu.memory_space<semaphore_mem>>)
    %dma_start3A_37 = arith.constant 3 : i32
    %dma_start3A_38 = arith.constant 0 : i32
    %dma_start3A_39 = tpu.memref_slice %arg6[%dma_start3A_37, %dma_start3A_38] : memref<160x128xi32, #tpu.memory_space<vmem>> -> memref<1x128xi32, #tpu.memory_space<vmem>>
    %dma_start3A_40 = tpu.memref_squeeze %dma_start3A_39 : memref<1x128xi32, #tpu.memory_space<vmem>> -> memref<128xi32, #tpu.memory_space<vmem>>
    %dma_start3A_41 = arith.constant 0 : i32
    %dma_start3A_42 = arith.constant 0 : i32
    %dma_start3A_43 = tpu.memref_slice %arg2[%arg0, %dma_start3A_41, %dma_start3A_42] : memref<2x10112x64xf32, #tpu.memory_space<hbm>> -> memref<1x10112x64xf32, #tpu.memory_space<hbm>>
    %dma_start3A_44 = tpu.memref_squeeze %dma_start3A_43 : memref<1x10112x64xf32, #tpu.memory_space<hbm>> -> memref<10112x64xf32, #tpu.memory_space<hbm>>
    %dma_start3A_45 = arith.constant 0 : i32
    %dma_start3A_46 = arith.constant 0 : i32
    %dma_start3A_47 = tpu.memref_slice %dma_start3A_44[%dma_start3A_45, %dma_start3A_46] : memref<10112x64xf32, #tpu.memory_space<hbm>> -> memref<10112x64xf32, #tpu.memory_space<hbm>>
    tpu.enqueue_indirect_dma source(%dma_start3A_47 : memref<10112x64xf32, #tpu.memory_space<hbm>>) target(%arg11 : memref<128x64xf32, #tpu.memory_space<vmem>>) offsets(%dma_start3A_40 : memref<128xi32, #tpu.memory_space<vmem>>) semaphore(%arg16 : memref<!tpu.dma_semaphore, #tpu.memory_space<semaphore_mem>>)
    %scan3A = arith.constant 0 : i32
    %scan3A_48 = arith.constant 0 : i32
    %scan3A_49 = arith.constant 40 : i32
    %scan3A_50 = arith.addi %scan3A_48, %scan3A_49 : i32
    %scan3A_51 = arith.constant 1 : i32
    scf.for %scan3A_54 = %scan3A_48 to %scan3A_50 step %scan3A_51  : i32 {
      %mul3A_55 = arith.constant 4 : i32
      %mul3A_56 = arith.muli %mul3A_55, %scan3A_54 : i32
      %add3A = arith.constant 0 : i32
      %add3A_57 = arith.addi %mul3A_56, %add3A : i32
      %dma_wait3A = arith.constant 0 : i32
      %dma_wait3A_58 = arith.constant 0 : i32
      %dma_wait3A_59 = tpu.memref_slice %arg2[%arg0, %dma_wait3A, %dma_wait3A_58] : memref<2x10112x64xf32, #tpu.memory_space<hbm>> -> memref<1x10112x64xf32, #tpu.memory_space<hbm>>
      %dma_wait3A_60 = tpu.memref_squeeze %dma_wait3A_59 : memref<1x10112x64xf32, #tpu.memory_space<hbm>> -> memref<10112x64xf32, #tpu.memory_space<hbm>>
      %dma_wait3A_61 = arith.constant 0 : i32
      %dma_wait3A_62 = arith.constant 0 : i32
      %dma_wait3A_63 = tpu.memref_slice %dma_wait3A_60[%dma_wait3A_61, %dma_wait3A_62] : memref<10112x64xf32, #tpu.memory_space<hbm>> -> memref<128x64xf32, #tpu.memory_space<hbm>>
      %dma_wait3A_64 = arith.constant 0 : i32
      %dma_wait3A_65 = arith.constant 0 : i32
      %dma_wait3A_66 = tpu.memref_slice %arg2[%arg0, %dma_wait3A_64, %dma_wait3A_65] : memref<2x10112x64xf32, #tpu.memory_space<hbm>> -> memref<1x10112x64xf32, #tpu.memory_space<hbm>>
      %dma_wait3A_67 = tpu.memref_squeeze %dma_wait3A_66 : memref<1x10112x64xf32, #tpu.memory_space<hbm>> -> memref<10112x64xf32, #tpu.memory_space<hbm>>
      %dma_wait3A_68 = arith.constant 0 : i32
      %dma_wait3A_69 = arith.constant 0 : i32
      %dma_wait3A_70 = tpu.memref_slice %dma_wait3A_67[%dma_wait3A_68, %dma_wait3A_69] : memref<10112x64xf32, #tpu.memory_space<hbm>> -> memref<128x64xf32, #tpu.memory_space<hbm>>
      tpu.wait_dma2 semaphore(%arg13 : memref<!tpu.dma_semaphore, #tpu.memory_space<semaphore_mem>>) src(%dma_wait3A_70 : memref<128x64xf32, #tpu.memory_space<hbm>>) dst(%arg8 : memref<128x64xf32, #tpu.memory_space<vmem>>)
      "tpu.region"() ({
        %run_scoped3A = tpu.sem_alloc : memref<!tpu.dma_semaphore, #tpu.memory_space<semaphore_mem>>
        %dma_start3A_150 = arith.constant 0 : i32
        %dma_start3A_151 = tpu.memref_slice %arg7[%add3A_57, %dma_start3A_150] : memref<160x128xi32, #tpu.memory_space<vmem>> -> memref<1x128xi32, #tpu.memory_space<vmem>>
        %dma_start3A_152 = tpu.memref_squeeze %dma_start3A_151 : memref<1x128xi32, #tpu.memory_space<vmem>> -> memref<128xi32, #tpu.memory_space<vmem>>
        %dma_start3A_153 = arith.constant 0 : i32
        %dma_start3A_154 = arith.constant 0 : i32
        %dma_start3A_155 = tpu.memref_slice %arg12[%dma_start3A_153, %dma_start3A_154] : memref<10112x64xf32, #tpu.memory_space<vmem_shared>> -> memref<10112x64xf32, #tpu.memory_space<vmem_shared>>
        tpu.enqueue_indirect_dma source(%arg8 : memref<128x64xf32, #tpu.memory_space<vmem>>) target(%dma_start3A_155 : memref<10112x64xf32, #tpu.memory_space<vmem_shared>>) offsets(%dma_start3A_152 : memref<128xi32, #tpu.memory_space<vmem>>) semaphore(%run_scoped3A : memref<!tpu.dma_semaphore, #tpu.memory_space<semaphore_mem>>) {add = true}
        %dma_wait3A_156 = arith.constant 0 : i32
        %dma_wait3A_157 = tpu.memref_slice %arg7[%add3A_57, %dma_wait3A_156] : memref<160x128xi32, #tpu.memory_space<vmem>> -> memref<1x128xi32, #tpu.memory_space<vmem>>
        %dma_wait3A_158 = tpu.memref_squeeze %dma_wait3A_157 : memref<1x128xi32, #tpu.memory_space<vmem>> -> memref<128xi32, #tpu.memory_space<vmem>>
        %dma_wait3A_159 = arith.constant 0 : i32
        %dma_wait3A_160 = arith.constant 0 : i32
        %dma_wait3A_161 = tpu.memref_slice %arg12[%dma_wait3A_159, %dma_wait3A_160] : memref<10112x64xf32, #tpu.memory_space<vmem_shared>> -> memref<10112x64xf32, #tpu.memory_space<vmem_shared>>
        tpu.wait_indirect_dma semaphore(%run_scoped3A : memref<!tpu.dma_semaphore, #tpu.memory_space<semaphore_mem>>) src(%arg8 : memref<128x64xf32, #tpu.memory_space<vmem>>) dst(%dma_wait3A_161 : memref<10112x64xf32, #tpu.memory_space<vmem_shared>>)
        tpu.yield
      }) : () -> ()
      %add3A_71 = arith.constant 4 : i32
      %add3A_72 = arith.addi %add3A_57, %add3A_71 : i32
      %lt3A = arith.constant 160 : i32
      %lt3A_73 = arith.cmpi slt, %add3A_72, %lt3A : i32
      %convert_element_type3A = arith.extui %lt3A_73 : i1 to i32
      %cond3A = arith.constant 0 : i32
      %cond3A_74 = arith.cmpi ne, %convert_element_type3A, %cond3A : i32
      scf.if %cond3A_74 {
        %add3A_150 = arith.constant 4 : i32
        %add3A_151 = arith.addi %add3A_57, %add3A_150 : i32
        %dma_start3A_152 = arith.constant 0 : i32
        %dma_start3A_153 = tpu.memref_slice %arg6[%add3A_151, %dma_start3A_152] : memref<160x128xi32, #tpu.memory_space<vmem>> -> memref<1x128xi32, #tpu.memory_space<vmem>>
        %dma_start3A_154 = tpu.memref_squeeze %dma_start3A_153 : memref<1x128xi32, #tpu.memory_space<vmem>> -> memref<128xi32, #tpu.memory_space<vmem>>
        %dma_start3A_155 = arith.constant 0 : i32
        %dma_start3A_156 = arith.constant 0 : i32
        %dma_start3A_157 = tpu.memref_slice %arg2[%arg0, %dma_start3A_155, %dma_start3A_156] : memref<2x10112x64xf32, #tpu.memory_space<hbm>> -> memref<1x10112x64xf32, #tpu.memory_space<hbm>>
        %dma_start3A_158 = tpu.memref_squeeze %dma_start3A_157 : memref<1x10112x64xf32, #tpu.memory_space<hbm>> -> memref<10112x64xf32, #tpu.memory_space<hbm>>
        %dma_start3A_159 = arith.constant 0 : i32
        %dma_start3A_160 = arith.constant 0 : i32
        %dma_start3A_161 = tpu.memref_slice %dma_start3A_158[%dma_start3A_159, %dma_start3A_160] : memref<10112x64xf32, #tpu.memory_space<hbm>> -> memref<10112x64xf32, #tpu.memory_space<hbm>>
        tpu.enqueue_indirect_dma source(%dma_start3A_161 : memref<10112x64xf32, #tpu.memory_space<hbm>>) target(%arg8 : memref<128x64xf32, #tpu.memory_space<vmem>>) offsets(%dma_start3A_154 : memref<128xi32, #tpu.memory_space<vmem>>) semaphore(%arg13 : memref<!tpu.dma_semaphore, #tpu.memory_space<semaphore_mem>>)
      } else {
      }
      %mul3A_75 = arith.constant 4 : i32
      %mul3A_76 = arith.muli %mul3A_75, %scan3A_54 : i32
      %add3A_77 = arith.constant 1 : i32
      %add3A_78 = arith.addi %mul3A_76, %add3A_77 : i32
      %dma_wait3A_79 = arith.constant 0 : i32
      %dma_wait3A_80 = arith.constant 0 : i32
      %dma_wait3A_81 = tpu.memref_slice %arg2[%arg0, %dma_wait3A_79, %dma_wait3A_80] : memref<2x10112x64xf32, #tpu.memory_space<hbm>> -> memref<1x10112x64xf32, #tpu.memory_space<hbm>>
      %dma_wait3A_82 = tpu.memref_squeeze %dma_wait3A_81 : memref<1x10112x64xf32, #tpu.memory_space<hbm>> -> memref<10112x64xf32, #tpu.memory_space<hbm>>
      %dma_wait3A_83 = arith.constant 0 : i32
      %dma_wait3A_84 = arith.constant 0 : i32
      %dma_wait3A_85 = tpu.memref_slice %dma_wait3A_82[%dma_wait3A_83, %dma_wait3A_84] : memref<10112x64xf32, #tpu.memory_space<hbm>> -> memref<128x64xf32, #tpu.memory_space<hbm>>
      %dma_wait3A_86 = arith.constant 0 : i32
      %dma_wait3A_87 = arith.constant 0 : i32
      %dma_wait3A_88 = tpu.memref_slice %arg2[%arg0, %dma_wait3A_86, %dma_wait3A_87] : memref<2x10112x64xf32, #tpu.memory_space<hbm>> -> memref<1x10112x64xf32, #tpu.memory_space<hbm>>
      %dma_wait3A_89 = tpu.memref_squeeze %dma_wait3A_88 : memref<1x10112x64xf32, #tpu.memory_space<hbm>> -> memref<10112x64xf32, #tpu.memory_space<hbm>>
      %dma_wait3A_90 = arith.constant 0 : i32
      %dma_wait3A_91 = arith.constant 0 : i32
      %dma_wait3A_92 = tpu.memref_slice %dma_wait3A_89[%dma_wait3A_90, %dma_wait3A_91] : memref<10112x64xf32, #tpu.memory_space<hbm>> -> memref<128x64xf32, #tpu.memory_space<hbm>>
      tpu.wait_dma2 semaphore(%arg14 : memref<!tpu.dma_semaphore, #tpu.memory_space<semaphore_mem>>) src(%dma_wait3A_92 : memref<128x64xf32, #tpu.memory_space<hbm>>) dst(%arg9 : memref<128x64xf32, #tpu.memory_space<vmem>>)
      "tpu.region"() ({
        %run_scoped3A = tpu.sem_alloc : memref<!tpu.dma_semaphore, #tpu.memory_space<semaphore_mem>>
        %dma_start3A_150 = arith.constant 0 : i32
        %dma_start3A_151 = tpu.memref_slice %arg7[%add3A_78, %dma_start3A_150] : memref<160x128xi32, #tpu.memory_space<vmem>> -> memref<1x128xi32, #tpu.memory_space<vmem>>
        %dma_start3A_152 = tpu.memref_squeeze %dma_start3A_151 : memref<1x128xi32, #tpu.memory_space<vmem>> -> memref<128xi32, #tpu.memory_space<vmem>>
        %dma_start3A_153 = arith.constant 0 : i32
        %dma_start3A_154 = arith.constant 0 : i32
        %dma_start3A_155 = tpu.memref_slice %arg12[%dma_start3A_153, %dma_start3A_154] : memref<10112x64xf32, #tpu.memory_space<vmem_shared>> -> memref<10112x64xf32, #tpu.memory_space<vmem_shared>>
        tpu.enqueue_indirect_dma source(%arg9 : memref<128x64xf32, #tpu.memory_space<vmem>>) target(%dma_start3A_155 : memref<10112x64xf32, #tpu.memory_space<vmem_shared>>) offsets(%dma_start3A_152 : memref<128xi32, #tpu.memory_space<vmem>>) semaphore(%run_scoped3A : memref<!tpu.dma_semaphore, #tpu.memory_space<semaphore_mem>>) {add = true}
        %dma_wait3A_156 = arith.constant 0 : i32
        %dma_wait3A_157 = tpu.memref_slice %arg7[%add3A_78, %dma_wait3A_156] : memref<160x128xi32, #tpu.memory_space<vmem>> -> memref<1x128xi32, #tpu.memory_space<vmem>>
        %dma_wait3A_158 = tpu.memref_squeeze %dma_wait3A_157 : memref<1x128xi32, #tpu.memory_space<vmem>> -> memref<128xi32, #tpu.memory_space<vmem>>
        %dma_wait3A_159 = arith.constant 0 : i32
        %dma_wait3A_160 = arith.constant 0 : i32
        %dma_wait3A_161 = tpu.memref_slice %arg12[%dma_wait3A_159, %dma_wait3A_160] : memref<10112x64xf32, #tpu.memory_space<vmem_shared>> -> memref<10112x64xf32, #tpu.memory_space<vmem_shared>>
        tpu.wait_indirect_dma semaphore(%run_scoped3A : memref<!tpu.dma_semaphore, #tpu.memory_space<semaphore_mem>>) src(%arg9 : memref<128x64xf32, #tpu.memory_space<vmem>>) dst(%dma_wait3A_161 : memref<10112x64xf32, #tpu.memory_space<vmem_shared>>)
        tpu.yield
      }) : () -> ()
      %add3A_93 = arith.constant 4 : i32
      %add3A_94 = arith.addi %add3A_78, %add3A_93 : i32
      %lt3A_95 = arith.constant 160 : i32
      %lt3A_96 = arith.cmpi slt, %add3A_94, %lt3A_95 : i32
      %convert_element_type3A_97 = arith.extui %lt3A_96 : i1 to i32
      %cond3A_98 = arith.constant 0 : i32
      %cond3A_99 = arith.cmpi ne, %convert_element_type3A_97, %cond3A_98 : i32
      scf.if %cond3A_99 {
        %add3A_150 = arith.constant 4 : i32
        %add3A_151 = arith.addi %add3A_78, %add3A_150 : i32
        %dma_start3A_152 = arith.constant 0 : i32
        %dma_start3A_153 = tpu.memref_slice %arg6[%add3A_151, %dma_start3A_152] : memref<160x128xi32, #tpu.memory_space<vmem>> -> memref<1x128xi32, #tpu.memory_space<vmem>>
        %dma_start3A_154 = tpu.memref_squeeze %dma_start3A_153 : memref<1x128xi32, #tpu.memory_space<vmem>> -> memref<128xi32, #tpu.memory_space<vmem>>
        %dma_start3A_155 = arith.constant 0 : i32
        %dma_start3A_156 = arith.constant 0 : i32
        %dma_start3A_157 = tpu.memref_slice %arg2[%arg0, %dma_start3A_155, %dma_start3A_156] : memref<2x10112x64xf32, #tpu.memory_space<hbm>> -> memref<1x10112x64xf32, #tpu.memory_space<hbm>>
        %dma_start3A_158 = tpu.memref_squeeze %dma_start3A_157 : memref<1x10112x64xf32, #tpu.memory_space<hbm>> -> memref<10112x64xf32, #tpu.memory_space<hbm>>
        %dma_start3A_159 = arith.constant 0 : i32
        %dma_start3A_160 = arith.constant 0 : i32
        %dma_start3A_161 = tpu.memref_slice %dma_start3A_158[%dma_start3A_159, %dma_start3A_160] : memref<10112x64xf32, #tpu.memory_space<hbm>> -> memref<10112x64xf32, #tpu.memory_space<hbm>>
        tpu.enqueue_indirect_dma source(%dma_start3A_161 : memref<10112x64xf32, #tpu.memory_space<hbm>>) target(%arg9 : memref<128x64xf32, #tpu.memory_space<vmem>>) offsets(%dma_start3A_154 : memref<128xi32, #tpu.memory_space<vmem>>) semaphore(%arg14 : memref<!tpu.dma_semaphore, #tpu.memory_space<semaphore_mem>>)
      } else {
      }
      %mul3A_100 = arith.constant 4 : i32
      %mul3A_101 = arith.muli %mul3A_100, %scan3A_54 : i32
      %add3A_102 = arith.constant 2 : i32
      %add3A_103 = arith.addi %mul3A_101, %add3A_102 : i32
      %dma_wait3A_104 = arith.constant 0 : i32
      %dma_wait3A_105 = arith.constant 0 : i32
      %dma_wait3A_106 = tpu.memref_slice %arg2[%arg0, %dma_wait3A_104, %dma_wait3A_105] : memref<2x10112x64xf32, #tpu.memory_space<hbm>> -> memref<1x10112x64xf32, #tpu.memory_space<hbm>>
      %dma_wait3A_107 = tpu.memref_squeeze %dma_wait3A_106 : memref<1x10112x64xf32, #tpu.memory_space<hbm>> -> memref<10112x64xf32, #tpu.memory_space<hbm>>
      %dma_wait3A_108 = arith.constant 0 : i32
      %dma_wait3A_109 = arith.constant 0 : i32
      %dma_wait3A_110 = tpu.memref_slice %dma_wait3A_107[%dma_wait3A_108, %dma_wait3A_109] : memref<10112x64xf32, #tpu.memory_space<hbm>> -> memref<128x64xf32, #tpu.memory_space<hbm>>
      %dma_wait3A_111 = arith.constant 0 : i32
      %dma_wait3A_112 = arith.constant 0 : i32
      %dma_wait3A_113 = tpu.memref_slice %arg2[%arg0, %dma_wait3A_111, %dma_wait3A_112] : memref<2x10112x64xf32, #tpu.memory_space<hbm>> -> memref<1x10112x64xf32, #tpu.memory_space<hbm>>
      %dma_wait3A_114 = tpu.memref_squeeze %dma_wait3A_113 : memref<1x10112x64xf32, #tpu.memory_space<hbm>> -> memref<10112x64xf32, #tpu.memory_space<hbm>>
      %dma_wait3A_115 = arith.constant 0 : i32
      %dma_wait3A_116 = arith.constant 0 : i32
      %dma_wait3A_117 = tpu.memref_slice %dma_wait3A_114[%dma_wait3A_115, %dma_wait3A_116] : memref<10112x64xf32, #tpu.memory_space<hbm>> -> memref<128x64xf32, #tpu.memory_space<hbm>>
      tpu.wait_dma2 semaphore(%arg15 : memref<!tpu.dma_semaphore, #tpu.memory_space<semaphore_mem>>) src(%dma_wait3A_117 : memref<128x64xf32, #tpu.memory_space<hbm>>) dst(%arg10 : memref<128x64xf32, #tpu.memory_space<vmem>>)
      "tpu.region"() ({
        %run_scoped3A = tpu.sem_alloc : memref<!tpu.dma_semaphore, #tpu.memory_space<semaphore_mem>>
        %dma_start3A_150 = arith.constant 0 : i32
        %dma_start3A_151 = tpu.memref_slice %arg7[%add3A_103, %dma_start3A_150] : memref<160x128xi32, #tpu.memory_space<vmem>> -> memref<1x128xi32, #tpu.memory_space<vmem>>
        %dma_start3A_152 = tpu.memref_squeeze %dma_start3A_151 : memref<1x128xi32, #tpu.memory_space<vmem>> -> memref<128xi32, #tpu.memory_space<vmem>>
        %dma_start3A_153 = arith.constant 0 : i32
        %dma_start3A_154 = arith.constant 0 : i32
        %dma_start3A_155 = tpu.memref_slice %arg12[%dma_start3A_153, %dma_start3A_154] : memref<10112x64xf32, #tpu.memory_space<vmem_shared>> -> memref<10112x64xf32, #tpu.memory_space<vmem_shared>>
        tpu.enqueue_indirect_dma source(%arg10 : memref<128x64xf32, #tpu.memory_space<vmem>>) target(%dma_start3A_155 : memref<10112x64xf32, #tpu.memory_space<vmem_shared>>) offsets(%dma_start3A_152 : memref<128xi32, #tpu.memory_space<vmem>>) semaphore(%run_scoped3A : memref<!tpu.dma_semaphore, #tpu.memory_space<semaphore_mem>>) {add = true}
        %dma_wait3A_156 = arith.constant 0 : i32
        %dma_wait3A_157 = tpu.memref_slice %arg7[%add3A_103, %dma_wait3A_156] : memref<160x128xi32, #tpu.memory_space<vmem>> -> memref<1x128xi32, #tpu.memory_space<vmem>>
        %dma_wait3A_158 = tpu.memref_squeeze %dma_wait3A_157 : memref<1x128xi32, #tpu.memory_space<vmem>> -> memref<128xi32, #tpu.memory_space<vmem>>
        %dma_wait3A_159 = arith.constant 0 : i32
        %dma_wait3A_160 = arith.constant 0 : i32
        %dma_wait3A_161 = tpu.memref_slice %arg12[%dma_wait3A_159, %dma_wait3A_160] : memref<10112x64xf32, #tpu.memory_space<vmem_shared>> -> memref<10112x64xf32, #tpu.memory_space<vmem_shared>>
        tpu.wait_indirect_dma semaphore(%run_scoped3A : memref<!tpu.dma_semaphore, #tpu.memory_space<semaphore_mem>>) src(%arg10 : memref<128x64xf32, #tpu.memory_space<vmem>>) dst(%dma_wait3A_161 : memref<10112x64xf32, #tpu.memory_space<vmem_shared>>)
        tpu.yield
      }) : () -> ()
      %add3A_118 = arith.constant 4 : i32
      %add3A_119 = arith.addi %add3A_103, %add3A_118 : i32
      %lt3A_120 = arith.constant 160 : i32
      %lt3A_121 = arith.cmpi slt, %add3A_119, %lt3A_120 : i32
      %convert_element_type3A_122 = arith.extui %lt3A_121 : i1 to i32
      %cond3A_123 = arith.constant 0 : i32
      %cond3A_124 = arith.cmpi ne, %convert_element_type3A_122, %cond3A_123 : i32
      scf.if %cond3A_124 {
        %add3A_150 = arith.constant 4 : i32
        %add3A_151 = arith.addi %add3A_103, %add3A_150 : i32
        %dma_start3A_152 = arith.constant 0 : i32
        %dma_start3A_153 = tpu.memref_slice %arg6[%add3A_151, %dma_start3A_152] : memref<160x128xi32, #tpu.memory_space<vmem>> -> memref<1x128xi32, #tpu.memory_space<vmem>>
        %dma_start3A_154 = tpu.memref_squeeze %dma_start3A_153 : memref<1x128xi32, #tpu.memory_space<vmem>> -> memref<128xi32, #tpu.memory_space<vmem>>
        %dma_start3A_155 = arith.constant 0 : i32
        %dma_start3A_156 = arith.constant 0 : i32
        %dma_start3A_157 = tpu.memref_slice %arg2[%arg0, %dma_start3A_155, %dma_start3A_156] : memref<2x10112x64xf32, #tpu.memory_space<hbm>> -> memref<1x10112x64xf32, #tpu.memory_space<hbm>>
        %dma_start3A_158 = tpu.memref_squeeze %dma_start3A_157 : memref<1x10112x64xf32, #tpu.memory_space<hbm>> -> memref<10112x64xf32, #tpu.memory_space<hbm>>
        %dma_start3A_159 = arith.constant 0 : i32
        %dma_start3A_160 = arith.constant 0 : i32
        %dma_start3A_161 = tpu.memref_slice %dma_start3A_158[%dma_start3A_159, %dma_start3A_160] : memref<10112x64xf32, #tpu.memory_space<hbm>> -> memref<10112x64xf32, #tpu.memory_space<hbm>>
        tpu.enqueue_indirect_dma source(%dma_start3A_161 : memref<10112x64xf32, #tpu.memory_space<hbm>>) target(%arg10 : memref<128x64xf32, #tpu.memory_space<vmem>>) offsets(%dma_start3A_154 : memref<128xi32, #tpu.memory_space<vmem>>) semaphore(%arg15 : memref<!tpu.dma_semaphore, #tpu.memory_space<semaphore_mem>>)
      } else {
      }
      %mul3A_125 = arith.constant 4 : i32
      %mul3A_126 = arith.muli %mul3A_125, %scan3A_54 : i32
      %add3A_127 = arith.constant 3 : i32
      %add3A_128 = arith.addi %mul3A_126, %add3A_127 : i32
      %dma_wait3A_129 = arith.constant 0 : i32
      %dma_wait3A_130 = arith.constant 0 : i32
      %dma_wait3A_131 = tpu.memref_slice %arg2[%arg0, %dma_wait3A_129, %dma_wait3A_130] : memref<2x10112x64xf32, #tpu.memory_space<hbm>> -> memref<1x10112x64xf32, #tpu.memory_space<hbm>>
      %dma_wait3A_132 = tpu.memref_squeeze %dma_wait3A_131 : memref<1x10112x64xf32, #tpu.memory_space<hbm>> -> memref<10112x64xf32, #tpu.memory_space<hbm>>
      %dma_wait3A_133 = arith.constant 0 : i32
      %dma_wait3A_134 = arith.constant 0 : i32
      %dma_wait3A_135 = tpu.memref_slice %dma_wait3A_132[%dma_wait3A_133, %dma_wait3A_134] : memref<10112x64xf32, #tpu.memory_space<hbm>> -> memref<128x64xf32, #tpu.memory_space<hbm>>
      %dma_wait3A_136 = arith.constant 0 : i32
      %dma_wait3A_137 = arith.constant 0 : i32
      %dma_wait3A_138 = tpu.memref_slice %arg2[%arg0, %dma_wait3A_136, %dma_wait3A_137] : memref<2x10112x64xf32, #tpu.memory_space<hbm>> -> memref<1x10112x64xf32, #tpu.memory_space<hbm>>
      %dma_wait3A_139 = tpu.memref_squeeze %dma_wait3A_138 : memref<1x10112x64xf32, #tpu.memory_space<hbm>> -> memref<10112x64xf32, #tpu.memory_space<hbm>>
      %dma_wait3A_140 = arith.constant 0 : i32
      %dma_wait3A_141 = arith.constant 0 : i32
      %dma_wait3A_142 = tpu.memref_slice %dma_wait3A_139[%dma_wait3A_140, %dma_wait3A_141] : memref<10112x64xf32, #tpu.memory_space<hbm>> -> memref<128x64xf32, #tpu.memory_space<hbm>>
      tpu.wait_dma2 semaphore(%arg16 : memref<!tpu.dma_semaphore, #tpu.memory_space<semaphore_mem>>) src(%dma_wait3A_142 : memref<128x64xf32, #tpu.memory_space<hbm>>) dst(%arg11 : memref<128x64xf32, #tpu.memory_space<vmem>>)
      "tpu.region"() ({
        %run_scoped3A = tpu.sem_alloc : memref<!tpu.dma_semaphore, #tpu.memory_space<semaphore_mem>>
        %dma_start3A_150 = arith.constant 0 : i32
        %dma_start3A_151 = tpu.memref_slice %arg7[%add3A_128, %dma_start3A_150] : memref<160x128xi32, #tpu.memory_space<vmem>> -> memref<1x128xi32, #tpu.memory_space<vmem>>
        %dma_start3A_152 = tpu.memref_squeeze %dma_start3A_151 : memref<1x128xi32, #tpu.memory_space<vmem>> -> memref<128xi32, #tpu.memory_space<vmem>>
        %dma_start3A_153 = arith.constant 0 : i32
        %dma_start3A_154 = arith.constant 0 : i32
        %dma_start3A_155 = tpu.memref_slice %arg12[%dma_start3A_153, %dma_start3A_154] : memref<10112x64xf32, #tpu.memory_space<vmem_shared>> -> memref<10112x64xf32, #tpu.memory_space<vmem_shared>>
        tpu.enqueue_indirect_dma source(%arg11 : memref<128x64xf32, #tpu.memory_space<vmem>>) target(%dma_start3A_155 : memref<10112x64xf32, #tpu.memory_space<vmem_shared>>) offsets(%dma_start3A_152 : memref<128xi32, #tpu.memory_space<vmem>>) semaphore(%run_scoped3A : memref<!tpu.dma_semaphore, #tpu.memory_space<semaphore_mem>>) {add = true}
        %dma_wait3A_156 = arith.constant 0 : i32
        %dma_wait3A_157 = tpu.memref_slice %arg7[%add3A_128, %dma_wait3A_156] : memref<160x128xi32, #tpu.memory_space<vmem>> -> memref<1x128xi32, #tpu.memory_space<vmem>>
        %dma_wait3A_158 = tpu.memref_squeeze %dma_wait3A_157 : memref<1x128xi32, #tpu.memory_space<vmem>> -> memref<128xi32, #tpu.memory_space<vmem>>
        %dma_wait3A_159 = arith.constant 0 : i32
        %dma_wait3A_160 = arith.constant 0 : i32
        %dma_wait3A_161 = tpu.memref_slice %arg12[%dma_wait3A_159, %dma_wait3A_160] : memref<10112x64xf32, #tpu.memory_space<vmem_shared>> -> memref<10112x64xf32, #tpu.memory_space<vmem_shared>>
        tpu.wait_indirect_dma semaphore(%run_scoped3A : memref<!tpu.dma_semaphore, #tpu.memory_space<semaphore_mem>>) src(%arg11 : memref<128x64xf32, #tpu.memory_space<vmem>>) dst(%dma_wait3A_161 : memref<10112x64xf32, #tpu.memory_space<vmem_shared>>)
        tpu.yield
      }) : () -> ()
      %add3A_143 = arith.constant 4 : i32
      %add3A_144 = arith.addi %add3A_128, %add3A_143 : i32
      %lt3A_145 = arith.constant 160 : i32
      %lt3A_146 = arith.cmpi slt, %add3A_144, %lt3A_145 : i32
      %convert_element_type3A_147 = arith.extui %lt3A_146 : i1 to i32
      %cond3A_148 = arith.constant 0 : i32
      %cond3A_149 = arith.cmpi ne, %convert_element_type3A_147, %cond3A_148 : i32
      scf.if %cond3A_149 {
        %add3A_150 = arith.constant 4 : i32
        %add3A_151 = arith.addi %add3A_128, %add3A_150 : i32
        %dma_start3A_152 = arith.constant 0 : i32
        %dma_start3A_153 = tpu.memref_slice %arg6[%add3A_151, %dma_start3A_152] : memref<160x128xi32, #tpu.memory_space<vmem>> -> memref<1x128xi32, #tpu.memory_space<vmem>>
        %dma_start3A_154 = tpu.memref_squeeze %dma_start3A_153 : memref<1x128xi32, #tpu.memory_space<vmem>> -> memref<128xi32, #tpu.memory_space<vmem>>
        %dma_start3A_155 = arith.constant 0 : i32
        %dma_start3A_156 = arith.constant 0 : i32
        %dma_start3A_157 = tpu.memref_slice %arg2[%arg0, %dma_start3A_155, %dma_start3A_156] : memref<2x10112x64xf32, #tpu.memory_space<hbm>> -> memref<1x10112x64xf32, #tpu.memory_space<hbm>>
        %dma_start3A_158 = tpu.memref_squeeze %dma_start3A_157 : memref<1x10112x64xf32, #tpu.memory_space<hbm>> -> memref<10112x64xf32, #tpu.memory_space<hbm>>
        %dma_start3A_159 = arith.constant 0 : i32
        %dma_start3A_160 = arith.constant 0 : i32
        %dma_start3A_161 = tpu.memref_slice %dma_start3A_158[%dma_start3A_159, %dma_start3A_160] : memref<10112x64xf32, #tpu.memory_space<hbm>> -> memref<10112x64xf32, #tpu.memory_space<hbm>>
        tpu.enqueue_indirect_dma source(%dma_start3A_161 : memref<10112x64xf32, #tpu.memory_space<hbm>>) target(%arg11 : memref<128x64xf32, #tpu.memory_space<vmem>>) offsets(%dma_start3A_154 : memref<128xi32, #tpu.memory_space<vmem>>) semaphore(%arg16 : memref<!tpu.dma_semaphore, #tpu.memory_space<semaphore_mem>>)
      } else {
      }
    }
    %scan3A_52 = arith.constant 40 : i32
    %barrier3A_53 = arith.constant 0 : index
    tpu.barrier barrier_id(%barrier3A_53)
    "tpu.region"() ({
      %run_scoped3A = tpu.sem_alloc : memref<!tpu.dma_semaphore, #tpu.memory_space<semaphore_mem>>
      %dma_start3A_54 = arith.constant 0 : i32
      %dma_start3A_55 = tpu.memref_slice %arg5[%arg0, %mul3A_4, %dma_start3A_54] : memref<2x10112x64xf32, #tpu.memory_space<hbm>> -> memref<1x632x64xf32, #tpu.memory_space<hbm>>
      %dma_start3A_56 = tpu.memref_squeeze %dma_start3A_55 : memref<1x632x64xf32, #tpu.memory_space<hbm>> -> memref<632x64xf32, #tpu.memory_space<hbm>>
      %dma_start3A_57 = arith.constant 0 : i32
      %dma_start3A_58 = tpu.memref_slice %arg12[%mul3A_4, %dma_start3A_57] : memref<10112x64xf32, #tpu.memory_space<vmem_shared>> -> memref<632x64xf32, #tpu.memory_space<vmem_shared>>
      tpu.enqueue_dma source(%dma_start3A_58 : memref<632x64xf32, #tpu.memory_space<vmem_shared>>) target(%dma_start3A_56 : memref<632x64xf32, #tpu.memory_space<hbm>>) target_semaphore(%run_scoped3A : memref<!tpu.dma_semaphore, #tpu.memory_space<semaphore_mem>>)
      %dma_wait3A = arith.constant 0 : i32
      %dma_wait3A_59 = tpu.memref_slice %arg5[%arg0, %mul3A_4, %dma_wait3A] : memref<2x10112x64xf32, #tpu.memory_space<hbm>> -> memref<1x632x64xf32, #tpu.memory_space<hbm>>
      %dma_wait3A_60 = tpu.memref_squeeze %dma_wait3A_59 : memref<1x632x64xf32, #tpu.memory_space<hbm>> -> memref<632x64xf32, #tpu.memory_space<hbm>>
      %dma_wait3A_61 = arith.constant 0 : i32
      %dma_wait3A_62 = tpu.memref_slice %arg12[%mul3A_4, %dma_wait3A_61] : memref<10112x64xf32, #tpu.memory_space<vmem_shared>> -> memref<632x64xf32, #tpu.memory_space<vmem_shared>>
      tpu.wait_dma2 semaphore(%run_scoped3A : memref<!tpu.dma_semaphore, #tpu.memory_space<semaphore_mem>>) src(%dma_wait3A_62 : memref<632x64xf32, #tpu.memory_space<vmem_shared>>) dst(%dma_wait3A_60 : memref<632x64xf32, #tpu.memory_space<hbm>>)
      tpu.yield
    }) : () -> ()
    return
  }
}

#map = affine_map<(d0, d1) -> (0, 0, 0)>
#map1 = affine_map<(d0, d1) -> (0, 0)>
module attributes {stable_mosaic.version = 14 : i64} {
  func.func @_sc_edge_agg(%arg0: i32, %arg1: i32, %arg2: memref<2x10112x64xf32, #tpu.memory_space<hbm>>, %arg3: memref<2560x128xi32, #tpu.memory_space<hbm>>, %arg4: memref<2560x128xi32, #tpu.memory_space<hbm>>, %arg5: memref<2x10112x64xf32, #tpu.memory_space<hbm>>, %arg6: memref<160x128xi32, #tpu.memory_space<vmem>>, %arg7: memref<160x128xi32, #tpu.memory_space<vmem>>, %arg8: memref<128x64xf32, #tpu.memory_space<vmem>>, %arg9: memref<128x64xf32, #tpu.memory_space<vmem>>, %arg10: memref<128x64xf32, #tpu.memory_space<vmem>>, %arg11: memref<128x64xf32, #tpu.memory_space<vmem>>, %arg12: memref<10112x64xf32, #tpu.memory_space<vmem_shared>>, %arg13: memref<!tpu.dma_semaphore, #tpu.memory_space<semaphore_mem>>, %arg14: memref<!tpu.dma_semaphore, #tpu.memory_space<semaphore_mem>>, %arg15: memref<!tpu.dma_semaphore, #tpu.memory_space<semaphore_mem>>, %arg16: memref<!tpu.dma_semaphore, #tpu.memory_space<semaphore_mem>>) attributes {dimension_semantics = [#tpu.dimension_semantics<core_parallel>, #tpu.dimension_semantics<subcore_parallel>], iteration_bounds = array<i64: 2, 16>, scalar_prefetch = 0 : i64, scratch_operands = 11 : i64, tpu.core_type = #tpu.core_type<sc_vector_subcore>, window_params = [{transform_indices = #map}, {transform_indices = #map1}, {transform_indices = #map1}, {transform_indices = #map}]} {
    %mul3A = arith.constant 160 : i32
    %mul3A_0 = arith.muli %arg1, %mul3A : i32
    "tpu.region"() ({
      %run_scoped3A = tpu.sem_alloc : memref<!tpu.dma_semaphore, #tpu.memory_space<semaphore_mem>>
      %dma_start3A_54 = arith.constant 0 : i32
      %dma_start3A_55 = tpu.memref_slice %arg3[%mul3A_0, %dma_start3A_54] : memref<2560x128xi32, #tpu.memory_space<hbm>> -> memref<160x128xi32, #tpu.memory_space<hbm>>
      %dma_start3A_56 = arith.constant 0 : i32
      %dma_start3A_57 = tpu.memref_slice %arg3[%mul3A_0, %dma_start3A_56] : memref<2560x128xi32, #tpu.memory_space<hbm>> -> memref<160x128xi32, #tpu.memory_space<hbm>>
      tpu.enqueue_dma source(%dma_start3A_57 : memref<160x128xi32, #tpu.memory_space<hbm>>) target(%arg6 : memref<160x128xi32, #tpu.memory_space<vmem>>) target_semaphore(%run_scoped3A : memref<!tpu.dma_semaphore, #tpu.memory_space<semaphore_mem>>)
      %dma_wait3A = arith.constant 0 : i32
      %dma_wait3A_58 = tpu.memref_slice %arg3[%mul3A_0, %dma_wait3A] : memref<2560x128xi32, #tpu.memory_space<hbm>> -> memref<160x128xi32, #tpu.memory_space<hbm>>
      %dma_wait3A_59 = arith.constant 0 : i32
      %dma_wait3A_60 = tpu.memref_slice %arg3[%mul3A_0, %dma_wait3A_59] : memref<2560x128xi32, #tpu.memory_space<hbm>> -> memref<160x128xi32, #tpu.memory_space<hbm>>
      tpu.wait_dma2 semaphore(%run_scoped3A : memref<!tpu.dma_semaphore, #tpu.memory_space<semaphore_mem>>) src(%dma_wait3A_60 : memref<160x128xi32, #tpu.memory_space<hbm>>) dst(%arg6 : memref<160x128xi32, #tpu.memory_space<vmem>>)
      tpu.yield
    }) : () -> ()
    %mul3A_1 = arith.constant 160 : i32
    %mul3A_2 = arith.muli %arg1, %mul3A_1 : i32
    "tpu.region"() ({
      %run_scoped3A = tpu.sem_alloc : memref<!tpu.dma_semaphore, #tpu.memory_space<semaphore_mem>>
      %dma_start3A_54 = arith.constant 0 : i32
      %dma_start3A_55 = tpu.memref_slice %arg4[%mul3A_2, %dma_start3A_54] : memref<2560x128xi32, #tpu.memory_space<hbm>> -> memref<160x128xi32, #tpu.memory_space<hbm>>
      %dma_start3A_56 = arith.constant 0 : i32
      %dma_start3A_57 = tpu.memref_slice %arg4[%mul3A_2, %dma_start3A_56] : memref<2560x128xi32, #tpu.memory_space<hbm>> -> memref<160x128xi32, #tpu.memory_space<hbm>>
      tpu.enqueue_dma source(%dma_start3A_57 : memref<160x128xi32, #tpu.memory_space<hbm>>) target(%arg7 : memref<160x128xi32, #tpu.memory_space<vmem>>) target_semaphore(%run_scoped3A : memref<!tpu.dma_semaphore, #tpu.memory_space<semaphore_mem>>)
      %dma_wait3A = arith.constant 0 : i32
      %dma_wait3A_58 = tpu.memref_slice %arg4[%mul3A_2, %dma_wait3A] : memref<2560x128xi32, #tpu.memory_space<hbm>> -> memref<160x128xi32, #tpu.memory_space<hbm>>
      %dma_wait3A_59 = arith.constant 0 : i32
      %dma_wait3A_60 = tpu.memref_slice %arg4[%mul3A_2, %dma_wait3A_59] : memref<2560x128xi32, #tpu.memory_space<hbm>> -> memref<160x128xi32, #tpu.memory_space<hbm>>
      tpu.wait_dma2 semaphore(%run_scoped3A : memref<!tpu.dma_semaphore, #tpu.memory_space<semaphore_mem>>) src(%dma_wait3A_60 : memref<160x128xi32, #tpu.memory_space<hbm>>) dst(%arg7 : memref<160x128xi32, #tpu.memory_space<vmem>>)
      tpu.yield
    }) : () -> ()
    %mul3A_3 = arith.constant 632 : i32
    %mul3A_4 = arith.muli %arg1, %mul3A_3 : i32
    "tpu.region"() ({
      %run_scoped3A = tpu.sem_alloc : memref<!tpu.dma_semaphore, #tpu.memory_space<semaphore_mem>>
      %dma_start3A_54 = arith.constant 0 : i32
      %dma_start3A_55 = tpu.memref_slice %arg12[%mul3A_4, %dma_start3A_54] : memref<10112x64xf32, #tpu.memory_space<vmem_shared>> -> memref<632x64xf32, #tpu.memory_space<vmem_shared>>
      %dma_start3A_56 = arith.constant 0 : i32
      %dma_start3A_57 = arith.constant 0 : i32
      %dma_start3A_58 = tpu.memref_slice %arg2[%arg0, %dma_start3A_56, %dma_start3A_57] : memref<2x10112x64xf32, #tpu.memory_space<hbm>> -> memref<1x10112x64xf32, #tpu.memory_space<hbm>>
      %dma_start3A_59 = tpu.memref_squeeze %dma_start3A_58 : memref<1x10112x64xf32, #tpu.memory_space<hbm>> -> memref<10112x64xf32, #tpu.memory_space<hbm>>
      %dma_start3A_60 = arith.constant 0 : i32
      %dma_start3A_61 = tpu.memref_slice %dma_start3A_59[%mul3A_4, %dma_start3A_60] : memref<10112x64xf32, #tpu.memory_space<hbm>> -> memref<632x64xf32, #tpu.memory_space<hbm>>
      tpu.enqueue_dma source(%dma_start3A_61 : memref<632x64xf32, #tpu.memory_space<hbm>>) target(%dma_start3A_55 : memref<632x64xf32, #tpu.memory_space<vmem_shared>>) target_semaphore(%run_scoped3A : memref<!tpu.dma_semaphore, #tpu.memory_space<semaphore_mem>>)
      %dma_wait3A = arith.constant 0 : i32
      %dma_wait3A_62 = tpu.memref_slice %arg12[%mul3A_4, %dma_wait3A] : memref<10112x64xf32, #tpu.memory_space<vmem_shared>> -> memref<632x64xf32, #tpu.memory_space<vmem_shared>>
      %dma_wait3A_63 = arith.constant 0 : i32
      %dma_wait3A_64 = arith.constant 0 : i32
      %dma_wait3A_65 = tpu.memref_slice %arg2[%arg0, %dma_wait3A_63, %dma_wait3A_64] : memref<2x10112x64xf32, #tpu.memory_space<hbm>> -> memref<1x10112x64xf32, #tpu.memory_space<hbm>>
      %dma_wait3A_66 = tpu.memref_squeeze %dma_wait3A_65 : memref<1x10112x64xf32, #tpu.memory_space<hbm>> -> memref<10112x64xf32, #tpu.memory_space<hbm>>
      %dma_wait3A_67 = arith.constant 0 : i32
      %dma_wait3A_68 = tpu.memref_slice %dma_wait3A_66[%mul3A_4, %dma_wait3A_67] : memref<10112x64xf32, #tpu.memory_space<hbm>> -> memref<632x64xf32, #tpu.memory_space<hbm>>
      tpu.wait_dma2 semaphore(%run_scoped3A : memref<!tpu.dma_semaphore, #tpu.memory_space<semaphore_mem>>) src(%dma_wait3A_68 : memref<632x64xf32, #tpu.memory_space<hbm>>) dst(%dma_wait3A_62 : memref<632x64xf32, #tpu.memory_space<vmem_shared>>)
      tpu.yield
    }) : () -> ()
    %barrier3A = arith.constant 0 : index
    tpu.barrier barrier_id(%barrier3A)
    %dma_start3A = arith.constant 0 : i32
    %dma_start3A_5 = arith.constant 0 : i32
    %dma_start3A_6 = tpu.memref_slice %arg6[%dma_start3A, %dma_start3A_5] : memref<160x128xi32, #tpu.memory_space<vmem>> -> memref<1x128xi32, #tpu.memory_space<vmem>>
    %dma_start3A_7 = tpu.memref_squeeze %dma_start3A_6 : memref<1x128xi32, #tpu.memory_space<vmem>> -> memref<128xi32, #tpu.memory_space<vmem>>
    %dma_start3A_8 = arith.constant 0 : i32
    %dma_start3A_9 = arith.constant 0 : i32
    %dma_start3A_10 = tpu.memref_slice %arg2[%arg0, %dma_start3A_8, %dma_start3A_9] : memref<2x10112x64xf32, #tpu.memory_space<hbm>> -> memref<1x10112x64xf32, #tpu.memory_space<hbm>>
    %dma_start3A_11 = tpu.memref_squeeze %dma_start3A_10 : memref<1x10112x64xf32, #tpu.memory_space<hbm>> -> memref<10112x64xf32, #tpu.memory_space<hbm>>
    %dma_start3A_12 = arith.constant 0 : i32
    %dma_start3A_13 = arith.constant 0 : i32
    %dma_start3A_14 = tpu.memref_slice %dma_start3A_11[%dma_start3A_12, %dma_start3A_13] : memref<10112x64xf32, #tpu.memory_space<hbm>> -> memref<10112x64xf32, #tpu.memory_space<hbm>>
    tpu.enqueue_indirect_dma source(%dma_start3A_14 : memref<10112x64xf32, #tpu.memory_space<hbm>>) target(%arg8 : memref<128x64xf32, #tpu.memory_space<vmem>>) offsets(%dma_start3A_7 : memref<128xi32, #tpu.memory_space<vmem>>) semaphore(%arg13 : memref<!tpu.dma_semaphore, #tpu.memory_space<semaphore_mem>>)
    %dma_start3A_15 = arith.constant 1 : i32
    %dma_start3A_16 = arith.constant 0 : i32
    %dma_start3A_17 = tpu.memref_slice %arg6[%dma_start3A_15, %dma_start3A_16] : memref<160x128xi32, #tpu.memory_space<vmem>> -> memref<1x128xi32, #tpu.memory_space<vmem>>
    %dma_start3A_18 = tpu.memref_squeeze %dma_start3A_17 : memref<1x128xi32, #tpu.memory_space<vmem>> -> memref<128xi32, #tpu.memory_space<vmem>>
    %dma_start3A_19 = arith.constant 0 : i32
    %dma_start3A_20 = arith.constant 0 : i32
    %dma_start3A_21 = tpu.memref_slice %arg2[%arg0, %dma_start3A_19, %dma_start3A_20] : memref<2x10112x64xf32, #tpu.memory_space<hbm>> -> memref<1x10112x64xf32, #tpu.memory_space<hbm>>
    %dma_start3A_22 = tpu.memref_squeeze %dma_start3A_21 : memref<1x10112x64xf32, #tpu.memory_space<hbm>> -> memref<10112x64xf32, #tpu.memory_space<hbm>>
    %dma_start3A_23 = arith.constant 0 : i32
    %dma_start3A_24 = arith.constant 0 : i32
    %dma_start3A_25 = tpu.memref_slice %dma_start3A_22[%dma_start3A_23, %dma_start3A_24] : memref<10112x64xf32, #tpu.memory_space<hbm>> -> memref<10112x64xf32, #tpu.memory_space<hbm>>
    tpu.enqueue_indirect_dma source(%dma_start3A_25 : memref<10112x64xf32, #tpu.memory_space<hbm>>) target(%arg9 : memref<128x64xf32, #tpu.memory_space<vmem>>) offsets(%dma_start3A_18 : memref<128xi32, #tpu.memory_space<vmem>>) semaphore(%arg14 : memref<!tpu.dma_semaphore, #tpu.memory_space<semaphore_mem>>)
    %dma_start3A_26 = arith.constant 2 : i32
    %dma_start3A_27 = arith.constant 0 : i32
    %dma_start3A_28 = tpu.memref_slice %arg6[%dma_start3A_26, %dma_start3A_27] : memref<160x128xi32, #tpu.memory_space<vmem>> -> memref<1x128xi32, #tpu.memory_space<vmem>>
    %dma_start3A_29 = tpu.memref_squeeze %dma_start3A_28 : memref<1x128xi32, #tpu.memory_space<vmem>> -> memref<128xi32, #tpu.memory_space<vmem>>
    %dma_start3A_30 = arith.constant 0 : i32
    %dma_start3A_31 = arith.constant 0 : i32
    %dma_start3A_32 = tpu.memref_slice %arg2[%arg0, %dma_start3A_30, %dma_start3A_31] : memref<2x10112x64xf32, #tpu.memory_space<hbm>> -> memref<1x10112x64xf32, #tpu.memory_space<hbm>>
    %dma_start3A_33 = tpu.memref_squeeze %dma_start3A_32 : memref<1x10112x64xf32, #tpu.memory_space<hbm>> -> memref<10112x64xf32, #tpu.memory_space<hbm>>
    %dma_start3A_34 = arith.constant 0 : i32
    %dma_start3A_35 = arith.constant 0 : i32
    %dma_start3A_36 = tpu.memref_slice %dma_start3A_33[%dma_start3A_34, %dma_start3A_35] : memref<10112x64xf32, #tpu.memory_space<hbm>> -> memref<10112x64xf32, #tpu.memory_space<hbm>>
    tpu.enqueue_indirect_dma source(%dma_start3A_36 : memref<10112x64xf32, #tpu.memory_space<hbm>>) target(%arg10 : memref<128x64xf32, #tpu.memory_space<vmem>>) offsets(%dma_start3A_29 : memref<128xi32, #tpu.memory_space<vmem>>) semaphore(%arg15 : memref<!tpu.dma_semaphore, #tpu.memory_space<semaphore_mem>>)
    %dma_start3A_37 = arith.constant 3 : i32
    %dma_start3A_38 = arith.constant 0 : i32
    %dma_start3A_39 = tpu.memref_slice %arg6[%dma_start3A_37, %dma_start3A_38] : memref<160x128xi32, #tpu.memory_space<vmem>> -> memref<1x128xi32, #tpu.memory_space<vmem>>
    %dma_start3A_40 = tpu.memref_squeeze %dma_start3A_39 : memref<1x128xi32, #tpu.memory_space<vmem>> -> memref<128xi32, #tpu.memory_space<vmem>>
    %dma_start3A_41 = arith.constant 0 : i32
    %dma_start3A_42 = arith.constant 0 : i32
    %dma_start3A_43 = tpu.memref_slice %arg2[%arg0, %dma_start3A_41, %dma_start3A_42] : memref<2x10112x64xf32, #tpu.memory_space<hbm>> -> memref<1x10112x64xf32, #tpu.memory_space<hbm>>
    %dma_start3A_44 = tpu.memref_squeeze %dma_start3A_43 : memref<1x10112x64xf32, #tpu.memory_space<hbm>> -> memref<10112x64xf32, #tpu.memory_space<hbm>>
    %dma_start3A_45 = arith.constant 0 : i32
    %dma_start3A_46 = arith.constant 0 : i32
    %dma_start3A_47 = tpu.memref_slice %dma_start3A_44[%dma_start3A_45, %dma_start3A_46] : memref<10112x64xf32, #tpu.memory_space<hbm>> -> memref<10112x64xf32, #tpu.memory_space<hbm>>
    tpu.enqueue_indirect_dma source(%dma_start3A_47 : memref<10112x64xf32, #tpu.memory_space<hbm>>) target(%arg11 : memref<128x64xf32, #tpu.memory_space<vmem>>) offsets(%dma_start3A_40 : memref<128xi32, #tpu.memory_space<vmem>>) semaphore(%arg16 : memref<!tpu.dma_semaphore, #tpu.memory_space<semaphore_mem>>)
    %scan3A = arith.constant 0 : i32
    %scan3A_48 = arith.constant 0 : i32
    %scan3A_49 = arith.constant 40 : i32
    %scan3A_50 = arith.addi %scan3A_48, %scan3A_49 : i32
    %scan3A_51 = arith.constant 1 : i32
    scf.for %scan3A_54 = %scan3A_48 to %scan3A_50 step %scan3A_51  : i32 {
      %mul3A_55 = arith.constant 4 : i32
      %mul3A_56 = arith.muli %mul3A_55, %scan3A_54 : i32
      %add3A = arith.constant 0 : i32
      %add3A_57 = arith.addi %mul3A_56, %add3A : i32
      %dma_wait3A = arith.constant 0 : i32
      %dma_wait3A_58 = arith.constant 0 : i32
      %dma_wait3A_59 = tpu.memref_slice %arg2[%arg0, %dma_wait3A, %dma_wait3A_58] : memref<2x10112x64xf32, #tpu.memory_space<hbm>> -> memref<1x10112x64xf32, #tpu.memory_space<hbm>>
      %dma_wait3A_60 = tpu.memref_squeeze %dma_wait3A_59 : memref<1x10112x64xf32, #tpu.memory_space<hbm>> -> memref<10112x64xf32, #tpu.memory_space<hbm>>
      %dma_wait3A_61 = arith.constant 0 : i32
      %dma_wait3A_62 = arith.constant 0 : i32
      %dma_wait3A_63 = tpu.memref_slice %dma_wait3A_60[%dma_wait3A_61, %dma_wait3A_62] : memref<10112x64xf32, #tpu.memory_space<hbm>> -> memref<128x64xf32, #tpu.memory_space<hbm>>
      %dma_wait3A_64 = arith.constant 0 : i32
      %dma_wait3A_65 = arith.constant 0 : i32
      %dma_wait3A_66 = tpu.memref_slice %arg2[%arg0, %dma_wait3A_64, %dma_wait3A_65] : memref<2x10112x64xf32, #tpu.memory_space<hbm>> -> memref<1x10112x64xf32, #tpu.memory_space<hbm>>
      %dma_wait3A_67 = tpu.memref_squeeze %dma_wait3A_66 : memref<1x10112x64xf32, #tpu.memory_space<hbm>> -> memref<10112x64xf32, #tpu.memory_space<hbm>>
      %dma_wait3A_68 = arith.constant 0 : i32
      %dma_wait3A_69 = arith.constant 0 : i32
      %dma_wait3A_70 = tpu.memref_slice %dma_wait3A_67[%dma_wait3A_68, %dma_wait3A_69] : memref<10112x64xf32, #tpu.memory_space<hbm>> -> memref<128x64xf32, #tpu.memory_space<hbm>>
      tpu.wait_dma2 semaphore(%arg13 : memref<!tpu.dma_semaphore, #tpu.memory_space<semaphore_mem>>) src(%dma_wait3A_70 : memref<128x64xf32, #tpu.memory_space<hbm>>) dst(%arg8 : memref<128x64xf32, #tpu.memory_space<vmem>>)
      "tpu.region"() ({
        %run_scoped3A = tpu.sem_alloc : memref<!tpu.dma_semaphore, #tpu.memory_space<semaphore_mem>>
        %dma_start3A_150 = arith.constant 0 : i32
        %dma_start3A_151 = tpu.memref_slice %arg7[%add3A_57, %dma_start3A_150] : memref<160x128xi32, #tpu.memory_space<vmem>> -> memref<1x128xi32, #tpu.memory_space<vmem>>
        %dma_start3A_152 = tpu.memref_squeeze %dma_start3A_151 : memref<1x128xi32, #tpu.memory_space<vmem>> -> memref<128xi32, #tpu.memory_space<vmem>>
        %dma_start3A_153 = arith.constant 0 : i32
        %dma_start3A_154 = arith.constant 0 : i32
        %dma_start3A_155 = tpu.memref_slice %arg12[%dma_start3A_153, %dma_start3A_154] : memref<10112x64xf32, #tpu.memory_space<vmem_shared>> -> memref<10112x64xf32, #tpu.memory_space<vmem_shared>>
        tpu.enqueue_indirect_dma source(%arg8 : memref<128x64xf32, #tpu.memory_space<vmem>>) target(%dma_start3A_155 : memref<10112x64xf32, #tpu.memory_space<vmem_shared>>) offsets(%dma_start3A_152 : memref<128xi32, #tpu.memory_space<vmem>>) semaphore(%run_scoped3A : memref<!tpu.dma_semaphore, #tpu.memory_space<semaphore_mem>>) {add = true}
        %dma_wait3A_156 = arith.constant 0 : i32
        %dma_wait3A_157 = tpu.memref_slice %arg7[%add3A_57, %dma_wait3A_156] : memref<160x128xi32, #tpu.memory_space<vmem>> -> memref<1x128xi32, #tpu.memory_space<vmem>>
        %dma_wait3A_158 = tpu.memref_squeeze %dma_wait3A_157 : memref<1x128xi32, #tpu.memory_space<vmem>> -> memref<128xi32, #tpu.memory_space<vmem>>
        %dma_wait3A_159 = arith.constant 0 : i32
        %dma_wait3A_160 = arith.constant 0 : i32
        %dma_wait3A_161 = tpu.memref_slice %arg12[%dma_wait3A_159, %dma_wait3A_160] : memref<10112x64xf32, #tpu.memory_space<vmem_shared>> -> memref<10112x64xf32, #tpu.memory_space<vmem_shared>>
        tpu.wait_indirect_dma semaphore(%run_scoped3A : memref<!tpu.dma_semaphore, #tpu.memory_space<semaphore_mem>>) src(%arg8 : memref<128x64xf32, #tpu.memory_space<vmem>>) dst(%dma_wait3A_161 : memref<10112x64xf32, #tpu.memory_space<vmem_shared>>)
        tpu.yield
      }) : () -> ()
      %add3A_71 = arith.constant 4 : i32
      %add3A_72 = arith.addi %add3A_57, %add3A_71 : i32
      %lt3A = arith.constant 160 : i32
      %lt3A_73 = arith.cmpi slt, %add3A_72, %lt3A : i32
      %convert_element_type3A = arith.extui %lt3A_73 : i1 to i32
      %cond3A = arith.constant 0 : i32
      %cond3A_74 = arith.cmpi ne, %convert_element_type3A, %cond3A : i32
      scf.if %cond3A_74 {
        %add3A_150 = arith.constant 4 : i32
        %add3A_151 = arith.addi %add3A_57, %add3A_150 : i32
        %dma_start3A_152 = arith.constant 0 : i32
        %dma_start3A_153 = tpu.memref_slice %arg6[%add3A_151, %dma_start3A_152] : memref<160x128xi32, #tpu.memory_space<vmem>> -> memref<1x128xi32, #tpu.memory_space<vmem>>
        %dma_start3A_154 = tpu.memref_squeeze %dma_start3A_153 : memref<1x128xi32, #tpu.memory_space<vmem>> -> memref<128xi32, #tpu.memory_space<vmem>>
        %dma_start3A_155 = arith.constant 0 : i32
        %dma_start3A_156 = arith.constant 0 : i32
        %dma_start3A_157 = tpu.memref_slice %arg2[%arg0, %dma_start3A_155, %dma_start3A_156] : memref<2x10112x64xf32, #tpu.memory_space<hbm>> -> memref<1x10112x64xf32, #tpu.memory_space<hbm>>
        %dma_start3A_158 = tpu.memref_squeeze %dma_start3A_157 : memref<1x10112x64xf32, #tpu.memory_space<hbm>> -> memref<10112x64xf32, #tpu.memory_space<hbm>>
        %dma_start3A_159 = arith.constant 0 : i32
        %dma_start3A_160 = arith.constant 0 : i32
        %dma_start3A_161 = tpu.memref_slice %dma_start3A_158[%dma_start3A_159, %dma_start3A_160] : memref<10112x64xf32, #tpu.memory_space<hbm>> -> memref<10112x64xf32, #tpu.memory_space<hbm>>
        tpu.enqueue_indirect_dma source(%dma_start3A_161 : memref<10112x64xf32, #tpu.memory_space<hbm>>) target(%arg8 : memref<128x64xf32, #tpu.memory_space<vmem>>) offsets(%dma_start3A_154 : memref<128xi32, #tpu.memory_space<vmem>>) semaphore(%arg13 : memref<!tpu.dma_semaphore, #tpu.memory_space<semaphore_mem>>)
      } else {
      }
      %mul3A_75 = arith.constant 4 : i32
      %mul3A_76 = arith.muli %mul3A_75, %scan3A_54 : i32
      %add3A_77 = arith.constant 1 : i32
      %add3A_78 = arith.addi %mul3A_76, %add3A_77 : i32
      %dma_wait3A_79 = arith.constant 0 : i32
      %dma_wait3A_80 = arith.constant 0 : i32
      %dma_wait3A_81 = tpu.memref_slice %arg2[%arg0, %dma_wait3A_79, %dma_wait3A_80] : memref<2x10112x64xf32, #tpu.memory_space<hbm>> -> memref<1x10112x64xf32, #tpu.memory_space<hbm>>
      %dma_wait3A_82 = tpu.memref_squeeze %dma_wait3A_81 : memref<1x10112x64xf32, #tpu.memory_space<hbm>> -> memref<10112x64xf32, #tpu.memory_space<hbm>>
      %dma_wait3A_83 = arith.constant 0 : i32
      %dma_wait3A_84 = arith.constant 0 : i32
      %dma_wait3A_85 = tpu.memref_slice %dma_wait3A_82[%dma_wait3A_83, %dma_wait3A_84] : memref<10112x64xf32, #tpu.memory_space<hbm>> -> memref<128x64xf32, #tpu.memory_space<hbm>>
      %dma_wait3A_86 = arith.constant 0 : i32
      %dma_wait3A_87 = arith.constant 0 : i32
      %dma_wait3A_88 = tpu.memref_slice %arg2[%arg0, %dma_wait3A_86, %dma_wait3A_87] : memref<2x10112x64xf32, #tpu.memory_space<hbm>> -> memref<1x10112x64xf32, #tpu.memory_space<hbm>>
      %dma_wait3A_89 = tpu.memref_squeeze %dma_wait3A_88 : memref<1x10112x64xf32, #tpu.memory_space<hbm>> -> memref<10112x64xf32, #tpu.memory_space<hbm>>
      %dma_wait3A_90 = arith.constant 0 : i32
      %dma_wait3A_91 = arith.constant 0 : i32
      %dma_wait3A_92 = tpu.memref_slice %dma_wait3A_89[%dma_wait3A_90, %dma_wait3A_91] : memref<10112x64xf32, #tpu.memory_space<hbm>> -> memref<128x64xf32, #tpu.memory_space<hbm>>
      tpu.wait_dma2 semaphore(%arg14 : memref<!tpu.dma_semaphore, #tpu.memory_space<semaphore_mem>>) src(%dma_wait3A_92 : memref<128x64xf32, #tpu.memory_space<hbm>>) dst(%arg9 : memref<128x64xf32, #tpu.memory_space<vmem>>)
      "tpu.region"() ({
        %run_scoped3A = tpu.sem_alloc : memref<!tpu.dma_semaphore, #tpu.memory_space<semaphore_mem>>
        %dma_start3A_150 = arith.constant 0 : i32
        %dma_start3A_151 = tpu.memref_slice %arg7[%add3A_78, %dma_start3A_150] : memref<160x128xi32, #tpu.memory_space<vmem>> -> memref<1x128xi32, #tpu.memory_space<vmem>>
        %dma_start3A_152 = tpu.memref_squeeze %dma_start3A_151 : memref<1x128xi32, #tpu.memory_space<vmem>> -> memref<128xi32, #tpu.memory_space<vmem>>
        %dma_start3A_153 = arith.constant 0 : i32
        %dma_start3A_154 = arith.constant 0 : i32
        %dma_start3A_155 = tpu.memref_slice %arg12[%dma_start3A_153, %dma_start3A_154] : memref<10112x64xf32, #tpu.memory_space<vmem_shared>> -> memref<10112x64xf32, #tpu.memory_space<vmem_shared>>
        tpu.enqueue_indirect_dma source(%arg9 : memref<128x64xf32, #tpu.memory_space<vmem>>) target(%dma_start3A_155 : memref<10112x64xf32, #tpu.memory_space<vmem_shared>>) offsets(%dma_start3A_152 : memref<128xi32, #tpu.memory_space<vmem>>) semaphore(%run_scoped3A : memref<!tpu.dma_semaphore, #tpu.memory_space<semaphore_mem>>) {add = true}
        %dma_wait3A_156 = arith.constant 0 : i32
        %dma_wait3A_157 = tpu.memref_slice %arg7[%add3A_78, %dma_wait3A_156] : memref<160x128xi32, #tpu.memory_space<vmem>> -> memref<1x128xi32, #tpu.memory_space<vmem>>
        %dma_wait3A_158 = tpu.memref_squeeze %dma_wait3A_157 : memref<1x128xi32, #tpu.memory_space<vmem>> -> memref<128xi32, #tpu.memory_space<vmem>>
        %dma_wait3A_159 = arith.constant 0 : i32
        %dma_wait3A_160 = arith.constant 0 : i32
        %dma_wait3A_161 = tpu.memref_slice %arg12[%dma_wait3A_159, %dma_wait3A_160] : memref<10112x64xf32, #tpu.memory_space<vmem_shared>> -> memref<10112x64xf32, #tpu.memory_space<vmem_shared>>
        tpu.wait_indirect_dma semaphore(%run_scoped3A : memref<!tpu.dma_semaphore, #tpu.memory_space<semaphore_mem>>) src(%arg9 : memref<128x64xf32, #tpu.memory_space<vmem>>) dst(%dma_wait3A_161 : memref<10112x64xf32, #tpu.memory_space<vmem_shared>>)
        tpu.yield
      }) : () -> ()
      %add3A_93 = arith.constant 4 : i32
      %add3A_94 = arith.addi %add3A_78, %add3A_93 : i32
      %lt3A_95 = arith.constant 160 : i32
      %lt3A_96 = arith.cmpi slt, %add3A_94, %lt3A_95 : i32
      %convert_element_type3A_97 = arith.extui %lt3A_96 : i1 to i32
      %cond3A_98 = arith.constant 0 : i32
      %cond3A_99 = arith.cmpi ne, %convert_element_type3A_97, %cond3A_98 : i32
      scf.if %cond3A_99 {
        %add3A_150 = arith.constant 4 : i32
        %add3A_151 = arith.addi %add3A_78, %add3A_150 : i32
        %dma_start3A_152 = arith.constant 0 : i32
        %dma_start3A_153 = tpu.memref_slice %arg6[%add3A_151, %dma_start3A_152] : memref<160x128xi32, #tpu.memory_space<vmem>> -> memref<1x128xi32, #tpu.memory_space<vmem>>
        %dma_start3A_154 = tpu.memref_squeeze %dma_start3A_153 : memref<1x128xi32, #tpu.memory_space<vmem>> -> memref<128xi32, #tpu.memory_space<vmem>>
        %dma_start3A_155 = arith.constant 0 : i32
        %dma_start3A_156 = arith.constant 0 : i32
        %dma_start3A_157 = tpu.memref_slice %arg2[%arg0, %dma_start3A_155, %dma_start3A_156] : memref<2x10112x64xf32, #tpu.memory_space<hbm>> -> memref<1x10112x64xf32, #tpu.memory_space<hbm>>
        %dma_start3A_158 = tpu.memref_squeeze %dma_start3A_157 : memref<1x10112x64xf32, #tpu.memory_space<hbm>> -> memref<10112x64xf32, #tpu.memory_space<hbm>>
        %dma_start3A_159 = arith.constant 0 : i32
        %dma_start3A_160 = arith.constant 0 : i32
        %dma_start3A_161 = tpu.memref_slice %dma_start3A_158[%dma_start3A_159, %dma_start3A_160] : memref<10112x64xf32, #tpu.memory_space<hbm>> -> memref<10112x64xf32, #tpu.memory_space<hbm>>
        tpu.enqueue_indirect_dma source(%dma_start3A_161 : memref<10112x64xf32, #tpu.memory_space<hbm>>) target(%arg9 : memref<128x64xf32, #tpu.memory_space<vmem>>) offsets(%dma_start3A_154 : memref<128xi32, #tpu.memory_space<vmem>>) semaphore(%arg14 : memref<!tpu.dma_semaphore, #tpu.memory_space<semaphore_mem>>)
      } else {
      }
      %mul3A_100 = arith.constant 4 : i32
      %mul3A_101 = arith.muli %mul3A_100, %scan3A_54 : i32
      %add3A_102 = arith.constant 2 : i32
      %add3A_103 = arith.addi %mul3A_101, %add3A_102 : i32
      %dma_wait3A_104 = arith.constant 0 : i32
      %dma_wait3A_105 = arith.constant 0 : i32
      %dma_wait3A_106 = tpu.memref_slice %arg2[%arg0, %dma_wait3A_104, %dma_wait3A_105] : memref<2x10112x64xf32, #tpu.memory_space<hbm>> -> memref<1x10112x64xf32, #tpu.memory_space<hbm>>
      %dma_wait3A_107 = tpu.memref_squeeze %dma_wait3A_106 : memref<1x10112x64xf32, #tpu.memory_space<hbm>> -> memref<10112x64xf32, #tpu.memory_space<hbm>>
      %dma_wait3A_108 = arith.constant 0 : i32
      %dma_wait3A_109 = arith.constant 0 : i32
      %dma_wait3A_110 = tpu.memref_slice %dma_wait3A_107[%dma_wait3A_108, %dma_wait3A_109] : memref<10112x64xf32, #tpu.memory_space<hbm>> -> memref<128x64xf32, #tpu.memory_space<hbm>>
      %dma_wait3A_111 = arith.constant 0 : i32
      %dma_wait3A_112 = arith.constant 0 : i32
      %dma_wait3A_113 = tpu.memref_slice %arg2[%arg0, %dma_wait3A_111, %dma_wait3A_112] : memref<2x10112x64xf32, #tpu.memory_space<hbm>> -> memref<1x10112x64xf32, #tpu.memory_space<hbm>>
      %dma_wait3A_114 = tpu.memref_squeeze %dma_wait3A_113 : memref<1x10112x64xf32, #tpu.memory_space<hbm>> -> memref<10112x64xf32, #tpu.memory_space<hbm>>
      %dma_wait3A_115 = arith.constant 0 : i32
      %dma_wait3A_116 = arith.constant 0 : i32
      %dma_wait3A_117 = tpu.memref_slice %dma_wait3A_114[%dma_wait3A_115, %dma_wait3A_116] : memref<10112x64xf32, #tpu.memory_space<hbm>> -> memref<128x64xf32, #tpu.memory_space<hbm>>
      tpu.wait_dma2 semaphore(%arg15 : memref<!tpu.dma_semaphore, #tpu.memory_space<semaphore_mem>>) src(%dma_wait3A_117 : memref<128x64xf32, #tpu.memory_space<hbm>>) dst(%arg10 : memref<128x64xf32, #tpu.memory_space<vmem>>)
      "tpu.region"() ({
        %run_scoped3A = tpu.sem_alloc : memref<!tpu.dma_semaphore, #tpu.memory_space<semaphore_mem>>
        %dma_start3A_150 = arith.constant 0 : i32
        %dma_start3A_151 = tpu.memref_slice %arg7[%add3A_103, %dma_start3A_150] : memref<160x128xi32, #tpu.memory_space<vmem>> -> memref<1x128xi32, #tpu.memory_space<vmem>>
        %dma_start3A_152 = tpu.memref_squeeze %dma_start3A_151 : memref<1x128xi32, #tpu.memory_space<vmem>> -> memref<128xi32, #tpu.memory_space<vmem>>
        %dma_start3A_153 = arith.constant 0 : i32
        %dma_start3A_154 = arith.constant 0 : i32
        %dma_start3A_155 = tpu.memref_slice %arg12[%dma_start3A_153, %dma_start3A_154] : memref<10112x64xf32, #tpu.memory_space<vmem_shared>> -> memref<10112x64xf32, #tpu.memory_space<vmem_shared>>
        tpu.enqueue_indirect_dma source(%arg10 : memref<128x64xf32, #tpu.memory_space<vmem>>) target(%dma_start3A_155 : memref<10112x64xf32, #tpu.memory_space<vmem_shared>>) offsets(%dma_start3A_152 : memref<128xi32, #tpu.memory_space<vmem>>) semaphore(%run_scoped3A : memref<!tpu.dma_semaphore, #tpu.memory_space<semaphore_mem>>) {add = true}
        %dma_wait3A_156 = arith.constant 0 : i32
        %dma_wait3A_157 = tpu.memref_slice %arg7[%add3A_103, %dma_wait3A_156] : memref<160x128xi32, #tpu.memory_space<vmem>> -> memref<1x128xi32, #tpu.memory_space<vmem>>
        %dma_wait3A_158 = tpu.memref_squeeze %dma_wait3A_157 : memref<1x128xi32, #tpu.memory_space<vmem>> -> memref<128xi32, #tpu.memory_space<vmem>>
        %dma_wait3A_159 = arith.constant 0 : i32
        %dma_wait3A_160 = arith.constant 0 : i32
        %dma_wait3A_161 = tpu.memref_slice %arg12[%dma_wait3A_159, %dma_wait3A_160] : memref<10112x64xf32, #tpu.memory_space<vmem_shared>> -> memref<10112x64xf32, #tpu.memory_space<vmem_shared>>
        tpu.wait_indirect_dma semaphore(%run_scoped3A : memref<!tpu.dma_semaphore, #tpu.memory_space<semaphore_mem>>) src(%arg10 : memref<128x64xf32, #tpu.memory_space<vmem>>) dst(%dma_wait3A_161 : memref<10112x64xf32, #tpu.memory_space<vmem_shared>>)
        tpu.yield
      }) : () -> ()
      %add3A_118 = arith.constant 4 : i32
      %add3A_119 = arith.addi %add3A_103, %add3A_118 : i32
      %lt3A_120 = arith.constant 160 : i32
      %lt3A_121 = arith.cmpi slt, %add3A_119, %lt3A_120 : i32
      %convert_element_type3A_122 = arith.extui %lt3A_121 : i1 to i32
      %cond3A_123 = arith.constant 0 : i32
      %cond3A_124 = arith.cmpi ne, %convert_element_type3A_122, %cond3A_123 : i32
      scf.if %cond3A_124 {
        %add3A_150 = arith.constant 4 : i32
        %add3A_151 = arith.addi %add3A_103, %add3A_150 : i32
        %dma_start3A_152 = arith.constant 0 : i32
        %dma_start3A_153 = tpu.memref_slice %arg6[%add3A_151, %dma_start3A_152] : memref<160x128xi32, #tpu.memory_space<vmem>> -> memref<1x128xi32, #tpu.memory_space<vmem>>
        %dma_start3A_154 = tpu.memref_squeeze %dma_start3A_153 : memref<1x128xi32, #tpu.memory_space<vmem>> -> memref<128xi32, #tpu.memory_space<vmem>>
        %dma_start3A_155 = arith.constant 0 : i32
        %dma_start3A_156 = arith.constant 0 : i32
        %dma_start3A_157 = tpu.memref_slice %arg2[%arg0, %dma_start3A_155, %dma_start3A_156] : memref<2x10112x64xf32, #tpu.memory_space<hbm>> -> memref<1x10112x64xf32, #tpu.memory_space<hbm>>
        %dma_start3A_158 = tpu.memref_squeeze %dma_start3A_157 : memref<1x10112x64xf32, #tpu.memory_space<hbm>> -> memref<10112x64xf32, #tpu.memory_space<hbm>>
        %dma_start3A_159 = arith.constant 0 : i32
        %dma_start3A_160 = arith.constant 0 : i32
        %dma_start3A_161 = tpu.memref_slice %dma_start3A_158[%dma_start3A_159, %dma_start3A_160] : memref<10112x64xf32, #tpu.memory_space<hbm>> -> memref<10112x64xf32, #tpu.memory_space<hbm>>
        tpu.enqueue_indirect_dma source(%dma_start3A_161 : memref<10112x64xf32, #tpu.memory_space<hbm>>) target(%arg10 : memref<128x64xf32, #tpu.memory_space<vmem>>) offsets(%dma_start3A_154 : memref<128xi32, #tpu.memory_space<vmem>>) semaphore(%arg15 : memref<!tpu.dma_semaphore, #tpu.memory_space<semaphore_mem>>)
      } else {
      }
      %mul3A_125 = arith.constant 4 : i32
      %mul3A_126 = arith.muli %mul3A_125, %scan3A_54 : i32
      %add3A_127 = arith.constant 3 : i32
      %add3A_128 = arith.addi %mul3A_126, %add3A_127 : i32
      %dma_wait3A_129 = arith.constant 0 : i32
      %dma_wait3A_130 = arith.constant 0 : i32
      %dma_wait3A_131 = tpu.memref_slice %arg2[%arg0, %dma_wait3A_129, %dma_wait3A_130] : memref<2x10112x64xf32, #tpu.memory_space<hbm>> -> memref<1x10112x64xf32, #tpu.memory_space<hbm>>
      %dma_wait3A_132 = tpu.memref_squeeze %dma_wait3A_131 : memref<1x10112x64xf32, #tpu.memory_space<hbm>> -> memref<10112x64xf32, #tpu.memory_space<hbm>>
      %dma_wait3A_133 = arith.constant 0 : i32
      %dma_wait3A_134 = arith.constant 0 : i32
      %dma_wait3A_135 = tpu.memref_slice %dma_wait3A_132[%dma_wait3A_133, %dma_wait3A_134] : memref<10112x64xf32, #tpu.memory_space<hbm>> -> memref<128x64xf32, #tpu.memory_space<hbm>>
      %dma_wait3A_136 = arith.constant 0 : i32
      %dma_wait3A_137 = arith.constant 0 : i32
      %dma_wait3A_138 = tpu.memref_slice %arg2[%arg0, %dma_wait3A_136, %dma_wait3A_137] : memref<2x10112x64xf32, #tpu.memory_space<hbm>> -> memref<1x10112x64xf32, #tpu.memory_space<hbm>>
      %dma_wait3A_139 = tpu.memref_squeeze %dma_wait3A_138 : memref<1x10112x64xf32, #tpu.memory_space<hbm>> -> memref<10112x64xf32, #tpu.memory_space<hbm>>
      %dma_wait3A_140 = arith.constant 0 : i32
      %dma_wait3A_141 = arith.constant 0 : i32
      %dma_wait3A_142 = tpu.memref_slice %dma_wait3A_139[%dma_wait3A_140, %dma_wait3A_141] : memref<10112x64xf32, #tpu.memory_space<hbm>> -> memref<128x64xf32, #tpu.memory_space<hbm>>
      tpu.wait_dma2 semaphore(%arg16 : memref<!tpu.dma_semaphore, #tpu.memory_space<semaphore_mem>>) src(%dma_wait3A_142 : memref<128x64xf32, #tpu.memory_space<hbm>>) dst(%arg11 : memref<128x64xf32, #tpu.memory_space<vmem>>)
      "tpu.region"() ({
        %run_scoped3A = tpu.sem_alloc : memref<!tpu.dma_semaphore, #tpu.memory_space<semaphore_mem>>
        %dma_start3A_150 = arith.constant 0 : i32
        %dma_start3A_151 = tpu.memref_slice %arg7[%add3A_128, %dma_start3A_150] : memref<160x128xi32, #tpu.memory_space<vmem>> -> memref<1x128xi32, #tpu.memory_space<vmem>>
        %dma_start3A_152 = tpu.memref_squeeze %dma_start3A_151 : memref<1x128xi32, #tpu.memory_space<vmem>> -> memref<128xi32, #tpu.memory_space<vmem>>
        %dma_start3A_153 = arith.constant 0 : i32
        %dma_start3A_154 = arith.constant 0 : i32
        %dma_start3A_155 = tpu.memref_slice %arg12[%dma_start3A_153, %dma_start3A_154] : memref<10112x64xf32, #tpu.memory_space<vmem_shared>> -> memref<10112x64xf32, #tpu.memory_space<vmem_shared>>
        tpu.enqueue_indirect_dma source(%arg11 : memref<128x64xf32, #tpu.memory_space<vmem>>) target(%dma_start3A_155 : memref<10112x64xf32, #tpu.memory_space<vmem_shared>>) offsets(%dma_start3A_152 : memref<128xi32, #tpu.memory_space<vmem>>) semaphore(%run_scoped3A : memref<!tpu.dma_semaphore, #tpu.memory_space<semaphore_mem>>) {add = true}
        %dma_wait3A_156 = arith.constant 0 : i32
        %dma_wait3A_157 = tpu.memref_slice %arg7[%add3A_128, %dma_wait3A_156] : memref<160x128xi32, #tpu.memory_space<vmem>> -> memref<1x128xi32, #tpu.memory_space<vmem>>
        %dma_wait3A_158 = tpu.memref_squeeze %dma_wait3A_157 : memref<1x128xi32, #tpu.memory_space<vmem>> -> memref<128xi32, #tpu.memory_space<vmem>>
        %dma_wait3A_159 = arith.constant 0 : i32
        %dma_wait3A_160 = arith.constant 0 : i32
        %dma_wait3A_161 = tpu.memref_slice %arg12[%dma_wait3A_159, %dma_wait3A_160] : memref<10112x64xf32, #tpu.memory_space<vmem_shared>> -> memref<10112x64xf32, #tpu.memory_space<vmem_shared>>
        tpu.wait_indirect_dma semaphore(%run_scoped3A : memref<!tpu.dma_semaphore, #tpu.memory_space<semaphore_mem>>) src(%arg11 : memref<128x64xf32, #tpu.memory_space<vmem>>) dst(%dma_wait3A_161 : memref<10112x64xf32, #tpu.memory_space<vmem_shared>>)
        tpu.yield
      }) : () -> ()
      %add3A_143 = arith.constant 4 : i32
      %add3A_144 = arith.addi %add3A_128, %add3A_143 : i32
      %lt3A_145 = arith.constant 160 : i32
      %lt3A_146 = arith.cmpi slt, %add3A_144, %lt3A_145 : i32
      %convert_element_type3A_147 = arith.extui %lt3A_146 : i1 to i32
      %cond3A_148 = arith.constant 0 : i32
      %cond3A_149 = arith.cmpi ne, %convert_element_type3A_147, %cond3A_148 : i32
      scf.if %cond3A_149 {
        %add3A_150 = arith.constant 4 : i32
        %add3A_151 = arith.addi %add3A_128, %add3A_150 : i32
        %dma_start3A_152 = arith.constant 0 : i32
        %dma_start3A_153 = tpu.memref_slice %arg6[%add3A_151, %dma_start3A_152] : memref<160x128xi32, #tpu.memory_space<vmem>> -> memref<1x128xi32, #tpu.memory_space<vmem>>
        %dma_start3A_154 = tpu.memref_squeeze %dma_start3A_153 : memref<1x128xi32, #tpu.memory_space<vmem>> -> memref<128xi32, #tpu.memory_space<vmem>>
        %dma_start3A_155 = arith.constant 0 : i32
        %dma_start3A_156 = arith.constant 0 : i32
        %dma_start3A_157 = tpu.memref_slice %arg2[%arg0, %dma_start3A_155, %dma_start3A_156] : memref<2x10112x64xf32, #tpu.memory_space<hbm>> -> memref<1x10112x64xf32, #tpu.memory_space<hbm>>
        %dma_start3A_158 = tpu.memref_squeeze %dma_start3A_157 : memref<1x10112x64xf32, #tpu.memory_space<hbm>> -> memref<10112x64xf32, #tpu.memory_space<hbm>>
        %dma_start3A_159 = arith.constant 0 : i32
        %dma_start3A_160 = arith.constant 0 : i32
        %dma_start3A_161 = tpu.memref_slice %dma_start3A_158[%dma_start3A_159, %dma_start3A_160] : memref<10112x64xf32, #tpu.memory_space<hbm>> -> memref<10112x64xf32, #tpu.memory_space<hbm>>
        tpu.enqueue_indirect_dma source(%dma_start3A_161 : memref<10112x64xf32, #tpu.memory_space<hbm>>) target(%arg11 : memref<128x64xf32, #tpu.memory_space<vmem>>) offsets(%dma_start3A_154 : memref<128xi32, #tpu.memory_space<vmem>>) semaphore(%arg16 : memref<!tpu.dma_semaphore, #tpu.memory_space<semaphore_mem>>)
      } else {
      }
    }
    %scan3A_52 = arith.constant 40 : i32
    %barrier3A_53 = arith.constant 0 : index
    tpu.barrier barrier_id(%barrier3A_53)
    "tpu.region"() ({
      %run_scoped3A = tpu.sem_alloc : memref<!tpu.dma_semaphore, #tpu.memory_space<semaphore_mem>>
      %dma_start3A_54 = arith.constant 0 : i32
      %dma_start3A_55 = tpu.memref_slice %arg5[%arg0, %mul3A_4, %dma_start3A_54] : memref<2x10112x64xf32, #tpu.memory_space<hbm>> -> memref<1x632x64xf32, #tpu.memory_space<hbm>>
      %dma_start3A_56 = tpu.memref_squeeze %dma_start3A_55 : memref<1x632x64xf32, #tpu.memory_space<hbm>> -> memref<632x64xf32, #tpu.memory_space<hbm>>
      %dma_start3A_57 = arith.constant 0 : i32
      %dma_start3A_58 = tpu.memref_slice %arg12[%mul3A_4, %dma_start3A_57] : memref<10112x64xf32, #tpu.memory_space<vmem_shared>> -> memref<632x64xf32, #tpu.memory_space<vmem_shared>>
      tpu.enqueue_dma source(%dma_start3A_58 : memref<632x64xf32, #tpu.memory_space<vmem_shared>>) target(%dma_start3A_56 : memref<632x64xf32, #tpu.memory_space<hbm>>) target_semaphore(%run_scoped3A : memref<!tpu.dma_semaphore, #tpu.memory_space<semaphore_mem>>)
      %dma_wait3A = arith.constant 0 : i32
      %dma_wait3A_59 = tpu.memref_slice %arg5[%arg0, %mul3A_4, %dma_wait3A] : memref<2x10112x64xf32, #tpu.memory_space<hbm>> -> memref<1x632x64xf32, #tpu.memory_space<hbm>>
      %dma_wait3A_60 = tpu.memref_squeeze %dma_wait3A_59 : memref<1x632x64xf32, #tpu.memory_space<hbm>> -> memref<632x64xf32, #tpu.memory_space<hbm>>
      %dma_wait3A_61 = arith.constant 0 : i32
      %dma_wait3A_62 = tpu.memref_slice %arg12[%mul3A_4, %dma_wait3A_61] : memref<10112x64xf32, #tpu.memory_space<vmem_shared>> -> memref<632x64xf32, #tpu.memory_space<vmem_shared>>
      tpu.wait_dma2 semaphore(%run_scoped3A : memref<!tpu.dma_semaphore, #tpu.memory_space<semaphore_mem>>) src(%dma_wait3A_62 : memref<632x64xf32, #tpu.memory_space<vmem_shared>>) dst(%dma_wait3A_60 : memref<632x64xf32, #tpu.memory_space<hbm>>)
      tpu.yield
    }) : () -> ()
    return
  }
}

#map = affine_map<(d0, d1) -> (0, 0, 0)>
#map1 = affine_map<(d0, d1) -> (0, 0)>
module attributes {stable_mosaic.version = 14 : i64} {
  func.func @_sc_edge_agg(%arg0: i32, %arg1: i32, %arg2: memref<2x10112x64xf32, #tpu.memory_space<hbm>>, %arg3: memref<2560x128xi32, #tpu.memory_space<hbm>>, %arg4: memref<2560x128xi32, #tpu.memory_space<hbm>>, %arg5: memref<2x10112x64xf32, #tpu.memory_space<hbm>>, %arg6: memref<160x128xi32, #tpu.memory_space<vmem>>, %arg7: memref<160x128xi32, #tpu.memory_space<vmem>>, %arg8: memref<128x64xf32, #tpu.memory_space<vmem>>, %arg9: memref<128x64xf32, #tpu.memory_space<vmem>>, %arg10: memref<128x64xf32, #tpu.memory_space<vmem>>, %arg11: memref<128x64xf32, #tpu.memory_space<vmem>>, %arg12: memref<10112x64xf32, #tpu.memory_space<vmem_shared>>, %arg13: memref<!tpu.dma_semaphore, #tpu.memory_space<semaphore_mem>>, %arg14: memref<!tpu.dma_semaphore, #tpu.memory_space<semaphore_mem>>, %arg15: memref<!tpu.dma_semaphore, #tpu.memory_space<semaphore_mem>>, %arg16: memref<!tpu.dma_semaphore, #tpu.memory_space<semaphore_mem>>) attributes {dimension_semantics = [#tpu.dimension_semantics<core_parallel>, #tpu.dimension_semantics<subcore_parallel>], iteration_bounds = array<i64: 2, 16>, scalar_prefetch = 0 : i64, scratch_operands = 11 : i64, tpu.core_type = #tpu.core_type<sc_vector_subcore>, window_params = [{transform_indices = #map}, {transform_indices = #map1}, {transform_indices = #map1}, {transform_indices = #map}]} {
    %mul3A = arith.constant 160 : i32
    %mul3A_0 = arith.muli %arg1, %mul3A : i32
    "tpu.region"() ({
      %run_scoped3A = tpu.sem_alloc : memref<!tpu.dma_semaphore, #tpu.memory_space<semaphore_mem>>
      %dma_start3A_54 = arith.constant 0 : i32
      %dma_start3A_55 = tpu.memref_slice %arg3[%mul3A_0, %dma_start3A_54] : memref<2560x128xi32, #tpu.memory_space<hbm>> -> memref<160x128xi32, #tpu.memory_space<hbm>>
      %dma_start3A_56 = arith.constant 0 : i32
      %dma_start3A_57 = tpu.memref_slice %arg3[%mul3A_0, %dma_start3A_56] : memref<2560x128xi32, #tpu.memory_space<hbm>> -> memref<160x128xi32, #tpu.memory_space<hbm>>
      tpu.enqueue_dma source(%dma_start3A_57 : memref<160x128xi32, #tpu.memory_space<hbm>>) target(%arg6 : memref<160x128xi32, #tpu.memory_space<vmem>>) target_semaphore(%run_scoped3A : memref<!tpu.dma_semaphore, #tpu.memory_space<semaphore_mem>>)
      %dma_wait3A = arith.constant 0 : i32
      %dma_wait3A_58 = tpu.memref_slice %arg3[%mul3A_0, %dma_wait3A] : memref<2560x128xi32, #tpu.memory_space<hbm>> -> memref<160x128xi32, #tpu.memory_space<hbm>>
      %dma_wait3A_59 = arith.constant 0 : i32
      %dma_wait3A_60 = tpu.memref_slice %arg3[%mul3A_0, %dma_wait3A_59] : memref<2560x128xi32, #tpu.memory_space<hbm>> -> memref<160x128xi32, #tpu.memory_space<hbm>>
      tpu.wait_dma2 semaphore(%run_scoped3A : memref<!tpu.dma_semaphore, #tpu.memory_space<semaphore_mem>>) src(%dma_wait3A_60 : memref<160x128xi32, #tpu.memory_space<hbm>>) dst(%arg6 : memref<160x128xi32, #tpu.memory_space<vmem>>)
      tpu.yield
    }) : () -> ()
    %mul3A_1 = arith.constant 160 : i32
    %mul3A_2 = arith.muli %arg1, %mul3A_1 : i32
    "tpu.region"() ({
      %run_scoped3A = tpu.sem_alloc : memref<!tpu.dma_semaphore, #tpu.memory_space<semaphore_mem>>
      %dma_start3A_54 = arith.constant 0 : i32
      %dma_start3A_55 = tpu.memref_slice %arg4[%mul3A_2, %dma_start3A_54] : memref<2560x128xi32, #tpu.memory_space<hbm>> -> memref<160x128xi32, #tpu.memory_space<hbm>>
      %dma_start3A_56 = arith.constant 0 : i32
      %dma_start3A_57 = tpu.memref_slice %arg4[%mul3A_2, %dma_start3A_56] : memref<2560x128xi32, #tpu.memory_space<hbm>> -> memref<160x128xi32, #tpu.memory_space<hbm>>
      tpu.enqueue_dma source(%dma_start3A_57 : memref<160x128xi32, #tpu.memory_space<hbm>>) target(%arg7 : memref<160x128xi32, #tpu.memory_space<vmem>>) target_semaphore(%run_scoped3A : memref<!tpu.dma_semaphore, #tpu.memory_space<semaphore_mem>>)
      %dma_wait3A = arith.constant 0 : i32
      %dma_wait3A_58 = tpu.memref_slice %arg4[%mul3A_2, %dma_wait3A] : memref<2560x128xi32, #tpu.memory_space<hbm>> -> memref<160x128xi32, #tpu.memory_space<hbm>>
      %dma_wait3A_59 = arith.constant 0 : i32
      %dma_wait3A_60 = tpu.memref_slice %arg4[%mul3A_2, %dma_wait3A_59] : memref<2560x128xi32, #tpu.memory_space<hbm>> -> memref<160x128xi32, #tpu.memory_space<hbm>>
      tpu.wait_dma2 semaphore(%run_scoped3A : memref<!tpu.dma_semaphore, #tpu.memory_space<semaphore_mem>>) src(%dma_wait3A_60 : memref<160x128xi32, #tpu.memory_space<hbm>>) dst(%arg7 : memref<160x128xi32, #tpu.memory_space<vmem>>)
      tpu.yield
    }) : () -> ()
    %mul3A_3 = arith.constant 632 : i32
    %mul3A_4 = arith.muli %arg1, %mul3A_3 : i32
    "tpu.region"() ({
      %run_scoped3A = tpu.sem_alloc : memref<!tpu.dma_semaphore, #tpu.memory_space<semaphore_mem>>
      %dma_start3A_54 = arith.constant 0 : i32
      %dma_start3A_55 = tpu.memref_slice %arg12[%mul3A_4, %dma_start3A_54] : memref<10112x64xf32, #tpu.memory_space<vmem_shared>> -> memref<632x64xf32, #tpu.memory_space<vmem_shared>>
      %dma_start3A_56 = arith.constant 0 : i32
      %dma_start3A_57 = arith.constant 0 : i32
      %dma_start3A_58 = tpu.memref_slice %arg2[%arg0, %dma_start3A_56, %dma_start3A_57] : memref<2x10112x64xf32, #tpu.memory_space<hbm>> -> memref<1x10112x64xf32, #tpu.memory_space<hbm>>
      %dma_start3A_59 = tpu.memref_squeeze %dma_start3A_58 : memref<1x10112x64xf32, #tpu.memory_space<hbm>> -> memref<10112x64xf32, #tpu.memory_space<hbm>>
      %dma_start3A_60 = arith.constant 0 : i32
      %dma_start3A_61 = tpu.memref_slice %dma_start3A_59[%mul3A_4, %dma_start3A_60] : memref<10112x64xf32, #tpu.memory_space<hbm>> -> memref<632x64xf32, #tpu.memory_space<hbm>>
      tpu.enqueue_dma source(%dma_start3A_61 : memref<632x64xf32, #tpu.memory_space<hbm>>) target(%dma_start3A_55 : memref<632x64xf32, #tpu.memory_space<vmem_shared>>) target_semaphore(%run_scoped3A : memref<!tpu.dma_semaphore, #tpu.memory_space<semaphore_mem>>)
      %dma_wait3A = arith.constant 0 : i32
      %dma_wait3A_62 = tpu.memref_slice %arg12[%mul3A_4, %dma_wait3A] : memref<10112x64xf32, #tpu.memory_space<vmem_shared>> -> memref<632x64xf32, #tpu.memory_space<vmem_shared>>
      %dma_wait3A_63 = arith.constant 0 : i32
      %dma_wait3A_64 = arith.constant 0 : i32
      %dma_wait3A_65 = tpu.memref_slice %arg2[%arg0, %dma_wait3A_63, %dma_wait3A_64] : memref<2x10112x64xf32, #tpu.memory_space<hbm>> -> memref<1x10112x64xf32, #tpu.memory_space<hbm>>
      %dma_wait3A_66 = tpu.memref_squeeze %dma_wait3A_65 : memref<1x10112x64xf32, #tpu.memory_space<hbm>> -> memref<10112x64xf32, #tpu.memory_space<hbm>>
      %dma_wait3A_67 = arith.constant 0 : i32
      %dma_wait3A_68 = tpu.memref_slice %dma_wait3A_66[%mul3A_4, %dma_wait3A_67] : memref<10112x64xf32, #tpu.memory_space<hbm>> -> memref<632x64xf32, #tpu.memory_space<hbm>>
      tpu.wait_dma2 semaphore(%run_scoped3A : memref<!tpu.dma_semaphore, #tpu.memory_space<semaphore_mem>>) src(%dma_wait3A_68 : memref<632x64xf32, #tpu.memory_space<hbm>>) dst(%dma_wait3A_62 : memref<632x64xf32, #tpu.memory_space<vmem_shared>>)
      tpu.yield
    }) : () -> ()
    %barrier3A = arith.constant 0 : index
    tpu.barrier barrier_id(%barrier3A)
    %dma_start3A = arith.constant 0 : i32
    %dma_start3A_5 = arith.constant 0 : i32
    %dma_start3A_6 = tpu.memref_slice %arg6[%dma_start3A, %dma_start3A_5] : memref<160x128xi32, #tpu.memory_space<vmem>> -> memref<1x128xi32, #tpu.memory_space<vmem>>
    %dma_start3A_7 = tpu.memref_squeeze %dma_start3A_6 : memref<1x128xi32, #tpu.memory_space<vmem>> -> memref<128xi32, #tpu.memory_space<vmem>>
    %dma_start3A_8 = arith.constant 0 : i32
    %dma_start3A_9 = arith.constant 0 : i32
    %dma_start3A_10 = tpu.memref_slice %arg2[%arg0, %dma_start3A_8, %dma_start3A_9] : memref<2x10112x64xf32, #tpu.memory_space<hbm>> -> memref<1x10112x64xf32, #tpu.memory_space<hbm>>
    %dma_start3A_11 = tpu.memref_squeeze %dma_start3A_10 : memref<1x10112x64xf32, #tpu.memory_space<hbm>> -> memref<10112x64xf32, #tpu.memory_space<hbm>>
    %dma_start3A_12 = arith.constant 0 : i32
    %dma_start3A_13 = arith.constant 0 : i32
    %dma_start3A_14 = tpu.memref_slice %dma_start3A_11[%dma_start3A_12, %dma_start3A_13] : memref<10112x64xf32, #tpu.memory_space<hbm>> -> memref<10112x64xf32, #tpu.memory_space<hbm>>
    tpu.enqueue_indirect_dma source(%dma_start3A_14 : memref<10112x64xf32, #tpu.memory_space<hbm>>) target(%arg8 : memref<128x64xf32, #tpu.memory_space<vmem>>) offsets(%dma_start3A_7 : memref<128xi32, #tpu.memory_space<vmem>>) semaphore(%arg13 : memref<!tpu.dma_semaphore, #tpu.memory_space<semaphore_mem>>)
    %dma_start3A_15 = arith.constant 1 : i32
    %dma_start3A_16 = arith.constant 0 : i32
    %dma_start3A_17 = tpu.memref_slice %arg6[%dma_start3A_15, %dma_start3A_16] : memref<160x128xi32, #tpu.memory_space<vmem>> -> memref<1x128xi32, #tpu.memory_space<vmem>>
    %dma_start3A_18 = tpu.memref_squeeze %dma_start3A_17 : memref<1x128xi32, #tpu.memory_space<vmem>> -> memref<128xi32, #tpu.memory_space<vmem>>
    %dma_start3A_19 = arith.constant 0 : i32
    %dma_start3A_20 = arith.constant 0 : i32
    %dma_start3A_21 = tpu.memref_slice %arg2[%arg0, %dma_start3A_19, %dma_start3A_20] : memref<2x10112x64xf32, #tpu.memory_space<hbm>> -> memref<1x10112x64xf32, #tpu.memory_space<hbm>>
    %dma_start3A_22 = tpu.memref_squeeze %dma_start3A_21 : memref<1x10112x64xf32, #tpu.memory_space<hbm>> -> memref<10112x64xf32, #tpu.memory_space<hbm>>
    %dma_start3A_23 = arith.constant 0 : i32
    %dma_start3A_24 = arith.constant 0 : i32
    %dma_start3A_25 = tpu.memref_slice %dma_start3A_22[%dma_start3A_23, %dma_start3A_24] : memref<10112x64xf32, #tpu.memory_space<hbm>> -> memref<10112x64xf32, #tpu.memory_space<hbm>>
    tpu.enqueue_indirect_dma source(%dma_start3A_25 : memref<10112x64xf32, #tpu.memory_space<hbm>>) target(%arg9 : memref<128x64xf32, #tpu.memory_space<vmem>>) offsets(%dma_start3A_18 : memref<128xi32, #tpu.memory_space<vmem>>) semaphore(%arg14 : memref<!tpu.dma_semaphore, #tpu.memory_space<semaphore_mem>>)
    %dma_start3A_26 = arith.constant 2 : i32
    %dma_start3A_27 = arith.constant 0 : i32
    %dma_start3A_28 = tpu.memref_slice %arg6[%dma_start3A_26, %dma_start3A_27] : memref<160x128xi32, #tpu.memory_space<vmem>> -> memref<1x128xi32, #tpu.memory_space<vmem>>
    %dma_start3A_29 = tpu.memref_squeeze %dma_start3A_28 : memref<1x128xi32, #tpu.memory_space<vmem>> -> memref<128xi32, #tpu.memory_space<vmem>>
    %dma_start3A_30 = arith.constant 0 : i32
    %dma_start3A_31 = arith.constant 0 : i32
    %dma_start3A_32 = tpu.memref_slice %arg2[%arg0, %dma_start3A_30, %dma_start3A_31] : memref<2x10112x64xf32, #tpu.memory_space<hbm>> -> memref<1x10112x64xf32, #tpu.memory_space<hbm>>
    %dma_start3A_33 = tpu.memref_squeeze %dma_start3A_32 : memref<1x10112x64xf32, #tpu.memory_space<hbm>> -> memref<10112x64xf32, #tpu.memory_space<hbm>>
    %dma_start3A_34 = arith.constant 0 : i32
    %dma_start3A_35 = arith.constant 0 : i32
    %dma_start3A_36 = tpu.memref_slice %dma_start3A_33[%dma_start3A_34, %dma_start3A_35] : memref<10112x64xf32, #tpu.memory_space<hbm>> -> memref<10112x64xf32, #tpu.memory_space<hbm>>
    tpu.enqueue_indirect_dma source(%dma_start3A_36 : memref<10112x64xf32, #tpu.memory_space<hbm>>) target(%arg10 : memref<128x64xf32, #tpu.memory_space<vmem>>) offsets(%dma_start3A_29 : memref<128xi32, #tpu.memory_space<vmem>>) semaphore(%arg15 : memref<!tpu.dma_semaphore, #tpu.memory_space<semaphore_mem>>)
    %dma_start3A_37 = arith.constant 3 : i32
    %dma_start3A_38 = arith.constant 0 : i32
    %dma_start3A_39 = tpu.memref_slice %arg6[%dma_start3A_37, %dma_start3A_38] : memref<160x128xi32, #tpu.memory_space<vmem>> -> memref<1x128xi32, #tpu.memory_space<vmem>>
    %dma_start3A_40 = tpu.memref_squeeze %dma_start3A_39 : memref<1x128xi32, #tpu.memory_space<vmem>> -> memref<128xi32, #tpu.memory_space<vmem>>
    %dma_start3A_41 = arith.constant 0 : i32
    %dma_start3A_42 = arith.constant 0 : i32
    %dma_start3A_43 = tpu.memref_slice %arg2[%arg0, %dma_start3A_41, %dma_start3A_42] : memref<2x10112x64xf32, #tpu.memory_space<hbm>> -> memref<1x10112x64xf32, #tpu.memory_space<hbm>>
    %dma_start3A_44 = tpu.memref_squeeze %dma_start3A_43 : memref<1x10112x64xf32, #tpu.memory_space<hbm>> -> memref<10112x64xf32, #tpu.memory_space<hbm>>
    %dma_start3A_45 = arith.constant 0 : i32
    %dma_start3A_46 = arith.constant 0 : i32
    %dma_start3A_47 = tpu.memref_slice %dma_start3A_44[%dma_start3A_45, %dma_start3A_46] : memref<10112x64xf32, #tpu.memory_space<hbm>> -> memref<10112x64xf32, #tpu.memory_space<hbm>>
    tpu.enqueue_indirect_dma source(%dma_start3A_47 : memref<10112x64xf32, #tpu.memory_space<hbm>>) target(%arg11 : memref<128x64xf32, #tpu.memory_space<vmem>>) offsets(%dma_start3A_40 : memref<128xi32, #tpu.memory_space<vmem>>) semaphore(%arg16 : memref<!tpu.dma_semaphore, #tpu.memory_space<semaphore_mem>>)
    %scan3A = arith.constant 0 : i32
    %scan3A_48 = arith.constant 0 : i32
    %scan3A_49 = arith.constant 40 : i32
    %scan3A_50 = arith.addi %scan3A_48, %scan3A_49 : i32
    %scan3A_51 = arith.constant 1 : i32
    scf.for %scan3A_54 = %scan3A_48 to %scan3A_50 step %scan3A_51  : i32 {
      %mul3A_55 = arith.constant 4 : i32
      %mul3A_56 = arith.muli %mul3A_55, %scan3A_54 : i32
      %add3A = arith.constant 0 : i32
      %add3A_57 = arith.addi %mul3A_56, %add3A : i32
      %dma_wait3A = arith.constant 0 : i32
      %dma_wait3A_58 = arith.constant 0 : i32
      %dma_wait3A_59 = tpu.memref_slice %arg2[%arg0, %dma_wait3A, %dma_wait3A_58] : memref<2x10112x64xf32, #tpu.memory_space<hbm>> -> memref<1x10112x64xf32, #tpu.memory_space<hbm>>
      %dma_wait3A_60 = tpu.memref_squeeze %dma_wait3A_59 : memref<1x10112x64xf32, #tpu.memory_space<hbm>> -> memref<10112x64xf32, #tpu.memory_space<hbm>>
      %dma_wait3A_61 = arith.constant 0 : i32
      %dma_wait3A_62 = arith.constant 0 : i32
      %dma_wait3A_63 = tpu.memref_slice %dma_wait3A_60[%dma_wait3A_61, %dma_wait3A_62] : memref<10112x64xf32, #tpu.memory_space<hbm>> -> memref<128x64xf32, #tpu.memory_space<hbm>>
      %dma_wait3A_64 = arith.constant 0 : i32
      %dma_wait3A_65 = arith.constant 0 : i32
      %dma_wait3A_66 = tpu.memref_slice %arg2[%arg0, %dma_wait3A_64, %dma_wait3A_65] : memref<2x10112x64xf32, #tpu.memory_space<hbm>> -> memref<1x10112x64xf32, #tpu.memory_space<hbm>>
      %dma_wait3A_67 = tpu.memref_squeeze %dma_wait3A_66 : memref<1x10112x64xf32, #tpu.memory_space<hbm>> -> memref<10112x64xf32, #tpu.memory_space<hbm>>
      %dma_wait3A_68 = arith.constant 0 : i32
      %dma_wait3A_69 = arith.constant 0 : i32
      %dma_wait3A_70 = tpu.memref_slice %dma_wait3A_67[%dma_wait3A_68, %dma_wait3A_69] : memref<10112x64xf32, #tpu.memory_space<hbm>> -> memref<128x64xf32, #tpu.memory_space<hbm>>
      tpu.wait_dma2 semaphore(%arg13 : memref<!tpu.dma_semaphore, #tpu.memory_space<semaphore_mem>>) src(%dma_wait3A_70 : memref<128x64xf32, #tpu.memory_space<hbm>>) dst(%arg8 : memref<128x64xf32, #tpu.memory_space<vmem>>)
      "tpu.region"() ({
        %run_scoped3A = tpu.sem_alloc : memref<!tpu.dma_semaphore, #tpu.memory_space<semaphore_mem>>
        %dma_start3A_150 = arith.constant 0 : i32
        %dma_start3A_151 = tpu.memref_slice %arg7[%add3A_57, %dma_start3A_150] : memref<160x128xi32, #tpu.memory_space<vmem>> -> memref<1x128xi32, #tpu.memory_space<vmem>>
        %dma_start3A_152 = tpu.memref_squeeze %dma_start3A_151 : memref<1x128xi32, #tpu.memory_space<vmem>> -> memref<128xi32, #tpu.memory_space<vmem>>
        %dma_start3A_153 = arith.constant 0 : i32
        %dma_start3A_154 = arith.constant 0 : i32
        %dma_start3A_155 = tpu.memref_slice %arg12[%dma_start3A_153, %dma_start3A_154] : memref<10112x64xf32, #tpu.memory_space<vmem_shared>> -> memref<10112x64xf32, #tpu.memory_space<vmem_shared>>
        tpu.enqueue_indirect_dma source(%arg8 : memref<128x64xf32, #tpu.memory_space<vmem>>) target(%dma_start3A_155 : memref<10112x64xf32, #tpu.memory_space<vmem_shared>>) offsets(%dma_start3A_152 : memref<128xi32, #tpu.memory_space<vmem>>) semaphore(%run_scoped3A : memref<!tpu.dma_semaphore, #tpu.memory_space<semaphore_mem>>) {add = true}
        %dma_wait3A_156 = arith.constant 0 : i32
        %dma_wait3A_157 = tpu.memref_slice %arg7[%add3A_57, %dma_wait3A_156] : memref<160x128xi32, #tpu.memory_space<vmem>> -> memref<1x128xi32, #tpu.memory_space<vmem>>
        %dma_wait3A_158 = tpu.memref_squeeze %dma_wait3A_157 : memref<1x128xi32, #tpu.memory_space<vmem>> -> memref<128xi32, #tpu.memory_space<vmem>>
        %dma_wait3A_159 = arith.constant 0 : i32
        %dma_wait3A_160 = arith.constant 0 : i32
        %dma_wait3A_161 = tpu.memref_slice %arg12[%dma_wait3A_159, %dma_wait3A_160] : memref<10112x64xf32, #tpu.memory_space<vmem_shared>> -> memref<10112x64xf32, #tpu.memory_space<vmem_shared>>
        tpu.wait_indirect_dma semaphore(%run_scoped3A : memref<!tpu.dma_semaphore, #tpu.memory_space<semaphore_mem>>) src(%arg8 : memref<128x64xf32, #tpu.memory_space<vmem>>) dst(%dma_wait3A_161 : memref<10112x64xf32, #tpu.memory_space<vmem_shared>>)
        tpu.yield
      }) : () -> ()
      %add3A_71 = arith.constant 4 : i32
      %add3A_72 = arith.addi %add3A_57, %add3A_71 : i32
      %lt3A = arith.constant 160 : i32
      %lt3A_73 = arith.cmpi slt, %add3A_72, %lt3A : i32
      %convert_element_type3A = arith.extui %lt3A_73 : i1 to i32
      %cond3A = arith.constant 0 : i32
      %cond3A_74 = arith.cmpi ne, %convert_element_type3A, %cond3A : i32
      scf.if %cond3A_74 {
        %add3A_150 = arith.constant 4 : i32
        %add3A_151 = arith.addi %add3A_57, %add3A_150 : i32
        %dma_start3A_152 = arith.constant 0 : i32
        %dma_start3A_153 = tpu.memref_slice %arg6[%add3A_151, %dma_start3A_152] : memref<160x128xi32, #tpu.memory_space<vmem>> -> memref<1x128xi32, #tpu.memory_space<vmem>>
        %dma_start3A_154 = tpu.memref_squeeze %dma_start3A_153 : memref<1x128xi32, #tpu.memory_space<vmem>> -> memref<128xi32, #tpu.memory_space<vmem>>
        %dma_start3A_155 = arith.constant 0 : i32
        %dma_start3A_156 = arith.constant 0 : i32
        %dma_start3A_157 = tpu.memref_slice %arg2[%arg0, %dma_start3A_155, %dma_start3A_156] : memref<2x10112x64xf32, #tpu.memory_space<hbm>> -> memref<1x10112x64xf32, #tpu.memory_space<hbm>>
        %dma_start3A_158 = tpu.memref_squeeze %dma_start3A_157 : memref<1x10112x64xf32, #tpu.memory_space<hbm>> -> memref<10112x64xf32, #tpu.memory_space<hbm>>
        %dma_start3A_159 = arith.constant 0 : i32
        %dma_start3A_160 = arith.constant 0 : i32
        %dma_start3A_161 = tpu.memref_slice %dma_start3A_158[%dma_start3A_159, %dma_start3A_160] : memref<10112x64xf32, #tpu.memory_space<hbm>> -> memref<10112x64xf32, #tpu.memory_space<hbm>>
        tpu.enqueue_indirect_dma source(%dma_start3A_161 : memref<10112x64xf32, #tpu.memory_space<hbm>>) target(%arg8 : memref<128x64xf32, #tpu.memory_space<vmem>>) offsets(%dma_start3A_154 : memref<128xi32, #tpu.memory_space<vmem>>) semaphore(%arg13 : memref<!tpu.dma_semaphore, #tpu.memory_space<semaphore_mem>>)
      } else {
      }
      %mul3A_75 = arith.constant 4 : i32
      %mul3A_76 = arith.muli %mul3A_75, %scan3A_54 : i32
      %add3A_77 = arith.constant 1 : i32
      %add3A_78 = arith.addi %mul3A_76, %add3A_77 : i32
      %dma_wait3A_79 = arith.constant 0 : i32
      %dma_wait3A_80 = arith.constant 0 : i32
      %dma_wait3A_81 = tpu.memref_slice %arg2[%arg0, %dma_wait3A_79, %dma_wait3A_80] : memref<2x10112x64xf32, #tpu.memory_space<hbm>> -> memref<1x10112x64xf32, #tpu.memory_space<hbm>>
      %dma_wait3A_82 = tpu.memref_squeeze %dma_wait3A_81 : memref<1x10112x64xf32, #tpu.memory_space<hbm>> -> memref<10112x64xf32, #tpu.memory_space<hbm>>
      %dma_wait3A_83 = arith.constant 0 : i32
      %dma_wait3A_84 = arith.constant 0 : i32
      %dma_wait3A_85 = tpu.memref_slice %dma_wait3A_82[%dma_wait3A_83, %dma_wait3A_84] : memref<10112x64xf32, #tpu.memory_space<hbm>> -> memref<128x64xf32, #tpu.memory_space<hbm>>
      %dma_wait3A_86 = arith.constant 0 : i32
      %dma_wait3A_87 = arith.constant 0 : i32
      %dma_wait3A_88 = tpu.memref_slice %arg2[%arg0, %dma_wait3A_86, %dma_wait3A_87] : memref<2x10112x64xf32, #tpu.memory_space<hbm>> -> memref<1x10112x64xf32, #tpu.memory_space<hbm>>
      %dma_wait3A_89 = tpu.memref_squeeze %dma_wait3A_88 : memref<1x10112x64xf32, #tpu.memory_space<hbm>> -> memref<10112x64xf32, #tpu.memory_space<hbm>>
      %dma_wait3A_90 = arith.constant 0 : i32
      %dma_wait3A_91 = arith.constant 0 : i32
      %dma_wait3A_92 = tpu.memref_slice %dma_wait3A_89[%dma_wait3A_90, %dma_wait3A_91] : memref<10112x64xf32, #tpu.memory_space<hbm>> -> memref<128x64xf32, #tpu.memory_space<hbm>>
      tpu.wait_dma2 semaphore(%arg14 : memref<!tpu.dma_semaphore, #tpu.memory_space<semaphore_mem>>) src(%dma_wait3A_92 : memref<128x64xf32, #tpu.memory_space<hbm>>) dst(%arg9 : memref<128x64xf32, #tpu.memory_space<vmem>>)
      "tpu.region"() ({
        %run_scoped3A = tpu.sem_alloc : memref<!tpu.dma_semaphore, #tpu.memory_space<semaphore_mem>>
        %dma_start3A_150 = arith.constant 0 : i32
        %dma_start3A_151 = tpu.memref_slice %arg7[%add3A_78, %dma_start3A_150] : memref<160x128xi32, #tpu.memory_space<vmem>> -> memref<1x128xi32, #tpu.memory_space<vmem>>
        %dma_start3A_152 = tpu.memref_squeeze %dma_start3A_151 : memref<1x128xi32, #tpu.memory_space<vmem>> -> memref<128xi32, #tpu.memory_space<vmem>>
        %dma_start3A_153 = arith.constant 0 : i32
        %dma_start3A_154 = arith.constant 0 : i32
        %dma_start3A_155 = tpu.memref_slice %arg12[%dma_start3A_153, %dma_start3A_154] : memref<10112x64xf32, #tpu.memory_space<vmem_shared>> -> memref<10112x64xf32, #tpu.memory_space<vmem_shared>>
        tpu.enqueue_indirect_dma source(%arg9 : memref<128x64xf32, #tpu.memory_space<vmem>>) target(%dma_start3A_155 : memref<10112x64xf32, #tpu.memory_space<vmem_shared>>) offsets(%dma_start3A_152 : memref<128xi32, #tpu.memory_space<vmem>>) semaphore(%run_scoped3A : memref<!tpu.dma_semaphore, #tpu.memory_space<semaphore_mem>>) {add = true}
        %dma_wait3A_156 = arith.constant 0 : i32
        %dma_wait3A_157 = tpu.memref_slice %arg7[%add3A_78, %dma_wait3A_156] : memref<160x128xi32, #tpu.memory_space<vmem>> -> memref<1x128xi32, #tpu.memory_space<vmem>>
        %dma_wait3A_158 = tpu.memref_squeeze %dma_wait3A_157 : memref<1x128xi32, #tpu.memory_space<vmem>> -> memref<128xi32, #tpu.memory_space<vmem>>
        %dma_wait3A_159 = arith.constant 0 : i32
        %dma_wait3A_160 = arith.constant 0 : i32
        %dma_wait3A_161 = tpu.memref_slice %arg12[%dma_wait3A_159, %dma_wait3A_160] : memref<10112x64xf32, #tpu.memory_space<vmem_shared>> -> memref<10112x64xf32, #tpu.memory_space<vmem_shared>>
        tpu.wait_indirect_dma semaphore(%run_scoped3A : memref<!tpu.dma_semaphore, #tpu.memory_space<semaphore_mem>>) src(%arg9 : memref<128x64xf32, #tpu.memory_space<vmem>>) dst(%dma_wait3A_161 : memref<10112x64xf32, #tpu.memory_space<vmem_shared>>)
        tpu.yield
      }) : () -> ()
      %add3A_93 = arith.constant 4 : i32
      %add3A_94 = arith.addi %add3A_78, %add3A_93 : i32
      %lt3A_95 = arith.constant 160 : i32
      %lt3A_96 = arith.cmpi slt, %add3A_94, %lt3A_95 : i32
      %convert_element_type3A_97 = arith.extui %lt3A_96 : i1 to i32
      %cond3A_98 = arith.constant 0 : i32
      %cond3A_99 = arith.cmpi ne, %convert_element_type3A_97, %cond3A_98 : i32
      scf.if %cond3A_99 {
        %add3A_150 = arith.constant 4 : i32
        %add3A_151 = arith.addi %add3A_78, %add3A_150 : i32
        %dma_start3A_152 = arith.constant 0 : i32
        %dma_start3A_153 = tpu.memref_slice %arg6[%add3A_151, %dma_start3A_152] : memref<160x128xi32, #tpu.memory_space<vmem>> -> memref<1x128xi32, #tpu.memory_space<vmem>>
        %dma_start3A_154 = tpu.memref_squeeze %dma_start3A_153 : memref<1x128xi32, #tpu.memory_space<vmem>> -> memref<128xi32, #tpu.memory_space<vmem>>
        %dma_start3A_155 = arith.constant 0 : i32
        %dma_start3A_156 = arith.constant 0 : i32
        %dma_start3A_157 = tpu.memref_slice %arg2[%arg0, %dma_start3A_155, %dma_start3A_156] : memref<2x10112x64xf32, #tpu.memory_space<hbm>> -> memref<1x10112x64xf32, #tpu.memory_space<hbm>>
        %dma_start3A_158 = tpu.memref_squeeze %dma_start3A_157 : memref<1x10112x64xf32, #tpu.memory_space<hbm>> -> memref<10112x64xf32, #tpu.memory_space<hbm>>
        %dma_start3A_159 = arith.constant 0 : i32
        %dma_start3A_160 = arith.constant 0 : i32
        %dma_start3A_161 = tpu.memref_slice %dma_start3A_158[%dma_start3A_159, %dma_start3A_160] : memref<10112x64xf32, #tpu.memory_space<hbm>> -> memref<10112x64xf32, #tpu.memory_space<hbm>>
        tpu.enqueue_indirect_dma source(%dma_start3A_161 : memref<10112x64xf32, #tpu.memory_space<hbm>>) target(%arg9 : memref<128x64xf32, #tpu.memory_space<vmem>>) offsets(%dma_start3A_154 : memref<128xi32, #tpu.memory_space<vmem>>) semaphore(%arg14 : memref<!tpu.dma_semaphore, #tpu.memory_space<semaphore_mem>>)
      } else {
      }
      %mul3A_100 = arith.constant 4 : i32
      %mul3A_101 = arith.muli %mul3A_100, %scan3A_54 : i32
      %add3A_102 = arith.constant 2 : i32
      %add3A_103 = arith.addi %mul3A_101, %add3A_102 : i32
      %dma_wait3A_104 = arith.constant 0 : i32
      %dma_wait3A_105 = arith.constant 0 : i32
      %dma_wait3A_106 = tpu.memref_slice %arg2[%arg0, %dma_wait3A_104, %dma_wait3A_105] : memref<2x10112x64xf32, #tpu.memory_space<hbm>> -> memref<1x10112x64xf32, #tpu.memory_space<hbm>>
      %dma_wait3A_107 = tpu.memref_squeeze %dma_wait3A_106 : memref<1x10112x64xf32, #tpu.memory_space<hbm>> -> memref<10112x64xf32, #tpu.memory_space<hbm>>
      %dma_wait3A_108 = arith.constant 0 : i32
      %dma_wait3A_109 = arith.constant 0 : i32
      %dma_wait3A_110 = tpu.memref_slice %dma_wait3A_107[%dma_wait3A_108, %dma_wait3A_109] : memref<10112x64xf32, #tpu.memory_space<hbm>> -> memref<128x64xf32, #tpu.memory_space<hbm>>
      %dma_wait3A_111 = arith.constant 0 : i32
      %dma_wait3A_112 = arith.constant 0 : i32
      %dma_wait3A_113 = tpu.memref_slice %arg2[%arg0, %dma_wait3A_111, %dma_wait3A_112] : memref<2x10112x64xf32, #tpu.memory_space<hbm>> -> memref<1x10112x64xf32, #tpu.memory_space<hbm>>
      %dma_wait3A_114 = tpu.memref_squeeze %dma_wait3A_113 : memref<1x10112x64xf32, #tpu.memory_space<hbm>> -> memref<10112x64xf32, #tpu.memory_space<hbm>>
      %dma_wait3A_115 = arith.constant 0 : i32
      %dma_wait3A_116 = arith.constant 0 : i32
      %dma_wait3A_117 = tpu.memref_slice %dma_wait3A_114[%dma_wait3A_115, %dma_wait3A_116] : memref<10112x64xf32, #tpu.memory_space<hbm>> -> memref<128x64xf32, #tpu.memory_space<hbm>>
      tpu.wait_dma2 semaphore(%arg15 : memref<!tpu.dma_semaphore, #tpu.memory_space<semaphore_mem>>) src(%dma_wait3A_117 : memref<128x64xf32, #tpu.memory_space<hbm>>) dst(%arg10 : memref<128x64xf32, #tpu.memory_space<vmem>>)
      "tpu.region"() ({
        %run_scoped3A = tpu.sem_alloc : memref<!tpu.dma_semaphore, #tpu.memory_space<semaphore_mem>>
        %dma_start3A_150 = arith.constant 0 : i32
        %dma_start3A_151 = tpu.memref_slice %arg7[%add3A_103, %dma_start3A_150] : memref<160x128xi32, #tpu.memory_space<vmem>> -> memref<1x128xi32, #tpu.memory_space<vmem>>
        %dma_start3A_152 = tpu.memref_squeeze %dma_start3A_151 : memref<1x128xi32, #tpu.memory_space<vmem>> -> memref<128xi32, #tpu.memory_space<vmem>>
        %dma_start3A_153 = arith.constant 0 : i32
        %dma_start3A_154 = arith.constant 0 : i32
        %dma_start3A_155 = tpu.memref_slice %arg12[%dma_start3A_153, %dma_start3A_154] : memref<10112x64xf32, #tpu.memory_space<vmem_shared>> -> memref<10112x64xf32, #tpu.memory_space<vmem_shared>>
        tpu.enqueue_indirect_dma source(%arg10 : memref<128x64xf32, #tpu.memory_space<vmem>>) target(%dma_start3A_155 : memref<10112x64xf32, #tpu.memory_space<vmem_shared>>) offsets(%dma_start3A_152 : memref<128xi32, #tpu.memory_space<vmem>>) semaphore(%run_scoped3A : memref<!tpu.dma_semaphore, #tpu.memory_space<semaphore_mem>>) {add = true}
        %dma_wait3A_156 = arith.constant 0 : i32
        %dma_wait3A_157 = tpu.memref_slice %arg7[%add3A_103, %dma_wait3A_156] : memref<160x128xi32, #tpu.memory_space<vmem>> -> memref<1x128xi32, #tpu.memory_space<vmem>>
        %dma_wait3A_158 = tpu.memref_squeeze %dma_wait3A_157 : memref<1x128xi32, #tpu.memory_space<vmem>> -> memref<128xi32, #tpu.memory_space<vmem>>
        %dma_wait3A_159 = arith.constant 0 : i32
        %dma_wait3A_160 = arith.constant 0 : i32
        %dma_wait3A_161 = tpu.memref_slice %arg12[%dma_wait3A_159, %dma_wait3A_160] : memref<10112x64xf32, #tpu.memory_space<vmem_shared>> -> memref<10112x64xf32, #tpu.memory_space<vmem_shared>>
        tpu.wait_indirect_dma semaphore(%run_scoped3A : memref<!tpu.dma_semaphore, #tpu.memory_space<semaphore_mem>>) src(%arg10 : memref<128x64xf32, #tpu.memory_space<vmem>>) dst(%dma_wait3A_161 : memref<10112x64xf32, #tpu.memory_space<vmem_shared>>)
        tpu.yield
      }) : () -> ()
      %add3A_118 = arith.constant 4 : i32
      %add3A_119 = arith.addi %add3A_103, %add3A_118 : i32
      %lt3A_120 = arith.constant 160 : i32
      %lt3A_121 = arith.cmpi slt, %add3A_119, %lt3A_120 : i32
      %convert_element_type3A_122 = arith.extui %lt3A_121 : i1 to i32
      %cond3A_123 = arith.constant 0 : i32
      %cond3A_124 = arith.cmpi ne, %convert_element_type3A_122, %cond3A_123 : i32
      scf.if %cond3A_124 {
        %add3A_150 = arith.constant 4 : i32
        %add3A_151 = arith.addi %add3A_103, %add3A_150 : i32
        %dma_start3A_152 = arith.constant 0 : i32
        %dma_start3A_153 = tpu.memref_slice %arg6[%add3A_151, %dma_start3A_152] : memref<160x128xi32, #tpu.memory_space<vmem>> -> memref<1x128xi32, #tpu.memory_space<vmem>>
        %dma_start3A_154 = tpu.memref_squeeze %dma_start3A_153 : memref<1x128xi32, #tpu.memory_space<vmem>> -> memref<128xi32, #tpu.memory_space<vmem>>
        %dma_start3A_155 = arith.constant 0 : i32
        %dma_start3A_156 = arith.constant 0 : i32
        %dma_start3A_157 = tpu.memref_slice %arg2[%arg0, %dma_start3A_155, %dma_start3A_156] : memref<2x10112x64xf32, #tpu.memory_space<hbm>> -> memref<1x10112x64xf32, #tpu.memory_space<hbm>>
        %dma_start3A_158 = tpu.memref_squeeze %dma_start3A_157 : memref<1x10112x64xf32, #tpu.memory_space<hbm>> -> memref<10112x64xf32, #tpu.memory_space<hbm>>
        %dma_start3A_159 = arith.constant 0 : i32
        %dma_start3A_160 = arith.constant 0 : i32
        %dma_start3A_161 = tpu.memref_slice %dma_start3A_158[%dma_start3A_159, %dma_start3A_160] : memref<10112x64xf32, #tpu.memory_space<hbm>> -> memref<10112x64xf32, #tpu.memory_space<hbm>>
        tpu.enqueue_indirect_dma source(%dma_start3A_161 : memref<10112x64xf32, #tpu.memory_space<hbm>>) target(%arg10 : memref<128x64xf32, #tpu.memory_space<vmem>>) offsets(%dma_start3A_154 : memref<128xi32, #tpu.memory_space<vmem>>) semaphore(%arg15 : memref<!tpu.dma_semaphore, #tpu.memory_space<semaphore_mem>>)
      } else {
      }
      %mul3A_125 = arith.constant 4 : i32
      %mul3A_126 = arith.muli %mul3A_125, %scan3A_54 : i32
      %add3A_127 = arith.constant 3 : i32
      %add3A_128 = arith.addi %mul3A_126, %add3A_127 : i32
      %dma_wait3A_129 = arith.constant 0 : i32
      %dma_wait3A_130 = arith.constant 0 : i32
      %dma_wait3A_131 = tpu.memref_slice %arg2[%arg0, %dma_wait3A_129, %dma_wait3A_130] : memref<2x10112x64xf32, #tpu.memory_space<hbm>> -> memref<1x10112x64xf32, #tpu.memory_space<hbm>>
      %dma_wait3A_132 = tpu.memref_squeeze %dma_wait3A_131 : memref<1x10112x64xf32, #tpu.memory_space<hbm>> -> memref<10112x64xf32, #tpu.memory_space<hbm>>
      %dma_wait3A_133 = arith.constant 0 : i32
      %dma_wait3A_134 = arith.constant 0 : i32
      %dma_wait3A_135 = tpu.memref_slice %dma_wait3A_132[%dma_wait3A_133, %dma_wait3A_134] : memref<10112x64xf32, #tpu.memory_space<hbm>> -> memref<128x64xf32, #tpu.memory_space<hbm>>
      %dma_wait3A_136 = arith.constant 0 : i32
      %dma_wait3A_137 = arith.constant 0 : i32
      %dma_wait3A_138 = tpu.memref_slice %arg2[%arg0, %dma_wait3A_136, %dma_wait3A_137] : memref<2x10112x64xf32, #tpu.memory_space<hbm>> -> memref<1x10112x64xf32, #tpu.memory_space<hbm>>
      %dma_wait3A_139 = tpu.memref_squeeze %dma_wait3A_138 : memref<1x10112x64xf32, #tpu.memory_space<hbm>> -> memref<10112x64xf32, #tpu.memory_space<hbm>>
      %dma_wait3A_140 = arith.constant 0 : i32
      %dma_wait3A_141 = arith.constant 0 : i32
      %dma_wait3A_142 = tpu.memref_slice %dma_wait3A_139[%dma_wait3A_140, %dma_wait3A_141] : memref<10112x64xf32, #tpu.memory_space<hbm>> -> memref<128x64xf32, #tpu.memory_space<hbm>>
      tpu.wait_dma2 semaphore(%arg16 : memref<!tpu.dma_semaphore, #tpu.memory_space<semaphore_mem>>) src(%dma_wait3A_142 : memref<128x64xf32, #tpu.memory_space<hbm>>) dst(%arg11 : memref<128x64xf32, #tpu.memory_space<vmem>>)
      "tpu.region"() ({
        %run_scoped3A = tpu.sem_alloc : memref<!tpu.dma_semaphore, #tpu.memory_space<semaphore_mem>>
        %dma_start3A_150 = arith.constant 0 : i32
        %dma_start3A_151 = tpu.memref_slice %arg7[%add3A_128, %dma_start3A_150] : memref<160x128xi32, #tpu.memory_space<vmem>> -> memref<1x128xi32, #tpu.memory_space<vmem>>
        %dma_start3A_152 = tpu.memref_squeeze %dma_start3A_151 : memref<1x128xi32, #tpu.memory_space<vmem>> -> memref<128xi32, #tpu.memory_space<vmem>>
        %dma_start3A_153 = arith.constant 0 : i32
        %dma_start3A_154 = arith.constant 0 : i32
        %dma_start3A_155 = tpu.memref_slice %arg12[%dma_start3A_153, %dma_start3A_154] : memref<10112x64xf32, #tpu.memory_space<vmem_shared>> -> memref<10112x64xf32, #tpu.memory_space<vmem_shared>>
        tpu.enqueue_indirect_dma source(%arg11 : memref<128x64xf32, #tpu.memory_space<vmem>>) target(%dma_start3A_155 : memref<10112x64xf32, #tpu.memory_space<vmem_shared>>) offsets(%dma_start3A_152 : memref<128xi32, #tpu.memory_space<vmem>>) semaphore(%run_scoped3A : memref<!tpu.dma_semaphore, #tpu.memory_space<semaphore_mem>>) {add = true}
        %dma_wait3A_156 = arith.constant 0 : i32
        %dma_wait3A_157 = tpu.memref_slice %arg7[%add3A_128, %dma_wait3A_156] : memref<160x128xi32, #tpu.memory_space<vmem>> -> memref<1x128xi32, #tpu.memory_space<vmem>>
        %dma_wait3A_158 = tpu.memref_squeeze %dma_wait3A_157 : memref<1x128xi32, #tpu.memory_space<vmem>> -> memref<128xi32, #tpu.memory_space<vmem>>
        %dma_wait3A_159 = arith.constant 0 : i32
        %dma_wait3A_160 = arith.constant 0 : i32
        %dma_wait3A_161 = tpu.memref_slice %arg12[%dma_wait3A_159, %dma_wait3A_160] : memref<10112x64xf32, #tpu.memory_space<vmem_shared>> -> memref<10112x64xf32, #tpu.memory_space<vmem_shared>>
        tpu.wait_indirect_dma semaphore(%run_scoped3A : memref<!tpu.dma_semaphore, #tpu.memory_space<semaphore_mem>>) src(%arg11 : memref<128x64xf32, #tpu.memory_space<vmem>>) dst(%dma_wait3A_161 : memref<10112x64xf32, #tpu.memory_space<vmem_shared>>)
        tpu.yield
      }) : () -> ()
      %add3A_143 = arith.constant 4 : i32
      %add3A_144 = arith.addi %add3A_128, %add3A_143 : i32
      %lt3A_145 = arith.constant 160 : i32
      %lt3A_146 = arith.cmpi slt, %add3A_144, %lt3A_145 : i32
      %convert_element_type3A_147 = arith.extui %lt3A_146 : i1 to i32
      %cond3A_148 = arith.constant 0 : i32
      %cond3A_149 = arith.cmpi ne, %convert_element_type3A_147, %cond3A_148 : i32
      scf.if %cond3A_149 {
        %add3A_150 = arith.constant 4 : i32
        %add3A_151 = arith.addi %add3A_128, %add3A_150 : i32
        %dma_start3A_152 = arith.constant 0 : i32
        %dma_start3A_153 = tpu.memref_slice %arg6[%add3A_151, %dma_start3A_152] : memref<160x128xi32, #tpu.memory_space<vmem>> -> memref<1x128xi32, #tpu.memory_space<vmem>>
        %dma_start3A_154 = tpu.memref_squeeze %dma_start3A_153 : memref<1x128xi32, #tpu.memory_space<vmem>> -> memref<128xi32, #tpu.memory_space<vmem>>
        %dma_start3A_155 = arith.constant 0 : i32
        %dma_start3A_156 = arith.constant 0 : i32
        %dma_start3A_157 = tpu.memref_slice %arg2[%arg0, %dma_start3A_155, %dma_start3A_156] : memref<2x10112x64xf32, #tpu.memory_space<hbm>> -> memref<1x10112x64xf32, #tpu.memory_space<hbm>>
        %dma_start3A_158 = tpu.memref_squeeze %dma_start3A_157 : memref<1x10112x64xf32, #tpu.memory_space<hbm>> -> memref<10112x64xf32, #tpu.memory_space<hbm>>
        %dma_start3A_159 = arith.constant 0 : i32
        %dma_start3A_160 = arith.constant 0 : i32
        %dma_start3A_161 = tpu.memref_slice %dma_start3A_158[%dma_start3A_159, %dma_start3A_160] : memref<10112x64xf32, #tpu.memory_space<hbm>> -> memref<10112x64xf32, #tpu.memory_space<hbm>>
        tpu.enqueue_indirect_dma source(%dma_start3A_161 : memref<10112x64xf32, #tpu.memory_space<hbm>>) target(%arg11 : memref<128x64xf32, #tpu.memory_space<vmem>>) offsets(%dma_start3A_154 : memref<128xi32, #tpu.memory_space<vmem>>) semaphore(%arg16 : memref<!tpu.dma_semaphore, #tpu.memory_space<semaphore_mem>>)
      } else {
      }
    }
    %scan3A_52 = arith.constant 40 : i32
    %barrier3A_53 = arith.constant 0 : index
    tpu.barrier barrier_id(%barrier3A_53)
    "tpu.region"() ({
      %run_scoped3A = tpu.sem_alloc : memref<!tpu.dma_semaphore, #tpu.memory_space<semaphore_mem>>
      %dma_start3A_54 = arith.constant 0 : i32
      %dma_start3A_55 = tpu.memref_slice %arg5[%arg0, %mul3A_4, %dma_start3A_54] : memref<2x10112x64xf32, #tpu.memory_space<hbm>> -> memref<1x632x64xf32, #tpu.memory_space<hbm>>
      %dma_start3A_56 = tpu.memref_squeeze %dma_start3A_55 : memref<1x632x64xf32, #tpu.memory_space<hbm>> -> memref<632x64xf32, #tpu.memory_space<hbm>>
      %dma_start3A_57 = arith.constant 0 : i32
      %dma_start3A_58 = tpu.memref_slice %arg12[%mul3A_4, %dma_start3A_57] : memref<10112x64xf32, #tpu.memory_space<vmem_shared>> -> memref<632x64xf32, #tpu.memory_space<vmem_shared>>
      tpu.enqueue_dma source(%dma_start3A_58 : memref<632x64xf32, #tpu.memory_space<vmem_shared>>) target(%dma_start3A_56 : memref<632x64xf32, #tpu.memory_space<hbm>>) target_semaphore(%run_scoped3A : memref<!tpu.dma_semaphore, #tpu.memory_space<semaphore_mem>>)
      %dma_wait3A = arith.constant 0 : i32
      %dma_wait3A_59 = tpu.memref_slice %arg5[%arg0, %mul3A_4, %dma_wait3A] : memref<2x10112x64xf32, #tpu.memory_space<hbm>> -> memref<1x632x64xf32, #tpu.memory_space<hbm>>
      %dma_wait3A_60 = tpu.memref_squeeze %dma_wait3A_59 : memref<1x632x64xf32, #tpu.memory_space<hbm>> -> memref<632x64xf32, #tpu.memory_space<hbm>>
      %dma_wait3A_61 = arith.constant 0 : i32
      %dma_wait3A_62 = tpu.memref_slice %arg12[%mul3A_4, %dma_wait3A_61] : memref<10112x64xf32, #tpu.memory_space<vmem_shared>> -> memref<632x64xf32, #tpu.memory_space<vmem_shared>>
      tpu.wait_dma2 semaphore(%run_scoped3A : memref<!tpu.dma_semaphore, #tpu.memory_space<semaphore_mem>>) src(%dma_wait3A_62 : memref<632x64xf32, #tpu.memory_space<vmem_shared>>) dst(%dma_wait3A_60 : memref<632x64xf32, #tpu.memory_space<hbm>>)
      tpu.yield
    }) : () -> ()
    return
  }
}

#map = affine_map<(d0, d1) -> (0, 0)>
#map1 = affine_map<(d0, d1) -> (0)>
module attributes {stable_mosaic.version = 14 : i64} {
  func.func @_sc_degree(%arg0: i32, %arg1: i32, %arg2: memref<2560x128xi32, #tpu.memory_space<hbm>>, %arg3: memref<10112xf32, #tpu.memory_space<hbm>>, %arg4: memref<323584xf32, #tpu.memory_space<hbm>>, %arg5: memref<80x128xi32, #tpu.memory_space<vmem>>, %arg6: memref<10112xf32, #tpu.memory_space<vmem>>) attributes {dimension_semantics = [#tpu.dimension_semantics<core_parallel>, #tpu.dimension_semantics<subcore_parallel>], iteration_bounds = array<i64: 2, 16>, scalar_prefetch = 0 : i64, scratch_operands = 2 : i64, tpu.core_type = #tpu.core_type<sc_vector_subcore>, window_params = [{transform_indices = #map}, {transform_indices = #map1}, {transform_indices = #map1}]} {
    %mul3A = arith.constant 2 : i32
    %mul3A_0 = arith.muli %arg1, %mul3A : i32
    %add3A = arith.addi %mul3A_0, %arg0 : i32
    %mul3A_1 = arith.constant 80 : i32
    %mul3A_2 = arith.muli %add3A, %mul3A_1 : i32
    "tpu.region"() ({
      %run_scoped3A = tpu.sem_alloc : memref<!tpu.dma_semaphore, #tpu.memory_space<semaphore_mem>>
      %dma_start3A = arith.constant 0 : i32
      %dma_start3A_11 = tpu.memref_slice %arg2[%mul3A_2, %dma_start3A] : memref<2560x128xi32, #tpu.memory_space<hbm>> -> memref<80x128xi32, #tpu.memory_space<hbm>>
      %dma_start3A_12 = arith.constant 0 : i32
      %dma_start3A_13 = tpu.memref_slice %arg2[%mul3A_2, %dma_start3A_12] : memref<2560x128xi32, #tpu.memory_space<hbm>> -> memref<80x128xi32, #tpu.memory_space<hbm>>
      tpu.enqueue_dma source(%dma_start3A_13 : memref<80x128xi32, #tpu.memory_space<hbm>>) target(%arg5 : memref<80x128xi32, #tpu.memory_space<vmem>>) target_semaphore(%run_scoped3A : memref<!tpu.dma_semaphore, #tpu.memory_space<semaphore_mem>>)
      %dma_wait3A = arith.constant 0 : i32
      %dma_wait3A_14 = tpu.memref_slice %arg2[%mul3A_2, %dma_wait3A] : memref<2560x128xi32, #tpu.memory_space<hbm>> -> memref<80x128xi32, #tpu.memory_space<hbm>>
      %dma_wait3A_15 = arith.constant 0 : i32
      %dma_wait3A_16 = tpu.memref_slice %arg2[%mul3A_2, %dma_wait3A_15] : memref<2560x128xi32, #tpu.memory_space<hbm>> -> memref<80x128xi32, #tpu.memory_space<hbm>>
      tpu.wait_dma2 semaphore(%run_scoped3A : memref<!tpu.dma_semaphore, #tpu.memory_space<semaphore_mem>>) src(%dma_wait3A_16 : memref<80x128xi32, #tpu.memory_space<hbm>>) dst(%arg5 : memref<80x128xi32, #tpu.memory_space<vmem>>)
      tpu.yield
    }) : () -> ()
    "tpu.region"() ({
      %run_scoped3A = tpu.sem_alloc : memref<!tpu.dma_semaphore, #tpu.memory_space<semaphore_mem>>
      tpu.enqueue_dma source(%arg3 : memref<10112xf32, #tpu.memory_space<hbm>>) target(%arg6 : memref<10112xf32, #tpu.memory_space<vmem>>) target_semaphore(%run_scoped3A : memref<!tpu.dma_semaphore, #tpu.memory_space<semaphore_mem>>)
      tpu.wait_dma2 semaphore(%run_scoped3A : memref<!tpu.dma_semaphore, #tpu.memory_space<semaphore_mem>>) src(%arg3 : memref<10112xf32, #tpu.memory_space<hbm>>) dst(%arg6 : memref<10112xf32, #tpu.memory_space<vmem>>)
      tpu.yield
    }) : () -> ()
    %broadcast_in_dim3A = arith.constant 1.000000e+00 : f32
    %broadcast_in_dim3A_3 = vector.broadcast %broadcast_in_dim3A : f32 to vector<16xf32>
    %scan3A = arith.constant 0 : i32
    %scan3A_4 = arith.constant 0 : i32
    %scan3A_5 = arith.constant 80 : i32
    %scan3A_6 = arith.addi %scan3A_4, %scan3A_5 : i32
    %scan3A_7 = arith.constant 1 : i32
    scf.for %scan3A_11 = %scan3A_4 to %scan3A_6 step %scan3A_7  : i32 {
      %get3A = arith.index_cast %scan3A_11 : i32 to index
      %get3A_12 = arith.constant 0 : index
      %get3A_13 = tpu.vector_load %arg5[%get3A, %get3A_12] {strides = array<i32>} : memref<80x128xi32, #tpu.memory_space<vmem>>, vector<16xi32>,
      tpu.vector_store_idx %arg6[%get3A_13], %broadcast_in_dim3A_3 {add = true} : memref<10112xf32, #tpu.memory_space<vmem>>[vector<16xi32>], vector<16xf32>,
      %get3A_14 = arith.index_cast %scan3A_11 : i32 to index
      %get3A_15 = arith.constant 16 : index
      %get3A_16 = tpu.vector_load %arg5[%get3A_14, %get3A_15] {strides = array<i32>} : memref<80x128xi32, #tpu.memory_space<vmem>>, vector<16xi32>,
      tpu.vector_store_idx %arg6[%get3A_16], %broadcast_in_dim3A_3 {add = true} : memref<10112xf32, #tpu.memory_space<vmem>>[vector<16xi32>], vector<16xf32>,
      %get3A_17 = arith.index_cast %scan3A_11 : i32 to index
      %get3A_18 = arith.constant 32 : index
      %get3A_19 = tpu.vector_load %arg5[%get3A_17, %get3A_18] {strides = array<i32>} : memref<80x128xi32, #tpu.memory_space<vmem>>, vector<16xi32>,
      tpu.vector_store_idx %arg6[%get3A_19], %broadcast_in_dim3A_3 {add = true} : memref<10112xf32, #tpu.memory_space<vmem>>[vector<16xi32>], vector<16xf32>,
      %get3A_20 = arith.index_cast %scan3A_11 : i32 to index
      %get3A_21 = arith.constant 48 : index
      %get3A_22 = tpu.vector_load %arg5[%get3A_20, %get3A_21] {strides = array<i32>} : memref<80x128xi32, #tpu.memory_space<vmem>>, vector<16xi32>,
      tpu.vector_store_idx %arg6[%get3A_22], %broadcast_in_dim3A_3 {add = true} : memref<10112xf32, #tpu.memory_space<vmem>>[vector<16xi32>], vector<16xf32>,
      %get3A_23 = arith.index_cast %scan3A_11 : i32 to index
      %get3A_24 = arith.constant 64 : index
      %get3A_25 = tpu.vector_load %arg5[%get3A_23, %get3A_24] {strides = array<i32>} : memref<80x128xi32, #tpu.memory_space<vmem>>, vector<16xi32>,
      tpu.vector_store_idx %arg6[%get3A_25], %broadcast_in_dim3A_3 {add = true} : memref<10112xf32, #tpu.memory_space<vmem>>[vector<16xi32>], vector<16xf32>,
      %get3A_26 = arith.index_cast %scan3A_11 : i32 to index
      %get3A_27 = arith.constant 80 : index
      %get3A_28 = tpu.vector_load %arg5[%get3A_26, %get3A_27] {strides = array<i32>} : memref<80x128xi32, #tpu.memory_space<vmem>>, vector<16xi32>,
      tpu.vector_store_idx %arg6[%get3A_28], %broadcast_in_dim3A_3 {add = true} : memref<10112xf32, #tpu.memory_space<vmem>>[vector<16xi32>], vector<16xf32>,
      %get3A_29 = arith.index_cast %scan3A_11 : i32 to index
      %get3A_30 = arith.constant 96 : index
      %get3A_31 = tpu.vector_load %arg5[%get3A_29, %get3A_30] {strides = array<i32>} : memref<80x128xi32, #tpu.memory_space<vmem>>, vector<16xi32>,
      tpu.vector_store_idx %arg6[%get3A_31], %broadcast_in_dim3A_3 {add = true} : memref<10112xf32, #tpu.memory_space<vmem>>[vector<16xi32>], vector<16xf32>,
      %get3A_32 = arith.index_cast %scan3A_11 : i32 to index
      %get3A_33 = arith.constant 112 : index
      %get3A_34 = tpu.vector_load %arg5[%get3A_32, %get3A_33] {strides = array<i32>} : memref<80x128xi32, #tpu.memory_space<vmem>>, vector<16xi32>,
      tpu.vector_store_idx %arg6[%get3A_34], %broadcast_in_dim3A_3 {add = true} : memref<10112xf32, #tpu.memory_space<vmem>>[vector<16xi32>], vector<16xf32>,
    }
    %scan3A_8 = arith.constant 80 : i32
    %mul3A_9 = arith.constant 10112 : i32
    %mul3A_10 = arith.muli %add3A, %mul3A_9 : i32
    "tpu.region"() ({
      %run_scoped3A = tpu.sem_alloc : memref<!tpu.dma_semaphore, #tpu.memory_space<semaphore_mem>>
      %dma_start3A = tpu.memref_slice %arg4[%mul3A_10] : memref<323584xf32, #tpu.memory_space<hbm>> -> memref<10112xf32, #tpu.memory_space<hbm>>
      %dma_start3A_11 = tpu.memref_slice %arg4[%mul3A_10] : memref<323584xf32, #tpu.memory_space<hbm>> -> memref<10112xf32, #tpu.memory_space<hbm>>
      tpu.enqueue_dma source(%arg6 : memref<10112xf32, #tpu.memory_space<vmem>>) target(%dma_start3A_11 : memref<10112xf32, #tpu.memory_space<hbm>>) target_semaphore(%run_scoped3A : memref<!tpu.dma_semaphore, #tpu.memory_space<semaphore_mem>>)
      %dma_wait3A = tpu.memref_slice %arg4[%mul3A_10] : memref<323584xf32, #tpu.memory_space<hbm>> -> memref<10112xf32, #tpu.memory_space<hbm>>
      %dma_wait3A_12 = tpu.memref_slice %arg4[%mul3A_10] : memref<323584xf32, #tpu.memory_space<hbm>> -> memref<10112xf32, #tpu.memory_space<hbm>>
      tpu.wait_dma2 semaphore(%run_scoped3A : memref<!tpu.dma_semaphore, #tpu.memory_space<semaphore_mem>>) src(%arg6 : memref<10112xf32, #tpu.memory_space<vmem>>) dst(%dma_wait3A_12 : memref<10112xf32, #tpu.memory_space<hbm>>)
      tpu.yield
    }) : () -> ()
    return
  }
}

module attributes {stable_mosaic.version = 14 : i64} {
  func.func @_tc_prep_body(%arg0: i32, %arg1: memref<1264x32xf32, #tpu.memory_space<vmem>>, %arg2: memref<1264x128xf32, #tpu.memory_space<vmem>>, %arg3: memref<128x128xf32, #tpu.memory_space<vmem>>, %arg4: memref<1264x128xf32, #tpu.memory_space<vmem>>, %arg5: memref<2x1264x64xf32, #tpu.memory_space<vmem>>) attributes {dimension_semantics = [#tpu.dimension_semantics<arbitrary>], iteration_bounds = array<i64: 8>, scalar_prefetch = 0 : i64, scratch_operands = 0 : i64, tpu.core_type = #tpu.core_type<tc>, window_params = [{transform_indices = @transform_0, window_bounds = array<i64: 1264, 32>}, {transform_indices = @transform_1, window_bounds = array<i64: 1264, 128>}, {pipeline_mode = #tpu.pipeline_mode<synchronous>, transform_indices = @transform_2, window_bounds = array<i64: 128, 128>}, {transform_indices = @transform_3, window_bounds = array<i64: 1264, 128>}, {transform_indices = @transform_4, window_bounds = array<i64: 2, 1264, 64>}]} {
    %get3A = arith.constant 0 : index
    %get3A_0 = arith.constant 0 : index
    %get3A_1 = vector.load %arg1[%get3A, %get3A_0] : memref<1264x32xf32, #tpu.memory_space<vmem>>, vector<1264x32xf32>
    %reduce_sum3A = arith.constant dense<0.000000e+00> : vector<1264xf32>
    %reduce_sum3A_2 = vector.multi_reduction <add>, %get3A_1, %reduce_sum3A [1] : vector<1264x32xf32> to vector<1264xf32>
    %broadcast_in_dim3A = vector.shape_cast %reduce_sum3A_2 : vector<1264xf32> to vector<1264x1xf32>
    %add3A = arith.constant 1.000000e+00 : f32
    %add3A_3 = vector.broadcast %add3A : f32 to vector<1264x1xf32>
    %add3A_4 = arith.addf %broadcast_in_dim3A, %add3A_3 : vector<1264x1xf32>
    %rsqrt3A = math.rsqrt %add3A_4 : vector<1264x1xf32>
    %broadcast_in_dim3A_5 = vector.shape_cast %rsqrt3A : vector<1264x1xf32> to vector<1264x1xf32>
    %broadcast_in_dim3A_6 = vector.broadcast %broadcast_in_dim3A_5 : vector<1264x1xf32> to vector<1264x128xf32>
    %swap3A = arith.constant 0 : index
    %swap3A_7 = arith.constant 0 : index
    %swap3A_8 = vector.load %arg4[%swap3A, %swap3A_7] : memref<1264x128xf32, #tpu.memory_space<vmem>>, vector<1264x128xf32>
    tpu.vector_store %arg4[%swap3A, %swap3A_7], %broadcast_in_dim3A_6 {strides = array<i32>} : memref<1264x128xf32, #tpu.memory_space<vmem>>, vector<1264x128xf32>,
    %get3A_9 = arith.constant 0 : index
    %get3A_10 = arith.constant 0 : index
    %get3A_11 = vector.load %arg2[%get3A_9, %get3A_10] : memref<1264x128xf32, #tpu.memory_space<vmem>>, vector<1264x128xf32>
    %get3A_12 = arith.constant 0 : index
    %get3A_13 = arith.constant 0 : index
    %get3A_14 = vector.load %arg3[%get3A_12, %get3A_13] : memref<128x128xf32, #tpu.memory_space<vmem>>, vector<128x128xf32>
    %dot_general3A = arith.constant dense<0.000000e+00> : vector<1264x128xf32>
    %dot_general3A_15 = tpu.matmul %get3A_11, %get3A_14, %dot_general3A {dimension_numbers = #tpu.dot_dimension_numbers<[1], [0], [0], [1], [0, 0, 1, 1], [], []>, transpose_lhs_hint = false} : vector<1264x128xf32>, vector<128x128xf32>, vector<1264x128xf32> -> vector<1264x128xf32>
    %mul3A = vector.broadcast %rsqrt3A : vector<1264x1xf32> to vector<1264x128xf32>
    %mul3A_16 = arith.mulf %dot_general3A_15, %mul3A : vector<1264x128xf32>
    %slice3A = vector.extract_strided_slice %mul3A_16 {offsets = [0, 0], sizes = [1264, 64], strides = [1, 1]} : vector<1264x128xf32> to vector<1264x64xf32>
    %swap3A_17 = arith.constant 0 : index
    %swap3A_18 = arith.constant 0 : index
    %swap3A_19 = arith.constant 0 : index
    %swap3A_20 = vector.load %arg5[%swap3A_17, %swap3A_18, %swap3A_19] : memref<2x1264x64xf32, #tpu.memory_space<vmem>>, vector<1x1264x64xf32>
    %swap3A_21 = vector.shape_cast %swap3A_20 : vector<1x1264x64xf32> to vector<1264x64xf32>
    %swap3A_22 = vector.shape_cast %slice3A : vector<1264x64xf32> to vector<1x1264x64xf32>
    tpu.vector_store %arg5[%swap3A_17, %swap3A_18, %swap3A_19], %swap3A_22 {strides = array<i32>} : memref<2x1264x64xf32, #tpu.memory_space<vmem>>, vector<1x1264x64xf32>,
    %slice3A_23 = vector.extract_strided_slice %mul3A_16 {offsets = [0, 64], sizes = [1264, 64], strides = [1, 1]} : vector<1264x128xf32> to vector<1264x64xf32>
    %swap3A_24 = arith.constant 1 : index
    %swap3A_25 = arith.constant 0 : index
    %swap3A_26 = arith.constant 0 : index
    %swap3A_27 = vector.load %arg5[%swap3A_24, %swap3A_25, %swap3A_26] : memref<2x1264x64xf32, #tpu.memory_space<vmem>>, vector<1x1264x64xf32>
    %swap3A_28 = vector.shape_cast %swap3A_27 : vector<1x1264x64xf32> to vector<1264x64xf32>
    %swap3A_29 = vector.shape_cast %slice3A_23 : vector<1264x64xf32> to vector<1x1264x64xf32>
    tpu.vector_store %arg5[%swap3A_24, %swap3A_25, %swap3A_26], %swap3A_29 {strides = array<i32>} : memref<2x1264x64xf32, #tpu.memory_space<vmem>>, vector<1x1264x64xf32>,
    return
  }
  func.func @transform_0(%arg0: i32) -> (i32, i32) {
    %c0_i32 = arith.constant 0 : i32
    %c0_i32_0 = arith.constant 0 : i32
    return %arg0, %c0_i32 : i32, i32
  }
  func.func @transform_1(%arg0: i32) -> (i32, i32) {
    %c0_i32 = arith.constant 0 : i32
    %c0_i32_0 = arith.constant 0 : i32
    return %arg0, %c0_i32 : i32, i32
  }
  func.func @transform_2(%arg0: i32) -> (i32, i32) {
    %c0_i32 = arith.constant 0 : i32
    %c0_i32_0 = arith.constant 0 : i32
    %c0_i32_1 = arith.constant 0 : i32
    return %c0_i32, %c0_i32_0 : i32, i32
  }
  func.func @transform_3(%arg0: i32) -> (i32, i32) {
    %c0_i32 = arith.constant 0 : i32
    %c0_i32_0 = arith.constant 0 : i32
    return %arg0, %c0_i32 : i32, i32
  }
  func.func @transform_4(%arg0: i32) -> (i32, i32, i32) {
    %c0_i32 = arith.constant 0 : i32
    %c0_i32_0 = arith.constant 0 : i32
    %c0_i32_1 = arith.constant 0 : i32
    return %c0_i32, %arg0, %c0_i32_0 : i32, i32, i32
  }
}

module attributes {stable_mosaic.version = 14 : i64} {
  func.func @_tc_combine_body(%arg0: i32, %arg1: memref<2x1264x64xf32, #tpu.memory_space<vmem>>, %arg2: memref<1264x128xf32, #tpu.memory_space<vmem>>, %arg3: memref<1264x128xf32, #tpu.memory_space<vmem>>, %arg4: memref<128x128xf32, #tpu.memory_space<vmem>>, %arg5: memref<1x128xf32, #tpu.memory_space<vmem>>, %arg6: memref<1x128xf32, #tpu.memory_space<vmem>>, %arg7: memref<1x128xf32, #tpu.memory_space<vmem>>, %arg8: memref<1264x128xf32, #tpu.memory_space<vmem>>, %arg9: memref<2x1264x64xf32, #tpu.memory_space<vmem>>) attributes {dimension_semantics = [#tpu.dimension_semantics<arbitrary>], iteration_bounds = array<i64: 8>, scalar_prefetch = 0 : i64, scratch_operands = 0 : i64, tpu.core_type = #tpu.core_type<tc>, window_params = [{transform_indices = @transform_0, window_bounds = array<i64: 2, 1264, 64>}, {transform_indices = @transform_1, window_bounds = array<i64: 1264, 128>}, {transform_indices = @transform_2, window_bounds = array<i64: 1264, 128>}, {pipeline_mode = #tpu.pipeline_mode<synchronous>, transform_indices = @transform_3, window_bounds = array<i64: 128, 128>}, {pipeline_mode = #tpu.pipeline_mode<synchronous>, transform_indices = @transform_4, window_bounds = array<i64: 1, 128>}, {pipeline_mode = #tpu.pipeline_mode<synchronous>, transform_indices = @transform_5, window_bounds = array<i64: 1, 128>}, {pipeline_mode = #tpu.pipeline_mode<synchronous>, transform_indices = @transform_6, window_bounds = array<i64: 1, 128>}, {transform_indices = @transform_7, window_bounds = array<i64: 1264, 128>}, {transform_indices = @transform_8, window_bounds = array<i64: 2, 1264, 64>}]} {
    %get3A = arith.constant 0 : index
    %get3A_0 = arith.constant 0 : index
    %get3A_1 = arith.constant 0 : index
    %get3A_2 = vector.load %arg1[%get3A, %get3A_0, %get3A_1] : memref<2x1264x64xf32, #tpu.memory_space<vmem>>, vector<2x1264x64xf32>
    %slice3A = vector.extract_strided_slice %get3A_2 {offsets = [0, 0, 0], sizes = [1, 1264, 64], strides = [1, 1, 1]} : vector<2x1264x64xf32> to vector<1x1264x64xf32>
    %squeeze3A = vector.shape_cast %slice3A : vector<1x1264x64xf32> to vector<1264x64xf32>
    %slice3A_3 = vector.extract_strided_slice %get3A_2 {offsets = [1, 0, 0], sizes = [1, 1264, 64], strides = [1, 1, 1]} : vector<2x1264x64xf32> to vector<1x1264x64xf32>
    %squeeze3A_4 = vector.shape_cast %slice3A_3 : vector<1x1264x64xf32> to vector<1264x64xf32>
    %concatenate3A = tpu.concatenate %squeeze3A, %squeeze3A_4 in 1 : vector<1264x64xf32>, vector<1264x64xf32> -> vector<1264x128xf32>
    %get3A_5 = arith.constant 0 : index
    %get3A_6 = arith.constant 0 : index
    %get3A_7 = vector.load %arg2[%get3A_5, %get3A_6] : memref<1264x128xf32, #tpu.memory_space<vmem>>, vector<1264x128xf32>
    %mul3A = arith.mulf %concatenate3A, %get3A_7 : vector<1264x128xf32>
    %get3A_8 = arith.constant 0 : index
    %get3A_9 = arith.constant 0 : index
    %get3A_10 = vector.load %arg5[%get3A_8, %get3A_9] : memref<1x128xf32, #tpu.memory_space<vmem>>, vector<1x128xf32>
    %add3A = vector.broadcast %get3A_10 : vector<1x128xf32> to vector<1264x128xf32>
    %add3A_11 = arith.addf %mul3A, %add3A : vector<1264x128xf32>
    %get3A_12 = arith.constant 0 : index
    %get3A_13 = arith.constant 0 : index
    %get3A_14 = vector.load %arg6[%get3A_12, %get3A_13] : memref<1x128xf32, #tpu.memory_space<vmem>>, vector<1x128xf32>
    %mul3A_15 = arith.constant 0.999994993 : f32
    %mul3A_16 = vector.broadcast %mul3A_15 : f32 to vector<1x128xf32>
    %mul3A_17 = arith.mulf %mul3A_16, %get3A_14 : vector<1x128xf32>
    %mul3A_18 = vector.broadcast %mul3A_17 : vector<1x128xf32> to vector<1264x128xf32>
    %mul3A_19 = arith.mulf %add3A_11, %mul3A_18 : vector<1264x128xf32>
    %get3A_20 = arith.constant 0 : index
    %get3A_21 = arith.constant 0 : index
    %get3A_22 = vector.load %arg7[%get3A_20, %get3A_21] : memref<1x128xf32, #tpu.memory_space<vmem>>, vector<1x128xf32>
    %add3A_23 = vector.broadcast %get3A_22 : vector<1x128xf32> to vector<1264x128xf32>
    %add3A_24 = arith.addf %mul3A_19, %add3A_23 : vector<1264x128xf32>
    %max3A = arith.constant 0.000000e+00 : f32
    %max3A_25 = vector.broadcast %max3A : f32 to vector<1264x128xf32>
    %max3A_26 = arith.maximumf %add3A_24, %max3A_25 : vector<1264x128xf32>
    %get3A_27 = arith.constant 0 : index
    %get3A_28 = arith.constant 0 : index
    %get3A_29 = vector.load %arg3[%get3A_27, %get3A_28] : memref<1264x128xf32, #tpu.memory_space<vmem>>, vector<1264x128xf32>
    %add3A_30 = arith.addf %max3A_26, %get3A_29 : vector<1264x128xf32>
    %iota3A = tpu.iota {dimensions = array<i32: 0>} : vector<1264x1xi32>
    %mul3A_31 = arith.constant 1264 : i32
    %mul3A_32 = arith.muli %arg0, %mul3A_31 : i32
    %add3A_33 = vector.broadcast %mul3A_32 : i32 to vector<1264x1xi32>
    %add3A_34 = arith.addi %iota3A, %add3A_33 : vector<1264x1xi32>
    %lt3A = arith.constant 10000 : i32
    %lt3A_35 = vector.broadcast %lt3A : i32 to vector<1264x1xi32>
    %lt3A_36 = arith.cmpi slt, %add3A_34, %lt3A_35 : vector<1264x1xi32>
    %jit3A = arith.constant 0.000000e+00 : f32
    %broadcast_in_dim3A = vector.shape_cast %lt3A_36 : vector<1264x1xi1> to vector<1264x1xi1>
    %broadcast_in_dim3A_37 = vector.broadcast %broadcast_in_dim3A : vector<1264x1xi1> to vector<1264x128xi1>
    %broadcast_in_dim3A_38 = vector.broadcast %jit3A : f32 to vector<1264x128xf32>
    %select_n3A = arith.select %broadcast_in_dim3A_37, %add3A_30, %broadcast_in_dim3A_38 : vector<1264x128xi1>, vector<1264x128xf32>
    %swap3A = arith.constant 0 : index
    %swap3A_39 = arith.constant 0 : index
    %swap3A_40 = vector.load %arg8[%swap3A, %swap3A_39] : memref<1264x128xf32, #tpu.memory_space<vmem>>, vector<1264x128xf32>
    tpu.vector_store %arg8[%swap3A, %swap3A_39], %select_n3A {strides = array<i32>} : memref<1264x128xf32, #tpu.memory_space<vmem>>, vector<1264x128xf32>,
    %get3A_41 = arith.constant 0 : index
    %get3A_42 = arith.constant 0 : index
    %get3A_43 = vector.load %arg4[%get3A_41, %get3A_42] : memref<128x128xf32, #tpu.memory_space<vmem>>, vector<128x128xf32>
    %dot_general3A = arith.constant dense<0.000000e+00> : vector<1264x128xf32>
    %dot_general3A_44 = tpu.matmul %select_n3A, %get3A_43, %dot_general3A {dimension_numbers = #tpu.dot_dimension_numbers<[1], [0], [0], [1], [0, 0, 1, 1], [], []>, transpose_lhs_hint = false} : vector<1264x128xf32>, vector<128x128xf32>, vector<1264x128xf32> -> vector<1264x128xf32>
    %get3A_45 = arith.constant 0 : index
    %get3A_46 = arith.constant 0 : index
    %get3A_47 = vector.load %arg2[%get3A_45, %get3A_46] : memref<1264x128xf32, #tpu.memory_space<vmem>>, vector<1264x128xf32>
    %mul3A_48 = arith.mulf %dot_general3A_44, %get3A_47 : vector<1264x128xf32>
    %slice3A_49 = vector.extract_strided_slice %mul3A_48 {offsets = [0, 0], sizes = [1264, 64], strides = [1, 1]} : vector<1264x128xf32> to vector<1264x64xf32>
    %swap3A_50 = arith.constant 0 : index
    %swap3A_51 = arith.constant 0 : index
    %swap3A_52 = arith.constant 0 : index
    %swap3A_53 = vector.load %arg9[%swap3A_50, %swap3A_51, %swap3A_52] : memref<2x1264x64xf32, #tpu.memory_space<vmem>>, vector<1x1264x64xf32>
    %swap3A_54 = vector.shape_cast %swap3A_53 : vector<1x1264x64xf32> to vector<1264x64xf32>
    %swap3A_55 = vector.shape_cast %slice3A_49 : vector<1264x64xf32> to vector<1x1264x64xf32>
    tpu.vector_store %arg9[%swap3A_50, %swap3A_51, %swap3A_52], %swap3A_55 {strides = array<i32>} : memref<2x1264x64xf32, #tpu.memory_space<vmem>>, vector<1x1264x64xf32>,
    %slice3A_56 = vector.extract_strided_slice %mul3A_48 {offsets = [0, 64], sizes = [1264, 64], strides = [1, 1]} : vector<1264x128xf32> to vector<1264x64xf32>
    %swap3A_57 = arith.constant 1 : index
    %swap3A_58 = arith.constant 0 : index
    %swap3A_59 = arith.constant 0 : index
    %swap3A_60 = vector.load %arg9[%swap3A_57, %swap3A_58, %swap3A_59] : memref<2x1264x64xf32, #tpu.memory_space<vmem>>, vector<1x1264x64xf32>
    %swap3A_61 = vector.shape_cast %swap3A_60 : vector<1x1264x64xf32> to vector<1264x64xf32>
    %swap3A_62 = vector.shape_cast %slice3A_56 : vector<1264x64xf32> to vector<1x1264x64xf32>
    tpu.vector_store %arg9[%swap3A_57, %swap3A_58, %swap3A_59], %swap3A_62 {strides = array<i32>} : memref<2x1264x64xf32, #tpu.memory_space<vmem>>, vector<1x1264x64xf32>,
    return
  }
  func.func @transform_0(%arg0: i32) -> (i32, i32, i32) {
    %c0_i32 = arith.constant 0 : i32
    %c0_i32_0 = arith.constant 0 : i32
    %c0_i32_1 = arith.constant 0 : i32
    return %c0_i32, %arg0, %c0_i32_0 : i32, i32, i32
  }
  func.func @transform_1(%arg0: i32) -> (i32, i32) {
    %c0_i32 = arith.constant 0 : i32
    %c0_i32_0 = arith.constant 0 : i32
    return %arg0, %c0_i32 : i32, i32
  }
  func.func @transform_2(%arg0: i32) -> (i32, i32) {
    %c0_i32 = arith.constant 0 : i32
    %c0_i32_0 = arith.constant 0 : i32
    return %arg0, %c0_i32 : i32, i32
  }
  func.func @transform_3(%arg0: i32) -> (i32, i32) {
    %c0_i32 = arith.constant 0 : i32
    %c0_i32_0 = arith.constant 0 : i32
    %c0_i32_1 = arith.constant 0 : i32
    return %c0_i32, %c0_i32_0 : i32, i32
  }
  func.func @transform_4(%arg0: i32) -> (i32, i32) {
    %c0_i32 = arith.constant 0 : i32
    %c0_i32_0 = arith.constant 0 : i32
    %c0_i32_1 = arith.constant 0 : i32
    return %c0_i32, %c0_i32_0 : i32, i32
  }
  func.func @transform_5(%arg0: i32) -> (i32, i32) {
    %c0_i32 = arith.constant 0 : i32
    %c0_i32_0 = arith.constant 0 : i32
    %c0_i32_1 = arith.constant 0 : i32
    return %c0_i32, %c0_i32_0 : i32, i32
  }
  func.func @transform_6(%arg0: i32) -> (i32, i32) {
    %c0_i32 = arith.constant 0 : i32
    %c0_i32_0 = arith.constant 0 : i32
    %c0_i32_1 = arith.constant 0 : i32
    return %c0_i32, %c0_i32_0 : i32, i32
  }
  func.func @transform_7(%arg0: i32) -> (i32, i32) {
    %c0_i32 = arith.constant 0 : i32
    %c0_i32_0 = arith.constant 0 : i32
    return %arg0, %c0_i32 : i32, i32
  }
  func.func @transform_8(%arg0: i32) -> (i32, i32, i32) {
    %c0_i32 = arith.constant 0 : i32
    %c0_i32_0 = arith.constant 0 : i32
    %c0_i32_1 = arith.constant 0 : i32
    return %c0_i32, %arg0, %c0_i32_0 : i32, i32, i32
  }
}

module attributes {stable_mosaic.version = 14 : i64} {
  func.func @_tc_combine_body(%arg0: i32, %arg1: memref<2x1264x64xf32, #tpu.memory_space<vmem>>, %arg2: memref<1264x128xf32, #tpu.memory_space<vmem>>, %arg3: memref<1264x128xf32, #tpu.memory_space<vmem>>, %arg4: memref<128x128xf32, #tpu.memory_space<vmem>>, %arg5: memref<1x128xf32, #tpu.memory_space<vmem>>, %arg6: memref<1x128xf32, #tpu.memory_space<vmem>>, %arg7: memref<1x128xf32, #tpu.memory_space<vmem>>, %arg8: memref<1264x128xf32, #tpu.memory_space<vmem>>, %arg9: memref<2x1264x64xf32, #tpu.memory_space<vmem>>) attributes {dimension_semantics = [#tpu.dimension_semantics<arbitrary>], iteration_bounds = array<i64: 8>, scalar_prefetch = 0 : i64, scratch_operands = 0 : i64, tpu.core_type = #tpu.core_type<tc>, window_params = [{transform_indices = @transform_0, window_bounds = array<i64: 2, 1264, 64>}, {transform_indices = @transform_1, window_bounds = array<i64: 1264, 128>}, {transform_indices = @transform_2, window_bounds = array<i64: 1264, 128>}, {pipeline_mode = #tpu.pipeline_mode<synchronous>, transform_indices = @transform_3, window_bounds = array<i64: 128, 128>}, {pipeline_mode = #tpu.pipeline_mode<synchronous>, transform_indices = @transform_4, window_bounds = array<i64: 1, 128>}, {pipeline_mode = #tpu.pipeline_mode<synchronous>, transform_indices = @transform_5, window_bounds = array<i64: 1, 128>}, {pipeline_mode = #tpu.pipeline_mode<synchronous>, transform_indices = @transform_6, window_bounds = array<i64: 1, 128>}, {transform_indices = @transform_7, window_bounds = array<i64: 1264, 128>}, {transform_indices = @transform_8, window_bounds = array<i64: 2, 1264, 64>}]} {
    %get3A = arith.constant 0 : index
    %get3A_0 = arith.constant 0 : index
    %get3A_1 = arith.constant 0 : index
    %get3A_2 = vector.load %arg1[%get3A, %get3A_0, %get3A_1] : memref<2x1264x64xf32, #tpu.memory_space<vmem>>, vector<2x1264x64xf32>
    %slice3A = vector.extract_strided_slice %get3A_2 {offsets = [0, 0, 0], sizes = [1, 1264, 64], strides = [1, 1, 1]} : vector<2x1264x64xf32> to vector<1x1264x64xf32>
    %squeeze3A = vector.shape_cast %slice3A : vector<1x1264x64xf32> to vector<1264x64xf32>
    %slice3A_3 = vector.extract_strided_slice %get3A_2 {offsets = [1, 0, 0], sizes = [1, 1264, 64], strides = [1, 1, 1]} : vector<2x1264x64xf32> to vector<1x1264x64xf32>
    %squeeze3A_4 = vector.shape_cast %slice3A_3 : vector<1x1264x64xf32> to vector<1264x64xf32>
    %concatenate3A = tpu.concatenate %squeeze3A, %squeeze3A_4 in 1 : vector<1264x64xf32>, vector<1264x64xf32> -> vector<1264x128xf32>
    %get3A_5 = arith.constant 0 : index
    %get3A_6 = arith.constant 0 : index
    %get3A_7 = vector.load %arg2[%get3A_5, %get3A_6] : memref<1264x128xf32, #tpu.memory_space<vmem>>, vector<1264x128xf32>
    %mul3A = arith.mulf %concatenate3A, %get3A_7 : vector<1264x128xf32>
    %get3A_8 = arith.constant 0 : index
    %get3A_9 = arith.constant 0 : index
    %get3A_10 = vector.load %arg5[%get3A_8, %get3A_9] : memref<1x128xf32, #tpu.memory_space<vmem>>, vector<1x128xf32>
    %add3A = vector.broadcast %get3A_10 : vector<1x128xf32> to vector<1264x128xf32>
    %add3A_11 = arith.addf %mul3A, %add3A : vector<1264x128xf32>
    %get3A_12 = arith.constant 0 : index
    %get3A_13 = arith.constant 0 : index
    %get3A_14 = vector.load %arg6[%get3A_12, %get3A_13] : memref<1x128xf32, #tpu.memory_space<vmem>>, vector<1x128xf32>
    %mul3A_15 = arith.constant 0.999994993 : f32
    %mul3A_16 = vector.broadcast %mul3A_15 : f32 to vector<1x128xf32>
    %mul3A_17 = arith.mulf %mul3A_16, %get3A_14 : vector<1x128xf32>
    %mul3A_18 = vector.broadcast %mul3A_17 : vector<1x128xf32> to vector<1264x128xf32>
    %mul3A_19 = arith.mulf %add3A_11, %mul3A_18 : vector<1264x128xf32>
    %get3A_20 = arith.constant 0 : index
    %get3A_21 = arith.constant 0 : index
    %get3A_22 = vector.load %arg7[%get3A_20, %get3A_21] : memref<1x128xf32, #tpu.memory_space<vmem>>, vector<1x128xf32>
    %add3A_23 = vector.broadcast %get3A_22 : vector<1x128xf32> to vector<1264x128xf32>
    %add3A_24 = arith.addf %mul3A_19, %add3A_23 : vector<1264x128xf32>
    %max3A = arith.constant 0.000000e+00 : f32
    %max3A_25 = vector.broadcast %max3A : f32 to vector<1264x128xf32>
    %max3A_26 = arith.maximumf %add3A_24, %max3A_25 : vector<1264x128xf32>
    %get3A_27 = arith.constant 0 : index
    %get3A_28 = arith.constant 0 : index
    %get3A_29 = vector.load %arg3[%get3A_27, %get3A_28] : memref<1264x128xf32, #tpu.memory_space<vmem>>, vector<1264x128xf32>
    %add3A_30 = arith.addf %max3A_26, %get3A_29 : vector<1264x128xf32>
    %iota3A = tpu.iota {dimensions = array<i32: 0>} : vector<1264x1xi32>
    %mul3A_31 = arith.constant 1264 : i32
    %mul3A_32 = arith.muli %arg0, %mul3A_31 : i32
    %add3A_33 = vector.broadcast %mul3A_32 : i32 to vector<1264x1xi32>
    %add3A_34 = arith.addi %iota3A, %add3A_33 : vector<1264x1xi32>
    %lt3A = arith.constant 10000 : i32
    %lt3A_35 = vector.broadcast %lt3A : i32 to vector<1264x1xi32>
    %lt3A_36 = arith.cmpi slt, %add3A_34, %lt3A_35 : vector<1264x1xi32>
    %jit3A = arith.constant 0.000000e+00 : f32
    %broadcast_in_dim3A = vector.shape_cast %lt3A_36 : vector<1264x1xi1> to vector<1264x1xi1>
    %broadcast_in_dim3A_37 = vector.broadcast %broadcast_in_dim3A : vector<1264x1xi1> to vector<1264x128xi1>
    %broadcast_in_dim3A_38 = vector.broadcast %jit3A : f32 to vector<1264x128xf32>
    %select_n3A = arith.select %broadcast_in_dim3A_37, %add3A_30, %broadcast_in_dim3A_38 : vector<1264x128xi1>, vector<1264x128xf32>
    %swap3A = arith.constant 0 : index
    %swap3A_39 = arith.constant 0 : index
    %swap3A_40 = vector.load %arg8[%swap3A, %swap3A_39] : memref<1264x128xf32, #tpu.memory_space<vmem>>, vector<1264x128xf32>
    tpu.vector_store %arg8[%swap3A, %swap3A_39], %select_n3A {strides = array<i32>} : memref<1264x128xf32, #tpu.memory_space<vmem>>, vector<1264x128xf32>,
    %get3A_41 = arith.constant 0 : index
    %get3A_42 = arith.constant 0 : index
    %get3A_43 = vector.load %arg4[%get3A_41, %get3A_42] : memref<128x128xf32, #tpu.memory_space<vmem>>, vector<128x128xf32>
    %dot_general3A = arith.constant dense<0.000000e+00> : vector<1264x128xf32>
    %dot_general3A_44 = tpu.matmul %select_n3A, %get3A_43, %dot_general3A {dimension_numbers = #tpu.dot_dimension_numbers<[1], [0], [0], [1], [0, 0, 1, 1], [], []>, transpose_lhs_hint = false} : vector<1264x128xf32>, vector<128x128xf32>, vector<1264x128xf32> -> vector<1264x128xf32>
    %get3A_45 = arith.constant 0 : index
    %get3A_46 = arith.constant 0 : index
    %get3A_47 = vector.load %arg2[%get3A_45, %get3A_46] : memref<1264x128xf32, #tpu.memory_space<vmem>>, vector<1264x128xf32>
    %mul3A_48 = arith.mulf %dot_general3A_44, %get3A_47 : vector<1264x128xf32>
    %slice3A_49 = vector.extract_strided_slice %mul3A_48 {offsets = [0, 0], sizes = [1264, 64], strides = [1, 1]} : vector<1264x128xf32> to vector<1264x64xf32>
    %swap3A_50 = arith.constant 0 : index
    %swap3A_51 = arith.constant 0 : index
    %swap3A_52 = arith.constant 0 : index
    %swap3A_53 = vector.load %arg9[%swap3A_50, %swap3A_51, %swap3A_52] : memref<2x1264x64xf32, #tpu.memory_space<vmem>>, vector<1x1264x64xf32>
    %swap3A_54 = vector.shape_cast %swap3A_53 : vector<1x1264x64xf32> to vector<1264x64xf32>
    %swap3A_55 = vector.shape_cast %slice3A_49 : vector<1264x64xf32> to vector<1x1264x64xf32>
    tpu.vector_store %arg9[%swap3A_50, %swap3A_51, %swap3A_52], %swap3A_55 {strides = array<i32>} : memref<2x1264x64xf32, #tpu.memory_space<vmem>>, vector<1x1264x64xf32>,
    %slice3A_56 = vector.extract_strided_slice %mul3A_48 {offsets = [0, 64], sizes = [1264, 64], strides = [1, 1]} : vector<1264x128xf32> to vector<1264x64xf32>
    %swap3A_57 = arith.constant 1 : index
    %swap3A_58 = arith.constant 0 : index
    %swap3A_59 = arith.constant 0 : index
    %swap3A_60 = vector.load %arg9[%swap3A_57, %swap3A_58, %swap3A_59] : memref<2x1264x64xf32, #tpu.memory_space<vmem>>, vector<1x1264x64xf32>
    %swap3A_61 = vector.shape_cast %swap3A_60 : vector<1x1264x64xf32> to vector<1264x64xf32>
    %swap3A_62 = vector.shape_cast %slice3A_56 : vector<1264x64xf32> to vector<1x1264x64xf32>
    tpu.vector_store %arg9[%swap3A_57, %swap3A_58, %swap3A_59], %swap3A_62 {strides = array<i32>} : memref<2x1264x64xf32, #tpu.memory_space<vmem>>, vector<1x1264x64xf32>,
    return
  }
  func.func @transform_0(%arg0: i32) -> (i32, i32, i32) {
    %c0_i32 = arith.constant 0 : i32
    %c0_i32_0 = arith.constant 0 : i32
    %c0_i32_1 = arith.constant 0 : i32
    return %c0_i32, %arg0, %c0_i32_0 : i32, i32, i32
  }
  func.func @transform_1(%arg0: i32) -> (i32, i32) {
    %c0_i32 = arith.constant 0 : i32
    %c0_i32_0 = arith.constant 0 : i32
    return %arg0, %c0_i32 : i32, i32
  }
  func.func @transform_2(%arg0: i32) -> (i32, i32) {
    %c0_i32 = arith.constant 0 : i32
    %c0_i32_0 = arith.constant 0 : i32
    return %arg0, %c0_i32 : i32, i32
  }
  func.func @transform_3(%arg0: i32) -> (i32, i32) {
    %c0_i32 = arith.constant 0 : i32
    %c0_i32_0 = arith.constant 0 : i32
    %c0_i32_1 = arith.constant 0 : i32
    return %c0_i32, %c0_i32_0 : i32, i32
  }
  func.func @transform_4(%arg0: i32) -> (i32, i32) {
    %c0_i32 = arith.constant 0 : i32
    %c0_i32_0 = arith.constant 0 : i32
    %c0_i32_1 = arith.constant 0 : i32
    return %c0_i32, %c0_i32_0 : i32, i32
  }
  func.func @transform_5(%arg0: i32) -> (i32, i32) {
    %c0_i32 = arith.constant 0 : i32
    %c0_i32_0 = arith.constant 0 : i32
    %c0_i32_1 = arith.constant 0 : i32
    return %c0_i32, %c0_i32_0 : i32, i32
  }
  func.func @transform_6(%arg0: i32) -> (i32, i32) {
    %c0_i32 = arith.constant 0 : i32
    %c0_i32_0 = arith.constant 0 : i32
    %c0_i32_1 = arith.constant 0 : i32
    return %c0_i32, %c0_i32_0 : i32, i32
  }
  func.func @transform_7(%arg0: i32) -> (i32, i32) {
    %c0_i32 = arith.constant 0 : i32
    %c0_i32_0 = arith.constant 0 : i32
    return %arg0, %c0_i32 : i32, i32
  }
  func.func @transform_8(%arg0: i32) -> (i32, i32, i32) {
    %c0_i32 = arith.constant 0 : i32
    %c0_i32_0 = arith.constant 0 : i32
    %c0_i32_1 = arith.constant 0 : i32
    return %c0_i32, %arg0, %c0_i32_0 : i32, i32, i32
  }
}

module attributes {stable_mosaic.version = 14 : i64} {
  func.func @_tc_final_body(%arg0: i32, %arg1: memref<2x2000x64xf32, #tpu.memory_space<vmem>>, %arg2: memref<2000x128xf32, #tpu.memory_space<vmem>>, %arg3: memref<1x128xf32, #tpu.memory_space<vmem>>, %arg4: memref<2000x128xf32, #tpu.memory_space<vmem>>) attributes {dimension_semantics = [#tpu.dimension_semantics<arbitrary>], iteration_bounds = array<i64: 5>, scalar_prefetch = 0 : i64, scratch_operands = 0 : i64, tpu.core_type = #tpu.core_type<tc>, window_params = [{transform_indices = @transform_0, window_bounds = array<i64: 2, 2000, 64>}, {transform_indices = @transform_1, window_bounds = array<i64: 2000, 128>}, {pipeline_mode = #tpu.pipeline_mode<synchronous>, transform_indices = @transform_2, window_bounds = array<i64: 1, 128>}, {transform_indices = @transform_3, window_bounds = array<i64: 2000, 128>}]} {
    %get3A = arith.constant 0 : index
    %get3A_0 = arith.constant 0 : index
    %get3A_1 = arith.constant 0 : index
    %get3A_2 = vector.load %arg1[%get3A, %get3A_0, %get3A_1] : memref<2x2000x64xf32, #tpu.memory_space<vmem>>, vector<2x2000x64xf32>
    %slice3A = vector.extract_strided_slice %get3A_2 {offsets = [0, 0, 0], sizes = [1, 2000, 64], strides = [1, 1, 1]} : vector<2x2000x64xf32> to vector<1x2000x64xf32>
    %squeeze3A = vector.shape_cast %slice3A : vector<1x2000x64xf32> to vector<2000x64xf32>
    %slice3A_3 = vector.extract_strided_slice %get3A_2 {offsets = [1, 0, 0], sizes = [1, 2000, 64], strides = [1, 1, 1]} : vector<2x2000x64xf32> to vector<1x2000x64xf32>
    %squeeze3A_4 = vector.shape_cast %slice3A_3 : vector<1x2000x64xf32> to vector<2000x64xf32>
    %concatenate3A = tpu.concatenate %squeeze3A, %squeeze3A_4 in 1 : vector<2000x64xf32>, vector<2000x64xf32> -> vector<2000x128xf32>
    %get3A_5 = arith.constant 0 : index
    %get3A_6 = arith.constant 0 : index
    %get3A_7 = vector.load %arg2[%get3A_5, %get3A_6] : memref<2000x128xf32, #tpu.memory_space<vmem>>, vector<2000x128xf32>
    %mul3A = arith.mulf %concatenate3A, %get3A_7 : vector<2000x128xf32>
    %get3A_8 = arith.constant 0 : index
    %get3A_9 = arith.constant 0 : index
    %get3A_10 = vector.load %arg3[%get3A_8, %get3A_9] : memref<1x128xf32, #tpu.memory_space<vmem>>, vector<1x128xf32>
    %add3A = vector.broadcast %get3A_10 : vector<1x128xf32> to vector<2000x128xf32>
    %add3A_11 = arith.addf %mul3A, %add3A : vector<2000x128xf32>
    %swap3A = arith.constant 0 : index
    %swap3A_12 = arith.constant 0 : index
    %swap3A_13 = vector.load %arg4[%swap3A, %swap3A_12] : memref<2000x128xf32, #tpu.memory_space<vmem>>, vector<2000x128xf32>
    tpu.vector_store %arg4[%swap3A, %swap3A_12], %add3A_11 {strides = array<i32>} : memref<2000x128xf32, #tpu.memory_space<vmem>>, vector<2000x128xf32>,
    return
  }
  func.func @transform_0(%arg0: i32) -> (i32, i32, i32) {
    %c0_i32 = arith.constant 0 : i32
    %c0_i32_0 = arith.constant 0 : i32
    %c0_i32_1 = arith.constant 0 : i32
    return %c0_i32, %arg0, %c0_i32_0 : i32, i32, i32
  }
  func.func @transform_1(%arg0: i32) -> (i32, i32) {
    %c0_i32 = arith.constant 0 : i32
    %c0_i32_0 = arith.constant 0 : i32
    return %arg0, %c0_i32 : i32, i32
  }
  func.func @transform_2(%arg0: i32) -> (i32, i32) {
    %c0_i32 = arith.constant 0 : i32
    %c0_i32_0 = arith.constant 0 : i32
    %c0_i32_1 = arith.constant 0 : i32
    return %c0_i32, %c0_i32_0 : i32, i32
  }
  func.func @transform_3(%arg0: i32) -> (i32, i32) {
    %c0_i32 = arith.constant 0 : i32
    %c0_i32_0 = arith.constant 0 : i32
    return %arg0, %c0_i32 : i32, i32
  }
}

</mosaic_0001>

<sc_bundles>
// kernel: kernel.10.cloned.1.call-start
scs
__scs_entry_jumppad:
0x0: {  	(pc) =	sbr.rel $0x88, $3  }
0x1: {  	(tag) =	ssettag $0x0;
	lr =	simm.s32 $0x1  }
0x2: {  	[smem:$0x3F95] =	sst lr;
	_ =	strace $0xD0000000  }
0x3: {  	_ = 	snop  }
0x4: {  	_ = 	snop  }
0x5: {  	_ = 	snop  }
0x6: {  	_ = 	snop  }
0x7: {  	_ = 	snop  }
__scs_overlays_trampoline_lowered:
0x8: {  	[smem:$0x3FA4] =	sst s0  }
0x9: {  	[smem:$0x3FA5] =	sst s1  }
0xa: {  	[smem:$0x3FA6] =	sst s2  }
0xb: {  	[smem:$0x3FA7] =	sst s3  }
0xc: {  	[smem:$0x3FA8] =	sst s4  }
0xd: {  	[smem:$0x3FA9] =	sst s5  }
0xe: {  	[smem:$0x3FAA] =	sst s6  }
0xf: {  	[smem:$0x3FAB] =	sst s7  }
0x10: {  	[smem:$0x3FAC] =	sst s8  }
0x11: {  	[smem:$0x3FAD] =	sst s9;
	s0 =	simm.s32 @!p0 $0x0  }
0x12: {  	s1 =	sld [smem:$0x3F93];
	s0 =	simm.s32 @p0 $0x1  }
0x13: {  	[smem:$0x3FAE] =	sst s0;
	s0 =	simm.s32 @!p1 $0x0  }
0x14: {  	s2 =	sld [smem:$0x3F92];
	s0 =	simm.s32 @p1 $0x1  }
0x15: {  	[smem:$0x3FAF] =	sst s0;
	s0 =	simm.s32 @!p2 $0x0  }
0x16: {  	s3 =	sld [smem:$0x3FDB];
	s0 =	simm.s32 @p2 $0x1  }
0x17: {  	s4 =	simm.s32 $0x1BF5;
	[smem:$0x3FB1] =	sst s0  }
0x18: {  	s0 =	sld [smem:$0x3F94];
	_ =	swait.ge [sflag:s4], $0x0  }
0x19: {  	s7 =	sld [smem:$0x3F95]  }
0x1a: {  	s8 =	sadd.s32 $0xFFFFE003, lr  }
0x1b: {  	s9 =	sadd.s32 $0xFFFFFEF7, lr;
	s5 =	simm.s32 $0xFFFFFFFF;
	p2 =	slt.u32 s8, $0xFFFFF086  }
0x1c: {  	p1 =	slt.u32 s9, $0xF7A;
	s5 =	simm.s32 @!p2 $0x0  }
0x1d: {  	s5 =	simm.s32 @p1 $0x1;
	p0 =	seq.s32 s7, s2  }
0x1e: {  	s7 =	smul.u32 @!p0 $0xF7A, s2;
	p2 =	seq.s32 @!p0 s5, $0x0  }
0x1f: {  	s9 =	smul.u32 $0xF7A, s1;
	s8 =	simm.s32 @!p0 $0x1BF5;
	p2 =	por !p2, p0  }
0x20: {  	[sflag:s8] =	ssyncset.s32 @!p0 $0xFFFFF086;
	s6 =	sadd.s32 @!p0 s3, s7;
	s7 =	simm.s32 @!p0 $0x108  }
0x21: {  	s3 =	sadd.s32 s3, s9;
	s6 =	sadd.s32 @!p0 $0x88, s6;
	s7 =	simm.s32 @p2 $0x1082  }
0x22: {  	[simem:s7], [sflag:s8] =	dma.local @!p0 [hbm:s6], $0xF7A  }
0x23: {  	s9 =	sor.u32 $0xD0000000, s2;
	s6 =	simm.s32 $0x108;
	_ =	swait.ge @!p0 [sflag:s8], $0x0  }
0x24: {  	s3 =	sadd.s32 $0x88, s3;
	s6 =	simm.s32 @!p1 $0x1082;
	[sflag:s4] =	ssyncset.s32 $0xFFFFF086  }
0x25: {  	[simem:s6], [sflag:s4] =	dma.local [hbm:s3], $0xF7A  }
0x26: {  	[smem:$0x3F95] =	sst s1;
	(tag) =	ssettag s2;
	_ =	strace s9  }
0x27: {  	s1 =	sld [smem:$0x3FA5]  }
0x28: {  	s2 =	sld [smem:$0x3FA6]  }
0x29: {  	s4 =	sld [smem:$0x3FA8]  }
0x2a: {  	p0 =	seq.s32 s5, $0x0;
	s5 =	sld [smem:$0x3FA9]  }
0x2b: {  	s6 =	sld [smem:$0x3FAA]  }
0x2c: {  	s7 =	sld [smem:$0x3FAB]  }
0x2d: {  	s3 =	simm.s32 $0x108;
	s8 =	sld [smem:$0x3FAC]  }
0x2e: {  	s3 =	simm.s32 @!p0 $0x1082;
	s9 =	sld [smem:$0x3FAD]  }
0x2f: {  	lr =	sadd.s32 s0, s3;
	s0 =	sld [smem:$0x3FA4]  }
0x30: {  	s3 =	sld [smem:$0x3FA7]  }
0x31: {  	[smem:$0x3FB0] =	sst s10  }
0x32: {  	s10 =	sld [smem:$0x3FAE];
	_ =	sdelay $0x3  }
0x33: {  	p0 =	seq.s32 s10, $0x1;
	s10 =	sld [smem:$0x3FB0];
	_ =	sdelay $0x3  }
0x34: {  	[smem:$0x3FB0] =	sst s10  }
0x35: {  	s10 =	sld [smem:$0x3FAF];
	_ =	sdelay $0x3  }
0x36: {  	p1 =	seq.s32 s10, $0x1;
	s10 =	sld [smem:$0x3FB0];
	_ =	sdelay $0x3  }
0x37: {  	[smem:$0x3FB0] =	sst s10  }
0x38: {  	s10 =	sld [smem:$0x3FB1]  }
0x39: {  	_ = 	snop;
	(pc) =	sbr.ind lr, $3  }
0x3a: {  	_ = 	snop  }
0x3b: {  	_ = 	snop  }
0x3c: {  	p2 =	seq.s32 s10, $0x1;
	s10 =	sld [smem:$0x3FB0]  }
0x3d: {  	_ =	shalt  }
0x3e: {  	_ =	shalt  }
0x3f: {  	_ =	shalt  }
0x40: {  	_ =	shalt  }
0x41: {  	_ =	shalt  }
0x42: {  	_ =	shalt  }
0x43: {  	_ =	shalt  }
0x44: {  	_ =	shalt  }
0x45: {  	_ =	shalt  }
0x46: {  	_ =	shalt  }
0x47: {  	_ =	shalt  }
0x48: {  	_ =	shalt  }
0x49: {  	_ =	shalt  }
0x4a: {  	_ =	shalt  }
0x4b: {  	_ =	shalt  }
0x4c: {  	_ =	shalt  }
0x4d: {  	_ =	shalt  }
0x4e: {  	_ =	shalt  }
0x4f: {  	_ =	shalt  }
0x50: {  	_ =	shalt  }
0x51: {  	_ =	shalt  }
0x52: {  	_ =	shalt  }
0x53: {  	_ =	shalt  }
0x54: {  	_ =	shalt  }
0x55: {  	_ =	shalt  }
0x56: {  	_ =	shalt  }
0x57: {  	_ =	shalt  }
0x58: {  	_ =	shalt  }
0x59: {  	_ =	shalt  }
0x5a: {  	_ =	shalt  }
0x5b: {  	_ =	shalt  }
0x5c: {  	_ =	shalt  }
0x5d: {  	_ =	shalt  }
0x5e: {  	_ =	shalt  }
0x5f: {  	_ =	shalt  }
0x60: {  	_ =	shalt  }
0x61: {  	_ =	shalt  }
0x62: {  	_ =	shalt  }
0x63: {  	_ =	shalt  }
0x64: {  	_ =	shalt  }
0x65: {  	_ =	shalt  }
0x66: {  	_ =	shalt  }
0x67: {  	_ =	shalt  }
0x68: {  	_ =	shalt  }
0x69: {  	_ =	shalt  }
0x6a: {  	_ =	shalt  }
0x6b: {  	_ =	shalt  }
0x6c: {  	_ =	shalt  }
0x6d: {  	_ =	shalt  }
0x6e: {  	_ =	shalt  }
0x6f: {  	_ =	shalt  }
0x70: {  	_ =	shalt  }
0x71: {  	_ =	shalt  }
0x72: {  	_ =	shalt  }
0x73: {  	_ =	shalt  }
0x74: {  	_ =	shalt  }
0x75: {  	_ =	shalt  }
0x76: {  	_ =	shalt  }
0x77: {  	_ =	shalt  }
0x78: {  	_ =	shalt  }
0x79: {  	_ =	shalt  }
0x7a: {  	_ =	shalt  }
0x7b: {  	_ =	shalt  }
0x7c: {  	_ =	shalt  }
0x7d: {  	_ =	shalt  }
0x7e: {  	_ =	shalt  }
0x7f: {  	_ =	shalt  }
0x80: {  	_ =	shalt  }
0x81: {  	_ =	shalt  }
0x82: {  	_ =	shalt  }
0x83: {  	_ =	shalt  }
0x84: {  	_ =	shalt  }
0x85: {  	_ =	shalt  }
0x86: {  	_ =	shalt  }
0x87: {  	_ =	shalt  }
.Lfunc_end0:
.L_simem_size_0:
called_computation_lowered:
.L_overlay_start_0:
0x88: {  	s2 =	sld [smem:$0x3FD9]  }
0x89: {  	s3 =	sld [smem:$0x3FFE];
	_ =	sdelay $0x1  }
0x8a: {  	s1 =	srdreg.scid  }
0x8b: {  	s0 =	sand.u32 $0x1, s1  }
0x8c: {  	s16 =	sshll.u32 s0, $0xA;
	s2 =	sadd.s32 s3, s2  }
0x8d: {  	s2 =	sadd.s32 s2, s16  }
0x8e: {  	[smem:$0x3FBC] =	sst s2  }
0x8f: {  	_ = 	snop  }
0x90: {  	(tm) =	ssettm $0x1  }
0x91: {  	s17 =	sld [smem:$0x3FFB];
	_ =	sdelay $0x3  }
0x92: {  	_ =	strace s17  }
0x93: {  	s2 =	sld [smem:$0x3FFC];
	_ =	sdelay $0x3  }
0x94: {  	_ =	strace s2  }
0x95: {  	s2 =	sld [smem:$0x3FFD];
	_ =	sdelay $0x3  }
0x96: {  	_ =	strace s2  }
0x97: {  	_ =	strace $0x8FFFFFFF  }
0x98: {  	s18 =	sld [smem:$0x3FDB];
	_ =	sdelay $0x1  }
0x99: {  	s19 =	simm.s32 $_scs_section_size  }
0x9a: {  	s4 =	simm.s32 $_size__tile_overlayer_lowered;
	s5 =	simm.s32 $_tile_overlayer_lowered  }
0x9b: {  	s22 =	simm.s32 $0x1BFF;
	s21 =	sshll.u32 s5, $0x1;
	s2 =	sadd.s32 s19, s18  }
0x9c: {  	s6 =	simm.s32 $0x0;
	s20 =	sshll.u32 s4, $0x1;
	s4 =	sadd.s32 s21, s2  }
0x9d: {  	[timem:s6], [sflag:s22] =	dma.local [hbm:s4], s20  }
0x9e: {  	_ =	swait.ge [sflag:s22], s20  }
0x9f: {  	s3 =	ssub.s32 $0x0, s20;
	[sflag:s22] =	ssyncset.done $0x0  }
0xa0: {  	[sflag:s22] =	ssyncadd.s32 s3;
	_ =	sdelay $0x1  }
0xa1: {  	s23 =	simm.s32 $0x1B8B  }
0xa2: {  	_ =	swait.ge [sflag:s23], $0x1  }
0xa3: {  	[sflag:s23] =	ssyncset.done $0x0  }
0xa4: {  	s25 =	simm.s32 $0x1B8E;
	s24 =	sld [smem:$0x3FFE];
	[sflag:s23] =	ssyncadd.s32 $0xFFFFFFFF  }
0xa5: {  	s26 =	simm.s32 $execute0_lowered;
	[smem:$0x3FD2] =	sst s25  }
0xa6: {  	s4 =	sshll.u32 s26, $0x1;
	_ =	strace $0x80000046;
	[dreg:$0x1] =	wrdreg $0xFFFFFFFF  }
0xa7: {  	s28 =	simm.s32 $_size_execute0_lowered;
	s2 =	sadd.s32 s2, s4;
	[dreg:$0x0] =	wrdreg $0x0  }
0xa8: {  	s4 =	sshll.u32 s28, $0x1;
	[dreg:$0x2] =	wrdreg s2  }
0xa9: {  	[dreg:$0x3] =	wrdreg s4  }
0xaa: {  	[dreg:$0x4] =	wrdreg $0xC0  }
0xab: {  	_ =	task [dreg:s6], $0x5FFFF  }
0xac: {  	[dreg:$0x1] =	wrdreg $0xFFFFFFFF  }
0xad: {  	[dreg:$0x0] =	wrdreg $0x60  }
0xae: {  	[dreg:$0x2] =	wrdreg s24  }
0xaf: {  	[dreg:$0x3] =	wrdreg $0x9  }
0xb0: {  	_ =	task.clear_ibuf [dreg:s6], $0x4FFFF;
	_ =	strace $0x90000046  }
0xb1: {  	s29 =	simm.s32 $0x9;
	_ =	strace $0x80000048  }
0xb2: {  	_ =	swait.ge [sflag:s29], $0x1  }
0xb3: {  	[sflag:s29] =	ssyncadd.s32 $0xFFFFFFFF  }
0xb4: {  	_ =	strace $0x90000048  }
0xb5: {  	_ =	sfence  }
0xb6: {  	s30 =	sld [smem:$0x0];
	_ =	sdelay $0x2  }
0xb7: {  	s31 =	sshll.u32 s1, $0xD;
	s1 =	sshrl.u32 s1, $0x2  }
0xb8: {  	s3 =	sand.u32 $0x4000, s31;
	s1 =	sadd.s32 s1, s30  }
0xb9: {  	s0 =	sor.u32 s3, s0;
	s1 =	sshll.u32 s1, $0x11  }
0xba: {  	s0 =	sor.u32 s1, s0  }
0xbb: {  	s0 =	sadd.s32 $0x8F2B, s0  }
0xbc: {  	[sflag:s0] =	ssyncadd.remote.s32 $0x1  }
0xbd: {  	_ =	sfence.sel $0xFFFF  }
0xbe: {  	[dreg:$0x0] =	wrdreg $0xFFFFFFFF;
	(pc) =	sbr.abs _section_cstart, $3  }
0xbf: {  	[dreg:$0x1] =	wrdreg $0xFFFFFFFF  }
0xc0: {  	_ =	task.clear_ibuf [dreg:s6], $0x2FFFF;
	_ =	strace $0x9FFFFFFF  }
0xc1: {  	(tm) =	ssettm $0x7FFFFFFF  }
tec
execute0_lowered:
.L_overlay_start_1:
0x0: {  	(tag) =	ssettag $0x1  }
0x1: {  	s1 =	srdreg.scid  }
0x2: {  	s0 =	stileid.u32;
	s4 =	rddreg [dreg:$0x0]  }
0x3: {  	s2 =	simm.s32 $0x0;
	s3 =	sand.u32 $0x1, s1;
	s31 =	sshll.u32 s0, $0x1  }
0x4: {  	s9 =	simm.s32 $0x0;
	s1 =	rddreg [dreg:$0x1];
	s5 =	sor.u32 s3, s31  }
0x5: {  	[smem:$0x7FF] =	sst s2;
	s7 =	ssub.s32 $0x2, s3;
	s6 =	smul.u32 $0x500, s5  }
0x6: {  	_ =	strace $0x80000047;
	s5 =	smul.u32 $0x4F0, s5;
	s8 =	sshrl.u32 s7, $0x1  }
0x7: {  	s3 =	sadd.s32 $0xCC00, s4;
	s7 =	ssub.s32 s7, s8;
	s6 =	sadd.s32 s6, s4  }
0x8: {  	s8 =	simm.s32 $0x2800;
	s5 =	sadd.s32 s5, s4;
	s4 =	sadd.s32 $0x2C00, s6  }
0x9: {  	v0 =	vimm.f32 $1.000000000e+00;
	s5 =	sadd.s32 $0xD200, s5;
	s6 =	smax.u32 s7, $0x1;
	s7 =	simm.s32 $0x1  }
.LBB2_1:
0xa: {  	[tilespmem:s2], [sflag:$0x1] =	stream.linear.gather [hbm4b:s4+s2], $0x2800, $0x38;
	[tilespmem:$0x4F80] =	vst v63  }
0xb: {  	_ =	swait.ge [sflag:s7], $0x2800  }
0xc: {  	[sflag:s7] =	ssyncset.done $0x0  }
0xd: {  	[sflag:s7] =	ssyncadd.s32 $0xFFFFD800  }
0xe: {  	[tilespmem:s8], [sflag:$0x1] =	stream.linear.gather [hbm4b:s3+s2], $0x2780, $0x38;
	[tilespmem:$0x4F80] =	vst v63  }
0xf: {  	_ =	swait.ge [sflag:s7], $0x2780  }
0x10: {  	[sflag:s7] =	ssyncset.done $0x0  }
0x11: {  	s10 =	simm.s32 $0x0;
	[sflag:s7] =	ssyncadd.s32 $0xFFFFD880  }
.LBB2_2:
0x12: {  	s11 =	sshra.s32 s10, $0x2  }
0x13: {  	v1 =	vld [tilespmem:s11+$0x0];
	_ =	sdelay $0x7  }
0x14: {  	[tilespmem:v1+s8+$0x0] =	vst.idx.add.f32.msk $0xffff, v0  }
0x15: {  	v1 =	vld [tilespmem:s11+$0x10];
	_ =	sdelay $0x7  }
0x16: {  	[tilespmem:v1+s8+$0x0] =	vst.idx.add.f32.msk $0xffff, v0  }
0x17: {  	v1 =	vld [tilespmem:s11+$0x20];
	_ =	sdelay $0x7  }
0x18: {  	[tilespmem:v1+s8+$0x0] =	vst.idx.add.f32.msk $0xffff, v0  }
0x19: {  	v1 =	vld [tilespmem:s11+$0x30];
	_ =	sdelay $0x7  }
0x1a: {  	[tilespmem:v1+s8+$0x0] =	vst.idx.add.f32.msk $0xffff, v0  }
0x1b: {  	v1 =	vld [tilespmem:s11+$0x40];
	_ =	sdelay $0x7  }
0x1c: {  	[tilespmem:v1+s8+$0x0] =	vst.idx.add.f32.msk $0xffff, v0  }
0x1d: {  	v1 =	vld [tilespmem:s11+$0x50];
	_ =	sdelay $0x7  }
0x1e: {  	[tilespmem:v1+s8+$0x0] =	vst.idx.add.f32.msk $0xffff, v0  }
0x1f: {  	v1 =	vld [tilespmem:s11+$0x60];
	_ =	sdelay $0x7  }
0x20: {  	[tilespmem:v1+s8+$0x0] =	vst.idx.add.f32.msk $0xffff, v0  }
0x21: {  	v1 =	vld [tilespmem:s11+$0x70];
	_ =	sdelay $0x2  }
0x22: {  	p0 =	sne.s32 s10, $0x9E00  }
.Ltmp0:
0x23: {  	_ = 	snop;
	(pc) =	sbr.rel @p0 .LBB2_2-.Ltmp0, $2  }
0x24: {  	_ =	sdelay $0x2  }
0x25: {  	s10 =	sadd.s32 $0x200, s10;
	[tilespmem:v1+s8+$0x0] =	vst.idx.add.f32.msk $0xffff, v0  }
0x26: {  	s9 =	sadd.s32 $0x1, s9  }
0x27: {  	p0 =	sne.s32 s9, s6  }
.Ltmp1:
0x28: {  	_ = 	snop;
	(pc) =	sbr.rel @p0 .LBB2_1-.Ltmp1, $4  }
0x29: {  	[hbm4b:s5+s2] =	stream.linear.scatter [tilespmem:s8], [sflag:$0x1], $0x2780, $0x38;
	[tilespmem:$0x4F80] =	vst v63  }
0x2a: {  	_ =	swait.ge [sflag:s7], $0x2780  }
0x2b: {  	[sflag:s7] =	ssyncset.done $0x0  }
0x2c: {  	[sflag:s7] =	ssyncadd.s32 $0xFFFFD880  }
0x2d: {  	_ =	sfence.sel $0x180000  }
0x2e: {  	[bflag:$0x0] =	sbarrier.arrive $0xFFFF  }
0x2f: {  	p0 =	sne.s32 s0, $0x0;
	_ =	strace $0x90000047  }
0x30: {  	s0 =	sadd.s32 @!p0 $0x100000, s1;
	[bflag:$0x2] =	sbarrier.arrive $0xFFFF  }
0x31: {  	[sflag:s0] =	ssyncadd.tile.s32 @!p0 $0x1;
	_ =	shalt  }
.Lfunc_end2:
_tile_overlayer_lowered:
.L_overlay_start_2:
0x32: {  	(tag) =	ssettag $0x2  }
0x33: {  	s0 =	rddreg [dreg:$0x0];
	s2 =	stileid.u32  }
0x34: {  	s1 =	rddreg [dreg:$0x1];
	p0 =	sne.s32 s2, $0x0  }
0x35: {  	s3 =	rddreg [dreg:$0x2];
	[bflag:$0x3] =	sbarrier.arrive $0xFFFF;
	s2 =	simm.s32 @!p0 $0x1C01  }
0x36: {  	[timem:s3], [sflag:s2] =	dma.local @!p0 [hbm:s0], s1  }
0x37: {  	s0 =	simm.s32 @!p0 $0x1  }
0x38: {  	_ =	swait.ge @!p0 [sflag:s0], s1  }
0x39: {  	s1 =	ssub.s32 @!p0 $0x0, s1;
	[sflag:s0] =	ssyncset.done @!p0 $0x0  }
0x3a: {  	[sflag:s0] =	ssyncadd.s32 @!p0 s1  }
0x3b: {  	[bflag:$0x3] =	sbarrier.arrive $0xFFFF  }
0x3c: {  	_ =	shalt  }

// kernel: kernel.13.cloned.1.call-start
scs
__scs_entry_jumppad:
0x0: {  	(pc) =	sbr.rel $0x88, $3  }
0x1: {  	(tag) =	ssettag $0x0;
	lr =	simm.s32 $0x1  }
0x2: {  	[smem:$0x3F95] =	sst lr;
	_ =	strace $0xD0000000  }
0x3: {  	_ = 	snop  }
0x4: {  	_ = 	snop  }
0x5: {  	_ = 	snop  }
0x6: {  	_ = 	snop  }
0x7: {  	_ = 	snop  }
__scs_overlays_trampoline_lowered:
0x8: {  	[smem:$0x3FA4] =	sst s0  }
0x9: {  	[smem:$0x3FA5] =	sst s1  }
0xa: {  	[smem:$0x3FA6] =	sst s2  }
0xb: {  	[smem:$0x3FA7] =	sst s3  }
0xc: {  	[smem:$0x3FA8] =	sst s4  }
0xd: {  	[smem:$0x3FA9] =	sst s5  }
0xe: {  	[smem:$0x3FAA] =	sst s6  }
0xf: {  	[smem:$0x3FAB] =	sst s7  }
0x10: {  	[smem:$0x3FAC] =	sst s8  }
0x11: {  	[smem:$0x3FAD] =	sst s9;
	s0 =	simm.s32 @!p0 $0x0  }
0x12: {  	s1 =	sld [smem:$0x3F93];
	s0 =	simm.s32 @p0 $0x1  }
0x13: {  	[smem:$0x3FAE] =	sst s0;
	s0 =	simm.s32 @!p1 $0x0  }
0x14: {  	s2 =	sld [smem:$0x3F92];
	s0 =	simm.s32 @p1 $0x1  }
0x15: {  	[smem:$0x3FAF] =	sst s0;
	s0 =	simm.s32 @!p2 $0x0  }
0x16: {  	s3 =	sld [smem:$0x3FDB];
	s0 =	simm.s32 @p2 $0x1  }
0x17: {  	s4 =	simm.s32 $0x1BF5;
	[smem:$0x3FB1] =	sst s0  }
0x18: {  	s0 =	sld [smem:$0x3F94];
	_ =	swait.ge [sflag:s4], $0x0  }
0x19: {  	s7 =	sld [smem:$0x3F95]  }
0x1a: {  	s8 =	sadd.s32 $0xFFFFE003, lr  }
0x1b: {  	s9 =	sadd.s32 $0xFFFFFEF7, lr;
	s5 =	simm.s32 $0xFFFFFFFF;
	p2 =	slt.u32 s8, $0xFFFFF086  }
0x1c: {  	p1 =	slt.u32 s9, $0xF7A;
	s5 =	simm.s32 @!p2 $0x0  }
0x1d: {  	s5 =	simm.s32 @p1 $0x1;
	p0 =	seq.s32 s7, s2  }
0x1e: {  	s7 =	smul.u32 @!p0 $0xF7A, s2;
	p2 =	seq.s32 @!p0 s5, $0x0  }
0x1f: {  	s9 =	smul.u32 $0xF7A, s1;
	s8 =	simm.s32 @!p0 $0x1BF5;
	p2 =	por !p2, p0  }
0x20: {  	[sflag:s8] =	ssyncset.s32 @!p0 $0xFFFFF086;
	s6 =	sadd.s32 @!p0 s3, s7;
	s7 =	simm.s32 @!p0 $0x108  }
0x21: {  	s3 =	sadd.s32 s3, s9;
	s6 =	sadd.s32 @!p0 $0x88, s6;
	s7 =	simm.s32 @p2 $0x1082  }
0x22: {  	[simem:s7], [sflag:s8] =	dma.local @!p0 [hbm:s6], $0xF7A  }
0x23: {  	s9 =	sor.u32 $0xD0000000, s2;
	s6 =	simm.s32 $0x108;
	_ =	swait.ge @!p0 [sflag:s8], $0x0  }
0x24: {  	s3 =	sadd.s32 $0x88, s3;
	s6 =	simm.s32 @!p1 $0x1082;
	[sflag:s4] =	ssyncset.s32 $0xFFFFF086  }
0x25: {  	[simem:s6], [sflag:s4] =	dma.local [hbm:s3], $0xF7A  }
0x26: {  	[smem:$0x3F95] =	sst s1;
	(tag) =	ssettag s2;
	_ =	strace s9  }
0x27: {  	s1 =	sld [smem:$0x3FA5]  }
0x28: {  	s2 =	sld [smem:$0x3FA6]  }
0x29: {  	s4 =	sld [smem:$0x3FA8]  }
0x2a: {  	p0 =	seq.s32 s5, $0x0;
	s5 =	sld [smem:$0x3FA9]  }
0x2b: {  	s6 =	sld [smem:$0x3FAA]  }
0x2c: {  	s7 =	sld [smem:$0x3FAB]  }
0x2d: {  	s3 =	simm.s32 $0x108;
	s8 =	sld [smem:$0x3FAC]  }
0x2e: {  	s3 =	simm.s32 @!p0 $0x1082;
	s9 =	sld [smem:$0x3FAD]  }
0x2f: {  	lr =	sadd.s32 s0, s3;
	s0 =	sld [smem:$0x3FA4]  }
0x30: {  	s3 =	sld [smem:$0x3FA7]  }
0x31: {  	[smem:$0x3FB0] =	sst s10  }
0x32: {  	s10 =	sld [smem:$0x3FAE];
	_ =	sdelay $0x3  }
0x33: {  	p0 =	seq.s32 s10, $0x1;
	s10 =	sld [smem:$0x3FB0];
	_ =	sdelay $0x3  }
0x34: {  	[smem:$0x3FB0] =	sst s10  }
0x35: {  	s10 =	sld [smem:$0x3FAF];
	_ =	sdelay $0x3  }
0x36: {  	p1 =	seq.s32 s10, $0x1;
	s10 =	sld [smem:$0x3FB0];
	_ =	sdelay $0x3  }
0x37: {  	[smem:$0x3FB0] =	sst s10  }
0x38: {  	s10 =	sld [smem:$0x3FB1]  }
0x39: {  	_ = 	snop;
	(pc) =	sbr.ind lr, $3  }
0x3a: {  	_ = 	snop  }
0x3b: {  	_ = 	snop  }
0x3c: {  	p2 =	seq.s32 s10, $0x1;
	s10 =	sld [smem:$0x3FB0]  }
0x3d: {  	_ =	shalt  }
0x3e: {  	_ =	shalt  }
0x3f: {  	_ =	shalt  }
0x40: {  	_ =	shalt  }
0x41: {  	_ =	shalt  }
0x42: {  	_ =	shalt  }
0x43: {  	_ =	shalt  }
0x44: {  	_ =	shalt  }
0x45: {  	_ =	shalt  }
0x46: {  	_ =	shalt  }
0x47: {  	_ =	shalt  }
0x48: {  	_ =	shalt  }
0x49: {  	_ =	shalt  }
0x4a: {  	_ =	shalt  }
0x4b: {  	_ =	shalt  }
0x4c: {  	_ =	shalt  }
0x4d: {  	_ =	shalt  }
0x4e: {  	_ =	shalt  }
0x4f: {  	_ =	shalt  }
0x50: {  	_ =	shalt  }
0x51: {  	_ =	shalt  }
0x52: {  	_ =	shalt  }
0x53: {  	_ =	shalt  }
0x54: {  	_ =	shalt  }
0x55: {  	_ =	shalt  }
0x56: {  	_ =	shalt  }
0x57: {  	_ =	shalt  }
0x58: {  	_ =	shalt  }
0x59: {  	_ =	shalt  }
0x5a: {  	_ =	shalt  }
0x5b: {  	_ =	shalt  }
0x5c: {  	_ =	shalt  }
0x5d: {  	_ =	shalt  }
0x5e: {  	_ =	shalt  }
0x5f: {  	_ =	shalt  }
0x60: {  	_ =	shalt  }
0x61: {  	_ =	shalt  }
0x62: {  	_ =	shalt  }
0x63: {  	_ =	shalt  }
0x64: {  	_ =	shalt  }
0x65: {  	_ =	shalt  }
0x66: {  	_ =	shalt  }
0x67: {  	_ =	shalt  }
0x68: {  	_ =	shalt  }
0x69: {  	_ =	shalt  }
0x6a: {  	_ =	shalt  }
0x6b: {  	_ =	shalt  }
0x6c: {  	_ =	shalt  }
0x6d: {  	_ =	shalt  }
0x6e: {  	_ =	shalt  }
0x6f: {  	_ =	shalt  }
0x70: {  	_ =	shalt  }
0x71: {  	_ =	shalt  }
0x72: {  	_ =	shalt  }
0x73: {  	_ =	shalt  }
0x74: {  	_ =	shalt  }
0x75: {  	_ =	shalt  }
0x76: {  	_ =	shalt  }
0x77: {  	_ =	shalt  }
0x78: {  	_ =	shalt  }
0x79: {  	_ =	shalt  }
0x7a: {  	_ =	shalt  }
0x7b: {  	_ =	shalt  }
0x7c: {  	_ =	shalt  }
0x7d: {  	_ =	shalt  }
0x7e: {  	_ =	shalt  }
0x7f: {  	_ =	shalt  }
0x80: {  	_ =	shalt  }
0x81: {  	_ =	shalt  }
0x82: {  	_ =	shalt  }
0x83: {  	_ =	shalt  }
0x84: {  	_ =	shalt  }
0x85: {  	_ =	shalt  }
0x86: {  	_ =	shalt  }
0x87: {  	_ =	shalt  }
.Lfunc_end0:
.L_simem_size_0:
called_computation.1_lowered:
.L_overlay_start_0:
0x88: {  	s2 =	sld [smem:$0x3FD9]  }
0x89: {  	s3 =	sld [smem:$0x3FFE];
	_ =	sdelay $0x1  }
0x8a: {  	s1 =	srdreg.scid  }
0x8b: {  	s0 =	sand.u32 $0x1, s1  }
0x8c: {  	s17 =	sshll.u32 s0, $0xA;
	s2 =	sadd.s32 s3, s2  }
0x8d: {  	s2 =	sadd.s32 s2, s17  }
0x8e: {  	[smem:$0x3FBC] =	sst s2  }
0x8f: {  	_ = 	snop  }
0x90: {  	s2 =	sld [smem:$0x3FD0];
	(tm) =	ssettm $0x1  }
0x91: {  	s18 =	sld [smem:$0x3FFB];
	_ =	sdelay $0x3  }
0x92: {  	_ =	strace s18  }
0x93: {  	s3 =	sld [smem:$0x3FFC];
	_ =	sdelay $0x3  }
0x94: {  	_ =	strace s3  }
0x95: {  	s3 =	sld [smem:$0x3FFD];
	_ =	sdelay $0x3  }
0x96: {  	_ =	strace s3  }
0x97: {  	_ =	strace $0x8FFFFFFF  }
0x98: {  	s19 =	sld [smem:$0x3FDB];
	_ =	sdelay $0x1  }
0x99: {  	s4 =	simm.s32 $_scs_section_size  }
0x9a: {  	s5 =	simm.s32 $_size__tile_overlayer_lowered;
	s6 =	simm.s32 $_tile_overlayer_lowered  }
0x9b: {  	s22 =	simm.s32 $0x1BFF;
	s21 =	sshll.u32 s6, $0x1;
	s3 =	sadd.s32 s4, s19  }
0x9c: {  	s7 =	simm.s32 $0x0;
	s20 =	sshll.u32 s5, $0x1;
	s5 =	sadd.s32 s21, s3  }
0x9d: {  	[timem:s7], [sflag:s22] =	dma.local [hbm:s5], s20  }
0x9e: {  	_ =	swait.ge [sflag:s22], s20  }
0x9f: {  	s4 =	ssub.s32 $0x0, s20;
	[sflag:s22] =	ssyncset.done $0x0  }
0xa0: {  	[sflag:s22] =	ssyncadd.s32 s4;
	_ =	sdelay $0x1  }
0xa1: {  	s23 =	simm.s32 $0x1B8B  }
0xa2: {  	_ =	swait.ge [sflag:s23], $0x1  }
0xa3: {  	[sflag:s23] =	ssyncset.done $0x0  }
0xa4: {  	s25 =	simm.s32 $0x1B8E;
	s24 =	sld [smem:$0x3FFE];
	[sflag:s23] =	ssyncadd.s32 $0xFFFFFFFF  }
0xa5: {  	s26 =	simm.s32 $execute0_lowered;
	[smem:$0x3FD2] =	sst s25  }
0xa6: {  	s5 =	sshll.u32 s26, $0x1;
	_ =	strace $0x80000049;
	[dreg:$0x1] =	wrdreg $0xFFFFFFFF  }
0xa7: {  	s28 =	simm.s32 $_size_execute0_lowered;
	s3 =	sadd.s32 s3, s5;
	[dreg:$0x0] =	wrdreg $0x0  }
0xa8: {  	s5 =	sshll.u32 s28, $0x1;
	[dreg:$0x2] =	wrdreg s3  }
0xa9: {  	[dreg:$0x3] =	wrdreg s5  }
0xaa: {  	[dreg:$0x4] =	wrdreg $0xC0  }
0xab: {  	_ =	task [dreg:s7], $0x5FFFF  }
0xac: {  	[dreg:$0x1] =	wrdreg $0xFFFFFFFF  }
0xad: {  	[dreg:$0x0] =	wrdreg $0x60  }
0xae: {  	[dreg:$0x2] =	wrdreg s24  }
0xaf: {  	[dreg:$0x3] =	wrdreg s2  }
0xb0: {  	[dreg:$0x4] =	wrdreg $0x120000  }
0xb1: {  	[dreg:$0x5] =	wrdreg $0x9  }
0xb2: {  	_ =	task.clear_ibuf [dreg:s7], $0x6FFFF;
	_ =	strace $0x90000049  }
0xb3: {  	s29 =	simm.s32 $0x9;
	_ =	strace $0x8000004B  }
0xb4: {  	_ =	swait.ge [sflag:s29], $0x1  }
0xb5: {  	[sflag:s29] =	ssyncadd.s32 $0xFFFFFFFF  }
0xb6: {  	_ =	strace $0x9000004B  }
0xb7: {  	_ =	sfence  }
0xb8: {  	s30 =	sld [smem:$0x0];
	_ =	sdelay $0x2  }
0xb9: {  	s31 =	sshll.u32 s1, $0xD;
	s1 =	sshrl.u32 s1, $0x2  }
0xba: {  	s3 =	sand.u32 $0x4000, s31;
	s1 =	sadd.s32 s1, s30  }
0xbb: {  	s0 =	sor.u32 s3, s0;
	s1 =	sshll.u32 s1, $0x11  }
0xbc: {  	s0 =	sor.u32 s1, s0  }
0xbd: {  	s0 =	sadd.s32 $0x8F2B, s0  }
0xbe: {  	[sflag:s0] =	ssyncadd.remote.s32 $0x1  }
0xbf: {  	_ =	sfence.sel $0xFFFF  }
0xc0: {  	[dreg:$0x0] =	wrdreg $0xFFFFFFFF;
	(pc) =	sbr.abs _section_cstart, $3  }
0xc1: {  	[dreg:$0x1] =	wrdreg $0xFFFFFFFF  }
0xc2: {  	_ =	task.clear_ibuf [dreg:s7], $0x2FFFF;
	_ =	strace $0x9FFFFFFF  }
0xc3: {  	(tm) =	ssettm $0x7FFFFFFF  }
tec
execute0_lowered:
.L_overlay_start_1:
0x0: {  	(tag) =	ssettag $0x1  }
0x1: {  	s0 =	rddreg [dreg:$0x0]  }
0x2: {  	s5 =	rddreg [dreg:$0x1]  }
0x3: {  	s1 =	rddreg [dreg:$0x2];
	s2 =	srdreg.scid;
	s3 =	simm.s32 $0x0  }
0x4: {  	s25 =	stileid.u32;
	s14 =	simm.s32 $0x80;
	s15 =	simm.s32 $0xA000  }
0x5: {  	s16 =	simm.s32 $0xC000;
	s17 =	simm.s32 $0x100;
	s18 =	simm.s32 $0xE000  }
0x6: {  	s19 =	simm.s32 $0x180;
	s20 =	simm.s32 $0x10000;
	s21 =	simm.s32 $0x1  }
0x7: {  	s22 =	simm.s32 $0x2;
	s23 =	simm.s32 $0x3;
	s24 =	simm.s32 $0x4  }
0x8: {  	s28 =	simm.s32 $0x9F00;
	s29 =	simm.s32 $0x9F80;
	s30 =	simm.s32 $0x0  }
0x9: {  	s4 =	sand.u32 $0x1, s2;
	[smem:$0x7FF] =	sst s3;
	s7 =	smul.u32 $0x9E00, s25  }
0xa: {  	s9 =	smul.u32 $0xA00, s25;
	s31 =	sshll.u32 s25, $0x6;
	s25 =	simm.s32 $0x9E00  }
0xb: {  	s6 =	smul.u32 $0x9E000, s4;
	_ =	strace $0x8000004A;
	s4 =	ssub.s32 $0x2, s4  }
0xc: {  	s10 =	sadd.s32 s9, s0;
	s26 =	sshrl.u32 s4, $0x1;
	s5 =	sadd.s32 s5, s9  }
0xd: {  	s13 =	sadd.s32 s7, s1;
	s12 =	sshrl.u32 s7, $0x3;
	s9 =	simm.s32 $0x5  }
0xe: {  	s8 =	sshrl.u32 s6, $0x3;
	s6 =	sadd.s32 s7, s6;
	s11 =	ssub.s32 s4, s26  }
0xf: {  	s4 =	sadd.s32 $0x17000, s10;
	s10 =	simm.s32 $0x5000;
	s13 =	sshrl.u32 s13, $0x3  }
0x10: {  	s26 =	simm.s32 $0x9E80;
	s8 =	sadd.s32 s8, s0;
	s6 =	sshrl.u32 s6, $0x3  }
0x11: {  	s0 =	sadd.s32 s6, s0;
	s6 =	sadd.s32 $0x70000, s8;
	s8 =	smax.u32 s11, $0x1  }
0x12: {  	s7 =	sadd.s32 $0x21000, s0;
	s11 =	sadd.s32 s12, s6;
	s12 =	sor.u32 $0x1C05, s31  }
.LBB2_1:
0x13: {  	[tilespmem:s3], [sflag:$0x5] =	stream.linear.gather [hbm4b:s4+s3], $0x5000, $0x38;
	[tilespmem:$0x1BE00] =	vst v63  }
0x14: {  	_ =	swait.ge [sflag:s9], $0x5000  }
0x15: {  	[sflag:s9] =	ssyncset.done $0x0  }
0x16: {  	[sflag:s9] =	ssyncadd.s32 $0xFFFFB000  }
0x17: {  	[tilespmem:s10], [sflag:$0x5] =	stream.linear.gather [hbm4b:s5+s3], $0x5000, $0x38;
	[tilespmem:$0x1BE00] =	vst v63  }
0x18: {  	_ =	swait.ge [sflag:s9], $0x5000  }
0x19: {  	[sflag:s9] =	ssyncset.done $0x0  }
0x1a: {  	[sflag:s9] =	ssyncadd.s32 $0xFFFFB000  }
0x1b: {  	[spmem:s13], [sflag:s12] =	dma.local [hbm:s11], $0x13C0  }
0x1c: {  	_ =	swait.ge [sflag:s9], $0x13C0  }
0x1d: {  	[sflag:s9] =	ssyncset.done $0x0  }
0x1e: {  	[sflag:s9] =	ssyncadd.s32 $0xFFFFEC40  }
0x1f: {  	[bflag:$0x0] =	sbarrier.arrive $0xFFFF  }
0x20: {  	[tilespmem:s15], [sflag:$0x1] =	stream.indirect.gather [hbm4b:s6+s14], $0x40, s3, s14, $0xb8;
	[tilespmem:$0x1BE00] =	vst v63  }
0x21: {  	_ = 	snop  }
0x22: {  	[tilespmem:s16], [sflag:$0x2] =	stream.indirect.gather [hbm4b:s6+s14], $0x40, s14, s14, $0xb8;
	[tilespmem:$0x1BE00] =	vst v63  }
0x23: {  	_ = 	snop  }
0x24: {  	[tilespmem:s18], [sflag:$0x3] =	stream.indirect.gather [hbm4b:s6+s14], $0x40, s17, s14, $0xb8;
	[tilespmem:$0x1BE00] =	vst v63  }
0x25: {  	_ = 	snop  }
0x26: {  	[tilespmem:s20], [sflag:$0x4] =	stream.indirect.gather [hbm4b:s6+s14], $0x40, s19, s14, $0xb8;
	[tilespmem:$0x1BE00] =	vst v63  }
0x27: {  	_ =	swait.ge [sflag:s21], $0x2000  }
0x28: {  	[sflag:s21] =	ssyncset.done $0x0  }
0x29: {  	s0 =	simm.s32 $0x5000;
	[sflag:s21] =	ssyncadd.s32 $0xFFFFE000  }
0x2a: {  	[spmem:s1] =	stream.indirect.scatter.add.f32 [tilespmem:s15], [sflag:$0x5], $0x40, s0, s14, $0xb8;
	[tilespmem:$0x1BE00] =	vst v63  }
0x2b: {  	_ =	swait.ge [sflag:s9], $0x2000  }
0x2c: {  	[sflag:s9] =	ssyncset.done $0x0  }
0x2d: {  	s2 =	simm.s32 $0x200;
	[sflag:s9] =	ssyncadd.s32 $0xFFFFE000  }
0x2e: {  	[tilespmem:s15], [sflag:$0x1] =	stream.indirect.gather [hbm4b:s6+s14], $0x40, s2, s14, $0xb8;
	[tilespmem:$0x1BE00] =	vst v63  }
0x2f: {  	_ =	swait.ge [sflag:s22], $0x2000  }
0x30: {  	[sflag:s22] =	ssyncset.done $0x0  }
0x31: {  	s2 =	simm.s32 $0x5080;
	[sflag:s22] =	ssyncadd.s32 $0xFFFFE000  }
0x32: {  	[spmem:s1] =	stream.indirect.scatter.add.f32 [tilespmem:s16], [sflag:$0x5], $0x40, s2, s14, $0xb8;
	[tilespmem:$0x1BE00] =	vst v63  }
0x33: {  	_ =	swait.ge [sflag:s9], $0x2000  }
0x34: {  	[sflag:s9] =	ssyncset.done $0x0  }
0x35: {  	s2 =	simm.s32 $0x280;
	[sflag:s9] =	ssyncadd.s32 $0xFFFFE000  }
0x36: {  	[tilespmem:s16], [sflag:$0x2] =	stream.indirect.gather [hbm4b:s6+s14], $0x40, s2, s14, $0xb8;
	[tilespmem:$0x1BE00] =	vst v63  }
0x37: {  	_ =	swait.ge [sflag:s23], $0x2000  }
0x38: {  	[sflag:s23] =	ssyncset.done $0x0  }
0x39: {  	s2 =	simm.s32 $0x5100;
	[sflag:s23] =	ssyncadd.s32 $0xFFFFE000  }
0x3a: {  	[spmem:s1] =	stream.indirect.scatter.add.f32 [tilespmem:s18], [sflag:$0x5], $0x40, s2, s14, $0xb8;
	[tilespmem:$0x1BE00] =	vst v63  }
0x3b: {  	_ =	swait.ge [sflag:s9], $0x2000  }
0x3c: {  	[sflag:s9] =	ssyncset.done $0x0  }
0x3d: {  	s2 =	simm.s32 $0x300;
	[sflag:s9] =	ssyncadd.s32 $0xFFFFE000  }
0x3e: {  	[tilespmem:s18], [sflag:$0x3] =	stream.indirect.gather [hbm4b:s6+s14], $0x40, s2, s14, $0xb8;
	[tilespmem:$0x1BE00] =	vst v63  }
0x3f: {  	_ =	swait.ge [sflag:s24], $0x2000  }
0x40: {  	[sflag:s24] =	ssyncset.done $0x0  }
0x41: {  	s2 =	simm.s32 $0x5180;
	[sflag:s24] =	ssyncadd.s32 $0xFFFFE000  }
0x42: {  	[spmem:s1] =	stream.indirect.scatter.add.f32 [tilespmem:s20], [sflag:$0x5], $0x40, s2, s14, $0xb8;
	[tilespmem:$0x1BE00] =	vst v63  }
0x43: {  	_ =	swait.ge [sflag:s9], $0x2000  }
0x44: {  	[sflag:s9] =	ssyncset.done $0x0  }
0x45: {  	s31 =	simm.s32 $0x800;
	s0 =	simm.s32 $0x380;
	[sflag:s9] =	ssyncadd.s32 $0xFFFFE000  }
.LBB2_2:
0x46: {  	[tilespmem:s20], [sflag:$0x4] =	stream.indirect.gather [hbm4b:s6+s14], $0x40, s0, s14, $0xb8;
	[tilespmem:$0x1BE00] =	vst v63  }
0x47: {  	s0 =	smov.u32 s31  }
0x48: {  	p0 =	sne.s32 s31, $0x13000;
	s31 =	sadd.s32 $0x800, s31;
	_ =	swait.ge [sflag:s21], $0x2000  }
0x49: {  	s0 =	sshra.s32 s0, $0x2;
	[sflag:s21] =	ssyncset.done $0x0  }
0x4a: {  	s2 =	sadd.s32 $0x5000, s0;
	[sflag:s21] =	ssyncadd.s32 $0xFFFFE000  }
0x4b: {  	[spmem:s1] =	stream.indirect.scatter.add.f32 [tilespmem:s15], [sflag:$0x5], $0x40, s2, s14, $0xb8;
	[tilespmem:$0x1BE00] =	vst v63  }
0x4c: {  	_ =	swait.ge [sflag:s9], $0x2000  }
0x4d: {  	[sflag:s9] =	ssyncset.done $0x0  }
0x4e: {  	s2 =	sadd.s32 $0x200, s0;
	[sflag:s9] =	ssyncadd.s32 $0xFFFFE000  }
0x4f: {  	[tilespmem:s15], [sflag:$0x1] =	stream.indirect.gather [hbm4b:s6+s14], $0x40, s2, s14, $0xb8;
	[tilespmem:$0x1BE00] =	vst v63  }
0x50: {  	_ =	swait.ge [sflag:s22], $0x2000  }
0x51: {  	[sflag:s22] =	ssyncset.done $0x0  }
0x52: {  	s2 =	sadd.s32 $0x5080, s0;
	[sflag:s22] =	ssyncadd.s32 $0xFFFFE000  }
0x53: {  	[spmem:s1] =	stream.indirect.scatter.add.f32 [tilespmem:s16], [sflag:$0x5], $0x40, s2, s14, $0xb8;
	[tilespmem:$0x1BE00] =	vst v63  }
0x54: {  	_ =	swait.ge [sflag:s9], $0x2000  }
0x55: {  	[sflag:s9] =	ssyncset.done $0x0  }
0x56: {  	s2 =	sadd.s32 $0x280, s0;
	[sflag:s9] =	ssyncadd.s32 $0xFFFFE000  }
0x57: {  	[tilespmem:s16], [sflag:$0x2] =	stream.indirect.gather [hbm4b:s6+s14], $0x40, s2, s14, $0xb8;
	[tilespmem:$0x1BE00] =	vst v63  }
0x58: {  	_ =	swait.ge [sflag:s23], $0x2000  }
0x59: {  	[sflag:s23] =	ssyncset.done $0x0  }
0x5a: {  	s2 =	sadd.s32 $0x5100, s0;
	[sflag:s23] =	ssyncadd.s32 $0xFFFFE000  }
0x5b: {  	[spmem:s1] =	stream.indirect.scatter.add.f32 [tilespmem:s18], [sflag:$0x5], $0x40, s2, s14, $0xb8;
	[tilespmem:$0x1BE00] =	vst v63  }
0x5c: {  	_ =	swait.ge [sflag:s9], $0x2000  }
0x5d: {  	[sflag:s9] =	ssyncset.done $0x0  }
0x5e: {  	s2 =	sadd.s32 $0x300, s0;
	[sflag:s9] =	ssyncadd.s32 $0xFFFFE000  }
0x5f: {  	[tilespmem:s18], [sflag:$0x3] =	stream.indirect.gather [hbm4b:s6+s14], $0x40, s2, s14, $0xb8;
	[tilespmem:$0x1BE00] =	vst v63  }
0x60: {  	_ =	swait.ge [sflag:s24], $0x2000  }
0x61: {  	[sflag:s24] =	ssyncset.done $0x0  }
.Ltmp0:
0x62: {  	s2 =	sadd.s32 $0x5180, s0;
	[sflag:s24] =	ssyncadd.s32 $0xFFFFE000;
	(pc) =	sbr.rel @p0 .LBB2_2-.Ltmp0, $4  }
0x63: {  	[spmem:s1] =	stream.indirect.scatter.add.f32 [tilespmem:s20], [sflag:$0x5], $0x40, s2, s14, $0xb8;
	[tilespmem:$0x1BE00] =	vst v63  }
0x64: {  	_ =	swait.ge [sflag:s9], $0x2000  }
0x65: {  	[sflag:s9] =	ssyncset.done $0x0  }
0x66: {  	s0 =	sadd.s32 $0x380, s0;
	[sflag:s9] =	ssyncadd.s32 $0xFFFFE000  }
0x67: {  	[tilespmem:s20], [sflag:$0x4] =	stream.indirect.gather [hbm4b:s6+s14], $0x40, s0, s14, $0xb8;
	[tilespmem:$0x1BE00] =	vst v63  }
0x68: {  	_ =	swait.ge [sflag:s21], $0x2000  }
0x69: {  	[sflag:s21] =	ssyncset.done $0x0  }
0x6a: {  	[sflag:s21] =	ssyncadd.s32 $0xFFFFE000  }
0x6b: {  	[spmem:s1] =	stream.indirect.scatter.add.f32 [tilespmem:s15], [sflag:$0x5], $0x40, s25, s14, $0xb8;
	[tilespmem:$0x1BE00] =	vst v63  }
0x6c: {  	_ =	swait.ge [sflag:s9], $0x2000  }
0x6d: {  	[sflag:s9] =	ssyncset.done $0x0  }
0x6e: {  	[sflag:s9] =	ssyncadd.s32 $0xFFFFE000  }
0x6f: {  	_ =	swait.ge [sflag:s22], $0x2000  }
0x70: {  	[sflag:s22] =	ssyncset.done $0x0  }
0x71: {  	[sflag:s22] =	ssyncadd.s32 $0xFFFFE000  }
0x72: {  	[spmem:s1] =	stream.indirect.scatter.add.f32 [tilespmem:s16], [sflag:$0x5], $0x40, s26, s14, $0xb8;
	[tilespmem:$0x1BE00] =	vst v63  }
0x73: {  	_ =	swait.ge [sflag:s9], $0x2000  }
0x74: {  	[sflag:s9] =	ssyncset.done $0x0  }
0x75: {  	[sflag:s9] =	ssyncadd.s32 $0xFFFFE000  }
0x76: {  	_ =	swait.ge [sflag:s23], $0x2000  }
0x77: {  	[sflag:s23] =	ssyncset.done $0x0  }
0x78: {  	[sflag:s23] =	ssyncadd.s32 $0xFFFFE000  }
0x79: {  	[spmem:s1] =	stream.indirect.scatter.add.f32 [tilespmem:s18], [sflag:$0x5], $0x40, s28, s14, $0xb8;
	[tilespmem:$0x1BE00] =	vst v63  }
0x7a: {  	_ =	swait.ge [sflag:s9], $0x2000  }
0x7b: {  	[sflag:s9] =	ssyncset.done $0x0  }
0x7c: {  	[sflag:s9] =	ssyncadd.s32 $0xFFFFE000  }
0x7d: {  	_ =	swait.ge [sflag:s24], $0x2000  }
0x7e: {  	[sflag:s24] =	ssyncset.done $0x0  }
0x7f: {  	[sflag:s24] =	ssyncadd.s32 $0xFFFFE000  }
0x80: {  	[spmem:s1] =	stream.indirect.scatter.add.f32 [tilespmem:s20], [sflag:$0x5], $0x40, s29, s14, $0xb8;
	[tilespmem:$0x1BE00] =	vst v63  }
0x81: {  	_ =	swait.ge [sflag:s9], $0x2000  }
0x82: {  	s30 =	sadd.s32 $0x1, s30;
	[sflag:s9] =	ssyncset.done $0x0  }
0x83: {  	p0 =	sne.s32 s30, s8;
	[sflag:s9] =	ssyncadd.s32 $0xFFFFE000  }
.Ltmp1:
0x84: {  	[bflag:$0x0] =	sbarrier.arrive $0xFFFF;
	(pc) =	sbr.rel @p0 .LBB2_1-.Ltmp1, $4  }
0x85: {  	[hbm:s7], [sflag:s12] =	dma.local [spmem:s13], $0x13C0  }
0x86: {  	_ =	swait.ge [sflag:s9], $0x13C0  }
0x87: {  	[sflag:s9] =	ssyncset.done $0x0  }
0x88: {  	[sflag:s9] =	ssyncadd.s32 $0xFFFFEC40  }
0x89: {  	_ =	sfence.sel $0x180000  }
0x8a: {  	[bflag:$0x0] =	sbarrier.arrive $0xFFFF  }
0x8b: {  	_ =	strace $0x9000004A  }
0x8c: {  	s0 =	stileid.u32;
	[bflag:$0x2] =	sbarrier.arrive $0xFFFF  }
0x8d: {  	p0 =	sne.s32 s0, $0x0;
	s0 =	rddreg [dreg:$0x3]  }
0x8e: {  	s0 =	sadd.s32 @!p0 $0x100000, s0  }
0x8f: {  	[sflag:s0] =	ssyncadd.tile.s32 @!p0 $0x1;
	_ =	shalt  }
.Lfunc_end2:
_tile_overlayer_lowered:
.L_overlay_start_2:
0x90: {  	(tag) =	ssettag $0x2  }
0x91: {  	s0 =	rddreg [dreg:$0x0];
	s2 =	stileid.u32  }
0x92: {  	s1 =	rddreg [dreg:$0x1];
	p0 =	sne.s32 s2, $0x0  }
0x93: {  	s3 =	rddreg [dreg:$0x2];
	[bflag:$0x3] =	sbarrier.arrive $0xFFFF;
	s2 =	simm.s32 @!p0 $0x1C05  }
0x94: {  	[timem:s3], [sflag:s2] =	dma.local @!p0 [hbm:s0], s1  }
0x95: {  	s0 =	simm.s32 @!p0 $0x5  }
0x96: {  	_ =	swait.ge @!p0 [sflag:s0], s1  }
0x97: {  	s1 =	ssub.s32 @!p0 $0x0, s1;
	[sflag:s0] =	ssyncset.done @!p0 $0x0  }
0x98: {  	[sflag:s0] =	ssyncadd.s32 @!p0 s1  }
0x99: {  	[bflag:$0x3] =	sbarrier.arrive $0xFFFF  }
0x9a: {  	_ =	shalt  }

// kernel: kernel.16.cloned.1.call-start
scs
__scs_entry_jumppad:
0x0: {  	(pc) =	sbr.rel $0x88, $3  }
0x1: {  	(tag) =	ssettag $0x0;
	lr =	simm.s32 $0x1  }
0x2: {  	[smem:$0x3F95] =	sst lr;
	_ =	strace $0xD0000000  }
0x3: {  	_ = 	snop  }
0x4: {  	_ = 	snop  }
0x5: {  	_ = 	snop  }
0x6: {  	_ = 	snop  }
0x7: {  	_ = 	snop  }
__scs_overlays_trampoline_lowered:
0x8: {  	[smem:$0x3FA4] =	sst s0  }
0x9: {  	[smem:$0x3FA5] =	sst s1  }
0xa: {  	[smem:$0x3FA6] =	sst s2  }
0xb: {  	[smem:$0x3FA7] =	sst s3  }
0xc: {  	[smem:$0x3FA8] =	sst s4  }
0xd: {  	[smem:$0x3FA9] =	sst s5  }
0xe: {  	[smem:$0x3FAA] =	sst s6  }
0xf: {  	[smem:$0x3FAB] =	sst s7  }
0x10: {  	[smem:$0x3FAC] =	sst s8  }
0x11: {  	[smem:$0x3FAD] =	sst s9;
	s0 =	simm.s32 @!p0 $0x0  }
0x12: {  	s1 =	sld [smem:$0x3F93];
	s0 =	simm.s32 @p0 $0x1  }
0x13: {  	[smem:$0x3FAE] =	sst s0;
	s0 =	simm.s32 @!p1 $0x0  }
0x14: {  	s2 =	sld [smem:$0x3F92];
	s0 =	simm.s32 @p1 $0x1  }
0x15: {  	[smem:$0x3FAF] =	sst s0;
	s0 =	simm.s32 @!p2 $0x0  }
0x16: {  	s3 =	sld [smem:$0x3FDB];
	s0 =	simm.s32 @p2 $0x1  }
0x17: {  	s4 =	simm.s32 $0x1BF5;
	[smem:$0x3FB1] =	sst s0  }
0x18: {  	s0 =	sld [smem:$0x3F94];
	_ =	swait.ge [sflag:s4], $0x0  }
0x19: {  	s7 =	sld [smem:$0x3F95]  }
0x1a: {  	s8 =	sadd.s32 $0xFFFFE003, lr  }
0x1b: {  	s9 =	sadd.s32 $0xFFFFFEF7, lr;
	s5 =	simm.s32 $0xFFFFFFFF;
	p2 =	slt.u32 s8, $0xFFFFF086  }
0x1c: {  	p1 =	slt.u32 s9, $0xF7A;
	s5 =	simm.s32 @!p2 $0x0  }
0x1d: {  	s5 =	simm.s32 @p1 $0x1;
	p0 =	seq.s32 s7, s2  }
0x1e: {  	s7 =	smul.u32 @!p0 $0xF7A, s2;
	p2 =	seq.s32 @!p0 s5, $0x0  }
0x1f: {  	s9 =	smul.u32 $0xF7A, s1;
	s8 =	simm.s32 @!p0 $0x1BF5;
	p2 =	por !p2, p0  }
0x20: {  	[sflag:s8] =	ssyncset.s32 @!p0 $0xFFFFF086;
	s6 =	sadd.s32 @!p0 s3, s7;
	s7 =	simm.s32 @!p0 $0x108  }
0x21: {  	s3 =	sadd.s32 s3, s9;
	s6 =	sadd.s32 @!p0 $0x88, s6;
	s7 =	simm.s32 @p2 $0x1082  }
0x22: {  	[simem:s7], [sflag:s8] =	dma.local @!p0 [hbm:s6], $0xF7A  }
0x23: {  	s9 =	sor.u32 $0xD0000000, s2;
	s6 =	simm.s32 $0x108;
	_ =	swait.ge @!p0 [sflag:s8], $0x0  }
0x24: {  	s3 =	sadd.s32 $0x88, s3;
	s6 =	simm.s32 @!p1 $0x1082;
	[sflag:s4] =	ssyncset.s32 $0xFFFFF086  }
0x25: {  	[simem:s6], [sflag:s4] =	dma.local [hbm:s3], $0xF7A  }
0x26: {  	[smem:$0x3F95] =	sst s1;
	(tag) =	ssettag s2;
	_ =	strace s9  }
0x27: {  	s1 =	sld [smem:$0x3FA5]  }
0x28: {  	s2 =	sld [smem:$0x3FA6]  }
0x29: {  	s4 =	sld [smem:$0x3FA8]  }
0x2a: {  	p0 =	seq.s32 s5, $0x0;
	s5 =	sld [smem:$0x3FA9]  }
0x2b: {  	s6 =	sld [smem:$0x3FAA]  }
0x2c: {  	s7 =	sld [smem:$0x3FAB]  }
0x2d: {  	s3 =	simm.s32 $0x108;
	s8 =	sld [smem:$0x3FAC]  }
0x2e: {  	s3 =	simm.s32 @!p0 $0x1082;
	s9 =	sld [smem:$0x3FAD]  }
0x2f: {  	lr =	sadd.s32 s0, s3;
	s0 =	sld [smem:$0x3FA4]  }
0x30: {  	s3 =	sld [smem:$0x3FA7]  }
0x31: {  	[smem:$0x3FB0] =	sst s10  }
0x32: {  	s10 =	sld [smem:$0x3FAE];
	_ =	sdelay $0x3  }
0x33: {  	p0 =	seq.s32 s10, $0x1;
	s10 =	sld [smem:$0x3FB0];
	_ =	sdelay $0x3  }
0x34: {  	[smem:$0x3FB0] =	sst s10  }
0x35: {  	s10 =	sld [smem:$0x3FAF];
	_ =	sdelay $0x3  }
0x36: {  	p1 =	seq.s32 s10, $0x1;
	s10 =	sld [smem:$0x3FB0];
	_ =	sdelay $0x3  }
0x37: {  	[smem:$0x3FB0] =	sst s10  }
0x38: {  	s10 =	sld [smem:$0x3FB1]  }
0x39: {  	_ = 	snop;
	(pc) =	sbr.ind lr, $3  }
0x3a: {  	_ = 	snop  }
0x3b: {  	_ = 	snop  }
0x3c: {  	p2 =	seq.s32 s10, $0x1;
	s10 =	sld [smem:$0x3FB0]  }
0x3d: {  	_ =	shalt  }
0x3e: {  	_ =	shalt  }
0x3f: {  	_ =	shalt  }
0x40: {  	_ =	shalt  }
0x41: {  	_ =	shalt  }
0x42: {  	_ =	shalt  }
0x43: {  	_ =	shalt  }
0x44: {  	_ =	shalt  }
0x45: {  	_ =	shalt  }
0x46: {  	_ =	shalt  }
0x47: {  	_ =	shalt  }
0x48: {  	_ =	shalt  }
0x49: {  	_ =	shalt  }
0x4a: {  	_ =	shalt  }
0x4b: {  	_ =	shalt  }
0x4c: {  	_ =	shalt  }
0x4d: {  	_ =	shalt  }
0x4e: {  	_ =	shalt  }
0x4f: {  	_ =	shalt  }
0x50: {  	_ =	shalt  }
0x51: {  	_ =	shalt  }
0x52: {  	_ =	shalt  }
0x53: {  	_ =	shalt  }
0x54: {  	_ =	shalt  }
0x55: {  	_ =	shalt  }
0x56: {  	_ =	shalt  }
0x57: {  	_ =	shalt  }
0x58: {  	_ =	shalt  }
0x59: {  	_ =	shalt  }
0x5a: {  	_ =	shalt  }
0x5b: {  	_ =	shalt  }
0x5c: {  	_ =	shalt  }
0x5d: {  	_ =	shalt  }
0x5e: {  	_ =	shalt  }
0x5f: {  	_ =	shalt  }
0x60: {  	_ =	shalt  }
0x61: {  	_ =	shalt  }
0x62: {  	_ =	shalt  }
0x63: {  	_ =	shalt  }
0x64: {  	_ =	shalt  }
0x65: {  	_ =	shalt  }
0x66: {  	_ =	shalt  }
0x67: {  	_ =	shalt  }
0x68: {  	_ =	shalt  }
0x69: {  	_ =	shalt  }
0x6a: {  	_ =	shalt  }
0x6b: {  	_ =	shalt  }
0x6c: {  	_ =	shalt  }
0x6d: {  	_ =	shalt  }
0x6e: {  	_ =	shalt  }
0x6f: {  	_ =	shalt  }
0x70: {  	_ =	shalt  }
0x71: {  	_ =	shalt  }
0x72: {  	_ =	shalt  }
0x73: {  	_ =	shalt  }
0x74: {  	_ =	shalt  }
0x75: {  	_ =	shalt  }
0x76: {  	_ =	shalt  }
0x77: {  	_ =	shalt  }
0x78: {  	_ =	shalt  }
0x79: {  	_ =	shalt  }
0x7a: {  	_ =	shalt  }
0x7b: {  	_ =	shalt  }
0x7c: {  	_ =	shalt  }
0x7d: {  	_ =	shalt  }
0x7e: {  	_ =	shalt  }
0x7f: {  	_ =	shalt  }
0x80: {  	_ =	shalt  }
0x81: {  	_ =	shalt  }
0x82: {  	_ =	shalt  }
0x83: {  	_ =	shalt  }
0x84: {  	_ =	shalt  }
0x85: {  	_ =	shalt  }
0x86: {  	_ =	shalt  }
0x87: {  	_ =	shalt  }
.Lfunc_end0:
.L_simem_size_0:
called_computation.2_lowered:
.L_overlay_start_0:
0x88: {  	s2 =	sld [smem:$0x3FD9]  }
0x89: {  	s3 =	sld [smem:$0x3FFE];
	_ =	sdelay $0x1  }
0x8a: {  	s1 =	srdreg.scid  }
0x8b: {  	s0 =	sand.u32 $0x1, s1  }
0x8c: {  	s17 =	sshll.u32 s0, $0xA;
	s2 =	sadd.s32 s3, s2  }
0x8d: {  	s2 =	sadd.s32 s2, s17  }
0x8e: {  	[smem:$0x3FBC] =	sst s2  }
0x8f: {  	_ = 	snop  }
0x90: {  	s2 =	sld [smem:$0x3FD0];
	(tm) =	ssettm $0x1  }
0x91: {  	s18 =	sld [smem:$0x3FFB];
	_ =	sdelay $0x3  }
0x92: {  	_ =	strace s18  }
0x93: {  	s3 =	sld [smem:$0x3FFC];
	_ =	sdelay $0x3  }
0x94: {  	_ =	strace s3  }
0x95: {  	s3 =	sld [smem:$0x3FFD];
	_ =	sdelay $0x3  }
0x96: {  	_ =	strace s3  }
0x97: {  	_ =	strace $0x8FFFFFFF  }
0x98: {  	s19 =	sld [smem:$0x3FDB];
	_ =	sdelay $0x1  }
0x99: {  	s4 =	simm.s32 $_scs_section_size  }
0x9a: {  	s5 =	simm.s32 $_size__tile_overlayer_lowered;
	s6 =	simm.s32 $_tile_overlayer_lowered  }
0x9b: {  	s22 =	simm.s32 $0x1BFF;
	s21 =	sshll.u32 s6, $0x1;
	s3 =	sadd.s32 s4, s19  }
0x9c: {  	s7 =	simm.s32 $0x0;
	s20 =	sshll.u32 s5, $0x1;
	s5 =	sadd.s32 s21, s3  }
0x9d: {  	[timem:s7], [sflag:s22] =	dma.local [hbm:s5], s20  }
0x9e: {  	_ =	swait.ge [sflag:s22], s20  }
0x9f: {  	s4 =	ssub.s32 $0x0, s20;
	[sflag:s22] =	ssyncset.done $0x0  }
0xa0: {  	[sflag:s22] =	ssyncadd.s32 s4;
	_ =	sdelay $0x1  }
0xa1: {  	s23 =	simm.s32 $0x1B8B  }
0xa2: {  	_ =	swait.ge [sflag:s23], $0x1  }
0xa3: {  	[sflag:s23] =	ssyncset.done $0x0  }
0xa4: {  	s25 =	simm.s32 $0x1B8E;
	s24 =	sld [smem:$0x3FFE];
	[sflag:s23] =	ssyncadd.s32 $0xFFFFFFFF  }
0xa5: {  	s26 =	simm.s32 $execute0_lowered;
	[smem:$0x3FD2] =	sst s25  }
0xa6: {  	s5 =	sshll.u32 s26, $0x1;
	_ =	strace $0x8000004C;
	[dreg:$0x1] =	wrdreg $0xFFFFFFFF  }
0xa7: {  	s28 =	simm.s32 $_size_execute0_lowered;
	s3 =	sadd.s32 s3, s5;
	[dreg:$0x0] =	wrdreg $0x0  }
0xa8: {  	s5 =	sshll.u32 s28, $0x1;
	[dreg:$0x2] =	wrdreg s3  }
0xa9: {  	[dreg:$0x3] =	wrdreg s5  }
0xaa: {  	[dreg:$0x4] =	wrdreg $0xC0  }
0xab: {  	_ =	task [dreg:s7], $0x5FFFF  }
0xac: {  	[dreg:$0x1] =	wrdreg $0xFFFFFFFF  }
0xad: {  	[dreg:$0x0] =	wrdreg $0x60  }
0xae: {  	[dreg:$0x2] =	wrdreg s24  }
0xaf: {  	[dreg:$0x3] =	wrdreg s2  }
0xb0: {  	[dreg:$0x4] =	wrdreg $0x120000  }
0xb1: {  	[dreg:$0x5] =	wrdreg $0x9  }
0xb2: {  	_ =	task.clear_ibuf [dreg:s7], $0x6FFFF;
	_ =	strace $0x9000004C  }
0xb3: {  	s29 =	simm.s32 $0x9;
	_ =	strace $0x8000004E  }
0xb4: {  	_ =	swait.ge [sflag:s29], $0x1  }
0xb5: {  	[sflag:s29] =	ssyncadd.s32 $0xFFFFFFFF  }
0xb6: {  	_ =	strace $0x9000004E  }
0xb7: {  	_ =	sfence  }
0xb8: {  	s30 =	sld [smem:$0x0];
	_ =	sdelay $0x2  }
0xb9: {  	s31 =	sshll.u32 s1, $0xD;
	s1 =	sshrl.u32 s1, $0x2  }
0xba: {  	s3 =	sand.u32 $0x4000, s31;
	s1 =	sadd.s32 s1, s30  }
0xbb: {  	s0 =	sor.u32 s3, s0;
	s1 =	sshll.u32 s1, $0x11  }
0xbc: {  	s0 =	sor.u32 s1, s0  }
0xbd: {  	s0 =	sadd.s32 $0x8F2B, s0  }
0xbe: {  	[sflag:s0] =	ssyncadd.remote.s32 $0x1  }
0xbf: {  	_ =	sfence.sel $0xFFFF  }
0xc0: {  	[dreg:$0x0] =	wrdreg $0xFFFFFFFF;
	(pc) =	sbr.abs _section_cstart, $3  }
0xc1: {  	[dreg:$0x1] =	wrdreg $0xFFFFFFFF  }
0xc2: {  	_ =	task.clear_ibuf [dreg:s7], $0x2FFFF;
	_ =	strace $0x9FFFFFFF  }
0xc3: {  	(tm) =	ssettm $0x7FFFFFFF  }
tec
execute0_lowered:
.L_overlay_start_1:
0x0: {  	(tag) =	ssettag $0x1  }
0x1: {  	s0 =	rddreg [dreg:$0x0]  }
0x2: {  	s5 =	rddreg [dreg:$0x1]  }
0x3: {  	s1 =	rddreg [dreg:$0x2];
	s2 =	srdreg.scid;
	s3 =	simm.s32 $0x0  }
0x4: {  	s25 =	stileid.u32;
	s14 =	simm.s32 $0x80;
	s15 =	simm.s32 $0xA000  }
0x5: {  	s16 =	simm.s32 $0xC000;
	s17 =	simm.s32 $0x100;
	s18 =	simm.s32 $0xE000  }
0x6: {  	s19 =	simm.s32 $0x180;
	s20 =	simm.s32 $0x10000;
	s21 =	simm.s32 $0x1  }
0x7: {  	s22 =	simm.s32 $0x2;
	s23 =	simm.s32 $0x3;
	s24 =	simm.s32 $0x4  }
0x8: {  	s28 =	simm.s32 $0x9F00;
	s29 =	simm.s32 $0x9F80;
	s30 =	simm.s32 $0x0  }
0x9: {  	s4 =	sand.u32 $0x1, s2;
	[smem:$0x7FF] =	sst s3;
	s7 =	smul.u32 $0x9E00, s25  }
0xa: {  	s9 =	smul.u32 $0xA00, s25;
	s31 =	sshll.u32 s25, $0x6;
	s25 =	simm.s32 $0x9E00  }
0xb: {  	s6 =	smul.u32 $0x9E000, s4;
	_ =	strace $0x8000004D;
	s4 =	ssub.s32 $0x2, s4  }
0xc: {  	s10 =	sadd.s32 s9, s0;
	s26 =	sshrl.u32 s4, $0x1;
	s5 =	sadd.s32 s5, s9  }
0xd: {  	s13 =	sadd.s32 s7, s1;
	s12 =	sshrl.u32 s7, $0x3;
	s9 =	simm.s32 $0x5  }
0xe: {  	s8 =	sshrl.u32 s6, $0x3;
	s6 =	sadd.s32 s7, s6;
	s11 =	ssub.s32 s4, s26  }
0xf: {  	s4 =	sadd.s32 $0x17000, s10;
	s10 =	simm.s32 $0x5000;
	s13 =	sshrl.u32 s13, $0x3  }
0x10: {  	s26 =	simm.s32 $0x9E80;
	s8 =	sadd.s32 s8, s0;
	s6 =	sshrl.u32 s6, $0x3  }
0x11: {  	s0 =	sadd.s32 s6, s0;
	s6 =	sadd.s32 $0x21000, s8;
	s8 =	smax.u32 s11, $0x1  }
0x12: {  	s7 =	sadd.s32 $0x48800, s0;
	s11 =	sadd.s32 s12, s6;
	s12 =	sor.u32 $0x1C05, s31  }
.LBB2_1:
0x13: {  	[tilespmem:s3], [sflag:$0x5] =	stream.linear.gather [hbm4b:s4+s3], $0x5000, $0x38;
	[tilespmem:$0x1BE00] =	vst v63  }
0x14: {  	_ =	swait.ge [sflag:s9], $0x5000  }
0x15: {  	[sflag:s9] =	ssyncset.done $0x0  }
0x16: {  	[sflag:s9] =	ssyncadd.s32 $0xFFFFB000  }
0x17: {  	[tilespmem:s10], [sflag:$0x5] =	stream.linear.gather [hbm4b:s5+s3], $0x5000, $0x38;
	[tilespmem:$0x1BE00] =	vst v63  }
0x18: {  	_ =	swait.ge [sflag:s9], $0x5000  }
0x19: {  	[sflag:s9] =	ssyncset.done $0x0  }
0x1a: {  	[sflag:s9] =	ssyncadd.s32 $0xFFFFB000  }
0x1b: {  	[spmem:s13], [sflag:s12] =	dma.local [hbm:s11], $0x13C0  }
0x1c: {  	_ =	swait.ge [sflag:s9], $0x13C0  }
0x1d: {  	[sflag:s9] =	ssyncset.done $0x0  }
0x1e: {  	[sflag:s9] =	ssyncadd.s32 $0xFFFFEC40  }
0x1f: {  	[bflag:$0x0] =	sbarrier.arrive $0xFFFF  }
0x20: {  	[tilespmem:s15], [sflag:$0x1] =	stream.indirect.gather [hbm4b:s6+s14], $0x40, s3, s14, $0xb8;
	[tilespmem:$0x1BE00] =	vst v63  }
0x21: {  	_ = 	snop  }
0x22: {  	[tilespmem:s16], [sflag:$0x2] =	stream.indirect.gather [hbm4b:s6+s14], $0x40, s14, s14, $0xb8;
	[tilespmem:$0x1BE00] =	vst v63  }
0x23: {  	_ = 	snop  }
0x24: {  	[tilespmem:s18], [sflag:$0x3] =	stream.indirect.gather [hbm4b:s6+s14], $0x40, s17, s14, $0xb8;
	[tilespmem:$0x1BE00] =	vst v63  }
0x25: {  	_ = 	snop  }
0x26: {  	[tilespmem:s20], [sflag:$0x4] =	stream.indirect.gather [hbm4b:s6+s14], $0x40, s19, s14, $0xb8;
	[tilespmem:$0x1BE00] =	vst v63  }
0x27: {  	_ =	swait.ge [sflag:s21], $0x2000  }
0x28: {  	[sflag:s21] =	ssyncset.done $0x0  }
0x29: {  	s0 =	simm.s32 $0x5000;
	[sflag:s21] =	ssyncadd.s32 $0xFFFFE000  }
0x2a: {  	[spmem:s1] =	stream.indirect.scatter.add.f32 [tilespmem:s15], [sflag:$0x5], $0x40, s0, s14, $0xb8;
	[tilespmem:$0x1BE00] =	vst v63  }
0x2b: {  	_ =	swait.ge [sflag:s9], $0x2000  }
0x2c: {  	[sflag:s9] =	ssyncset.done $0x0  }
0x2d: {  	s2 =	simm.s32 $0x200;
	[sflag:s9] =	ssyncadd.s32 $0xFFFFE000  }
0x2e: {  	[tilespmem:s15], [sflag:$0x1] =	stream.indirect.gather [hbm4b:s6+s14], $0x40, s2, s14, $0xb8;
	[tilespmem:$0x1BE00] =	vst v63  }
0x2f: {  	_ =	swait.ge [sflag:s22], $0x2000  }
0x30: {  	[sflag:s22] =	ssyncset.done $0x0  }
0x31: {  	s2 =	simm.s32 $0x5080;
	[sflag:s22] =	ssyncadd.s32 $0xFFFFE000  }
0x32: {  	[spmem:s1] =	stream.indirect.scatter.add.f32 [tilespmem:s16], [sflag:$0x5], $0x40, s2, s14, $0xb8;
	[tilespmem:$0x1BE00] =	vst v63  }
0x33: {  	_ =	swait.ge [sflag:s9], $0x2000  }
0x34: {  	[sflag:s9] =	ssyncset.done $0x0  }
0x35: {  	s2 =	simm.s32 $0x280;
	[sflag:s9] =	ssyncadd.s32 $0xFFFFE000  }
0x36: {  	[tilespmem:s16], [sflag:$0x2] =	stream.indirect.gather [hbm4b:s6+s14], $0x40, s2, s14, $0xb8;
	[tilespmem:$0x1BE00] =	vst v63  }
0x37: {  	_ =	swait.ge [sflag:s23], $0x2000  }
0x38: {  	[sflag:s23] =	ssyncset.done $0x0  }
0x39: {  	s2 =	simm.s32 $0x5100;
	[sflag:s23] =	ssyncadd.s32 $0xFFFFE000  }
0x3a: {  	[spmem:s1] =	stream.indirect.scatter.add.f32 [tilespmem:s18], [sflag:$0x5], $0x40, s2, s14, $0xb8;
	[tilespmem:$0x1BE00] =	vst v63  }
0x3b: {  	_ =	swait.ge [sflag:s9], $0x2000  }
0x3c: {  	[sflag:s9] =	ssyncset.done $0x0  }
0x3d: {  	s2 =	simm.s32 $0x300;
	[sflag:s9] =	ssyncadd.s32 $0xFFFFE000  }
0x3e: {  	[tilespmem:s18], [sflag:$0x3] =	stream.indirect.gather [hbm4b:s6+s14], $0x40, s2, s14, $0xb8;
	[tilespmem:$0x1BE00] =	vst v63  }
0x3f: {  	_ =	swait.ge [sflag:s24], $0x2000  }
0x40: {  	[sflag:s24] =	ssyncset.done $0x0  }
0x41: {  	s2 =	simm.s32 $0x5180;
	[sflag:s24] =	ssyncadd.s32 $0xFFFFE000  }
0x42: {  	[spmem:s1] =	stream.indirect.scatter.add.f32 [tilespmem:s20], [sflag:$0x5], $0x40, s2, s14, $0xb8;
	[tilespmem:$0x1BE00] =	vst v63  }
0x43: {  	_ =	swait.ge [sflag:s9], $0x2000  }
0x44: {  	[sflag:s9] =	ssyncset.done $0x0  }
0x45: {  	s31 =	simm.s32 $0x800;
	s0 =	simm.s32 $0x380;
	[sflag:s9] =	ssyncadd.s32 $0xFFFFE000  }
.LBB2_2:
0x46: {  	[tilespmem:s20], [sflag:$0x4] =	stream.indirect.gather [hbm4b:s6+s14], $0x40, s0, s14, $0xb8;
	[tilespmem:$0x1BE00] =	vst v63  }
0x47: {  	s0 =	smov.u32 s31  }
0x48: {  	p0 =	sne.s32 s31, $0x13000;
	s31 =	sadd.s32 $0x800, s31;
	_ =	swait.ge [sflag:s21], $0x2000  }
0x49: {  	s0 =	sshra.s32 s0, $0x2;
	[sflag:s21] =	ssyncset.done $0x0  }
0x4a: {  	s2 =	sadd.s32 $0x5000, s0;
	[sflag:s21] =	ssyncadd.s32 $0xFFFFE000  }
0x4b: {  	[spmem:s1] =	stream.indirect.scatter.add.f32 [tilespmem:s15], [sflag:$0x5], $0x40, s2, s14, $0xb8;
	[tilespmem:$0x1BE00] =	vst v63  }
0x4c: {  	_ =	swait.ge [sflag:s9], $0x2000  }
0x4d: {  	[sflag:s9] =	ssyncset.done $0x0  }
0x4e: {  	s2 =	sadd.s32 $0x200, s0;
	[sflag:s9] =	ssyncadd.s32 $0xFFFFE000  }
0x4f: {  	[tilespmem:s15], [sflag:$0x1] =	stream.indirect.gather [hbm4b:s6+s14], $0x40, s2, s14, $0xb8;
	[tilespmem:$0x1BE00] =	vst v63  }
0x50: {  	_ =	swait.ge [sflag:s22], $0x2000  }
0x51: {  	[sflag:s22] =	ssyncset.done $0x0  }
0x52: {  	s2 =	sadd.s32 $0x5080, s0;
	[sflag:s22] =	ssyncadd.s32 $0xFFFFE000  }
0x53: {  	[spmem:s1] =	stream.indirect.scatter.add.f32 [tilespmem:s16], [sflag:$0x5], $0x40, s2, s14, $0xb8;
	[tilespmem:$0x1BE00] =	vst v63  }
0x54: {  	_ =	swait.ge [sflag:s9], $0x2000  }
0x55: {  	[sflag:s9] =	ssyncset.done $0x0  }
0x56: {  	s2 =	sadd.s32 $0x280, s0;
	[sflag:s9] =	ssyncadd.s32 $0xFFFFE000  }
0x57: {  	[tilespmem:s16], [sflag:$0x2] =	stream.indirect.gather [hbm4b:s6+s14], $0x40, s2, s14, $0xb8;
	[tilespmem:$0x1BE00] =	vst v63  }
0x58: {  	_ =	swait.ge [sflag:s23], $0x2000  }
0x59: {  	[sflag:s23] =	ssyncset.done $0x0  }
0x5a: {  	s2 =	sadd.s32 $0x5100, s0;
	[sflag:s23] =	ssyncadd.s32 $0xFFFFE000  }
0x5b: {  	[spmem:s1] =	stream.indirect.scatter.add.f32 [tilespmem:s18], [sflag:$0x5], $0x40, s2, s14, $0xb8;
	[tilespmem:$0x1BE00] =	vst v63  }
0x5c: {  	_ =	swait.ge [sflag:s9], $0x2000  }
0x5d: {  	[sflag:s9] =	ssyncset.done $0x0  }
0x5e: {  	s2 =	sadd.s32 $0x300, s0;
	[sflag:s9] =	ssyncadd.s32 $0xFFFFE000  }
0x5f: {  	[tilespmem:s18], [sflag:$0x3] =	stream.indirect.gather [hbm4b:s6+s14], $0x40, s2, s14, $0xb8;
	[tilespmem:$0x1BE00] =	vst v63  }
0x60: {  	_ =	swait.ge [sflag:s24], $0x2000  }
0x61: {  	[sflag:s24] =	ssyncset.done $0x0  }
.Ltmp0:
0x62: {  	s2 =	sadd.s32 $0x5180, s0;
	[sflag:s24] =	ssyncadd.s32 $0xFFFFE000;
	(pc) =	sbr.rel @p0 .LBB2_2-.Ltmp0, $4  }
0x63: {  	[spmem:s1] =	stream.indirect.scatter.add.f32 [tilespmem:s20], [sflag:$0x5], $0x40, s2, s14, $0xb8;
	[tilespmem:$0x1BE00] =	vst v63  }
0x64: {  	_ =	swait.ge [sflag:s9], $0x2000  }
0x65: {  	[sflag:s9] =	ssyncset.done $0x0  }
0x66: {  	s0 =	sadd.s32 $0x380, s0;
	[sflag:s9] =	ssyncadd.s32 $0xFFFFE000  }
0x67: {  	[tilespmem:s20], [sflag:$0x4] =	stream.indirect.gather [hbm4b:s6+s14], $0x40, s0, s14, $0xb8;
	[tilespmem:$0x1BE00] =	vst v63  }
0x68: {  	_ =	swait.ge [sflag:s21], $0x2000  }
0x69: {  	[sflag:s21] =	ssyncset.done $0x0  }
0x6a: {  	[sflag:s21] =	ssyncadd.s32 $0xFFFFE000  }
0x6b: {  	[spmem:s1] =	stream.indirect.scatter.add.f32 [tilespmem:s15], [sflag:$0x5], $0x40, s25, s14, $0xb8;
	[tilespmem:$0x1BE00] =	vst v63  }
0x6c: {  	_ =	swait.ge [sflag:s9], $0x2000  }
0x6d: {  	[sflag:s9] =	ssyncset.done $0x0  }
0x6e: {  	[sflag:s9] =	ssyncadd.s32 $0xFFFFE000  }
0x6f: {  	_ =	swait.ge [sflag:s22], $0x2000  }
0x70: {  	[sflag:s22] =	ssyncset.done $0x0  }
0x71: {  	[sflag:s22] =	ssyncadd.s32 $0xFFFFE000  }
0x72: {  	[spmem:s1] =	stream.indirect.scatter.add.f32 [tilespmem:s16], [sflag:$0x5], $0x40, s26, s14, $0xb8;
	[tilespmem:$0x1BE00] =	vst v63  }
0x73: {  	_ =	swait.ge [sflag:s9], $0x2000  }
0x74: {  	[sflag:s9] =	ssyncset.done $0x0  }
0x75: {  	[sflag:s9] =	ssyncadd.s32 $0xFFFFE000  }
0x76: {  	_ =	swait.ge [sflag:s23], $0x2000  }
0x77: {  	[sflag:s23] =	ssyncset.done $0x0  }
0x78: {  	[sflag:s23] =	ssyncadd.s32 $0xFFFFE000  }
0x79: {  	[spmem:s1] =	stream.indirect.scatter.add.f32 [tilespmem:s18], [sflag:$0x5], $0x40, s28, s14, $0xb8;
	[tilespmem:$0x1BE00] =	vst v63  }
0x7a: {  	_ =	swait.ge [sflag:s9], $0x2000  }
0x7b: {  	[sflag:s9] =	ssyncset.done $0x0  }
0x7c: {  	[sflag:s9] =	ssyncadd.s32 $0xFFFFE000  }
0x7d: {  	_ =	swait.ge [sflag:s24], $0x2000  }
0x7e: {  	[sflag:s24] =	ssyncset.done $0x0  }
0x7f: {  	[sflag:s24] =	ssyncadd.s32 $0xFFFFE000  }
0x80: {  	[spmem:s1] =	stream.indirect.scatter.add.f32 [tilespmem:s20], [sflag:$0x5], $0x40, s29, s14, $0xb8;
	[tilespmem:$0x1BE00] =	vst v63  }
0x81: {  	_ =	swait.ge [sflag:s9], $0x2000  }
0x82: {  	s30 =	sadd.s32 $0x1, s30;
	[sflag:s9] =	ssyncset.done $0x0  }
0x83: {  	p0 =	sne.s32 s30, s8;
	[sflag:s9] =	ssyncadd.s32 $0xFFFFE000  }
.Ltmp1:
0x84: {  	[bflag:$0x0] =	sbarrier.arrive $0xFFFF;
	(pc) =	sbr.rel @p0 .LBB2_1-.Ltmp1, $4  }
0x85: {  	[hbm:s7], [sflag:s12] =	dma.local [spmem:s13], $0x13C0  }
0x86: {  	_ =	swait.ge [sflag:s9], $0x13C0  }
0x87: {  	[sflag:s9] =	ssyncset.done $0x0  }
0x88: {  	[sflag:s9] =	ssyncadd.s32 $0xFFFFEC40  }
0x89: {  	_ =	sfence.sel $0x180000  }
0x8a: {  	[bflag:$0x0] =	sbarrier.arrive $0xFFFF  }
0x8b: {  	_ =	strace $0x9000004D  }
0x8c: {  	s0 =	stileid.u32;
	[bflag:$0x2] =	sbarrier.arrive $0xFFFF  }
0x8d: {  	p0 =	sne.s32 s0, $0x0;
	s0 =	rddreg [dreg:$0x3]  }
0x8e: {  	s0 =	sadd.s32 @!p0 $0x100000, s0  }
0x8f: {  	[sflag:s0] =	ssyncadd.tile.s32 @!p0 $0x1;
	_ =	shalt  }
.Lfunc_end2:
_tile_overlayer_lowered:
.L_overlay_start_2:
0x90: {  	(tag) =	ssettag $0x2  }
0x91: {  	s0 =	rddreg [dreg:$0x0];
	s2 =	stileid.u32  }
0x92: {  	s1 =	rddreg [dreg:$0x1];
	p0 =	sne.s32 s2, $0x0  }
0x93: {  	s3 =	rddreg [dreg:$0x2];
	[bflag:$0x3] =	sbarrier.arrive $0xFFFF;
	s2 =	simm.s32 @!p0 $0x1C05  }
0x94: {  	[timem:s3], [sflag:s2] =	dma.local @!p0 [hbm:s0], s1  }
0x95: {  	s0 =	simm.s32 @!p0 $0x5  }
0x96: {  	_ =	swait.ge @!p0 [sflag:s0], s1  }
0x97: {  	s1 =	ssub.s32 @!p0 $0x0, s1;
	[sflag:s0] =	ssyncset.done @!p0 $0x0  }
0x98: {  	[sflag:s0] =	ssyncadd.s32 @!p0 s1  }
0x99: {  	[bflag:$0x3] =	sbarrier.arrive $0xFFFF  }
0x9a: {  	_ =	shalt  }

// kernel: kernel.19.cloned.1.call-start
scs
__scs_entry_jumppad:
0x0: {  	(pc) =	sbr.rel $0x88, $3  }
0x1: {  	(tag) =	ssettag $0x0;
	lr =	simm.s32 $0x1  }
0x2: {  	[smem:$0x3F95] =	sst lr;
	_ =	strace $0xD0000000  }
0x3: {  	_ = 	snop  }
0x4: {  	_ = 	snop  }
0x5: {  	_ = 	snop  }
0x6: {  	_ = 	snop  }
0x7: {  	_ = 	snop  }
__scs_overlays_trampoline_lowered:
0x8: {  	[smem:$0x3FA4] =	sst s0  }
0x9: {  	[smem:$0x3FA5] =	sst s1  }
0xa: {  	[smem:$0x3FA6] =	sst s2  }
0xb: {  	[smem:$0x3FA7] =	sst s3  }
0xc: {  	[smem:$0x3FA8] =	sst s4  }
0xd: {  	[smem:$0x3FA9] =	sst s5  }
0xe: {  	[smem:$0x3FAA] =	sst s6  }
0xf: {  	[smem:$0x3FAB] =	sst s7  }
0x10: {  	[smem:$0x3FAC] =	sst s8  }
0x11: {  	[smem:$0x3FAD] =	sst s9;
	s0 =	simm.s32 @!p0 $0x0  }
0x12: {  	s1 =	sld [smem:$0x3F93];
	s0 =	simm.s32 @p0 $0x1  }
0x13: {  	[smem:$0x3FAE] =	sst s0;
	s0 =	simm.s32 @!p1 $0x0  }
0x14: {  	s2 =	sld [smem:$0x3F92];
	s0 =	simm.s32 @p1 $0x1  }
0x15: {  	[smem:$0x3FAF] =	sst s0;
	s0 =	simm.s32 @!p2 $0x0  }
0x16: {  	s3 =	sld [smem:$0x3FDB];
	s0 =	simm.s32 @p2 $0x1  }
0x17: {  	s4 =	simm.s32 $0x1BF5;
	[smem:$0x3FB1] =	sst s0  }
0x18: {  	s0 =	sld [smem:$0x3F94];
	_ =	swait.ge [sflag:s4], $0x0  }
0x19: {  	s7 =	sld [smem:$0x3F95]  }
0x1a: {  	s8 =	sadd.s32 $0xFFFFE003, lr  }
0x1b: {  	s9 =	sadd.s32 $0xFFFFFEF7, lr;
	s5 =	simm.s32 $0xFFFFFFFF;
	p2 =	slt.u32 s8, $0xFFFFF086  }
0x1c: {  	p1 =	slt.u32 s9, $0xF7A;
	s5 =	simm.s32 @!p2 $0x0  }
0x1d: {  	s5 =	simm.s32 @p1 $0x1;
	p0 =	seq.s32 s7, s2  }
0x1e: {  	s7 =	smul.u32 @!p0 $0xF7A, s2;
	p2 =	seq.s32 @!p0 s5, $0x0  }
0x1f: {  	s9 =	smul.u32 $0xF7A, s1;
	s8 =	simm.s32 @!p0 $0x1BF5;
	p2 =	por !p2, p0  }
0x20: {  	[sflag:s8] =	ssyncset.s32 @!p0 $0xFFFFF086;
	s6 =	sadd.s32 @!p0 s3, s7;
	s7 =	simm.s32 @!p0 $0x108  }
0x21: {  	s3 =	sadd.s32 s3, s9;
	s6 =	sadd.s32 @!p0 $0x88, s6;
	s7 =	simm.s32 @p2 $0x1082  }
0x22: {  	[simem:s7], [sflag:s8] =	dma.local @!p0 [hbm:s6], $0xF7A  }
0x23: {  	s9 =	sor.u32 $0xD0000000, s2;
	s6 =	simm.s32 $0x108;
	_ =	swait.ge @!p0 [sflag:s8], $0x0  }
0x24: {  	s3 =	sadd.s32 $0x88, s3;
	s6 =	simm.s32 @!p1 $0x1082;
	[sflag:s4] =	ssyncset.s32 $0xFFFFF086  }
0x25: {  	[simem:s6], [sflag:s4] =	dma.local [hbm:s3], $0xF7A  }
0x26: {  	[smem:$0x3F95] =	sst s1;
	(tag) =	ssettag s2;
	_ =	strace s9  }
0x27: {  	s1 =	sld [smem:$0x3FA5]  }
0x28: {  	s2 =	sld [smem:$0x3FA6]  }
0x29: {  	s4 =	sld [smem:$0x3FA8]  }
0x2a: {  	p0 =	seq.s32 s5, $0x0;
	s5 =	sld [smem:$0x3FA9]  }
0x2b: {  	s6 =	sld [smem:$0x3FAA]  }
0x2c: {  	s7 =	sld [smem:$0x3FAB]  }
0x2d: {  	s3 =	simm.s32 $0x108;
	s8 =	sld [smem:$0x3FAC]  }
0x2e: {  	s3 =	simm.s32 @!p0 $0x1082;
	s9 =	sld [smem:$0x3FAD]  }
0x2f: {  	lr =	sadd.s32 s0, s3;
	s0 =	sld [smem:$0x3FA4]  }
0x30: {  	s3 =	sld [smem:$0x3FA7]  }
0x31: {  	[smem:$0x3FB0] =	sst s10  }
0x32: {  	s10 =	sld [smem:$0x3FAE];
	_ =	sdelay $0x3  }
0x33: {  	p0 =	seq.s32 s10, $0x1;
	s10 =	sld [smem:$0x3FB0];
	_ =	sdelay $0x3  }
0x34: {  	[smem:$0x3FB0] =	sst s10  }
0x35: {  	s10 =	sld [smem:$0x3FAF];
	_ =	sdelay $0x3  }
0x36: {  	p1 =	seq.s32 s10, $0x1;
	s10 =	sld [smem:$0x3FB0];
	_ =	sdelay $0x3  }
0x37: {  	[smem:$0x3FB0] =	sst s10  }
0x38: {  	s10 =	sld [smem:$0x3FB1]  }
0x39: {  	_ = 	snop;
	(pc) =	sbr.ind lr, $3  }
0x3a: {  	_ = 	snop  }
0x3b: {  	_ = 	snop  }
0x3c: {  	p2 =	seq.s32 s10, $0x1;
	s10 =	sld [smem:$0x3FB0]  }
0x3d: {  	_ =	shalt  }
0x3e: {  	_ =	shalt  }
0x3f: {  	_ =	shalt  }
0x40: {  	_ =	shalt  }
0x41: {  	_ =	shalt  }
0x42: {  	_ =	shalt  }
0x43: {  	_ =	shalt  }
0x44: {  	_ =	shalt  }
0x45: {  	_ =	shalt  }
0x46: {  	_ =	shalt  }
0x47: {  	_ =	shalt  }
0x48: {  	_ =	shalt  }
0x49: {  	_ =	shalt  }
0x4a: {  	_ =	shalt  }
0x4b: {  	_ =	shalt  }
0x4c: {  	_ =	shalt  }
0x4d: {  	_ =	shalt  }
0x4e: {  	_ =	shalt  }
0x4f: {  	_ =	shalt  }
0x50: {  	_ =	shalt  }
0x51: {  	_ =	shalt  }
0x52: {  	_ =	shalt  }
0x53: {  	_ =	shalt  }
0x54: {  	_ =	shalt  }
0x55: {  	_ =	shalt  }
0x56: {  	_ =	shalt  }
0x57: {  	_ =	shalt  }
0x58: {  	_ =	shalt  }
0x59: {  	_ =	shalt  }
0x5a: {  	_ =	shalt  }
0x5b: {  	_ =	shalt  }
0x5c: {  	_ =	shalt  }
0x5d: {  	_ =	shalt  }
0x5e: {  	_ =	shalt  }
0x5f: {  	_ =	shalt  }
0x60: {  	_ =	shalt  }
0x61: {  	_ =	shalt  }
0x62: {  	_ =	shalt  }
0x63: {  	_ =	shalt  }
0x64: {  	_ =	shalt  }
0x65: {  	_ =	shalt  }
0x66: {  	_ =	shalt  }
0x67: {  	_ =	shalt  }
0x68: {  	_ =	shalt  }
0x69: {  	_ =	shalt  }
0x6a: {  	_ =	shalt  }
0x6b: {  	_ =	shalt  }
0x6c: {  	_ =	shalt  }
0x6d: {  	_ =	shalt  }
0x6e: {  	_ =	shalt  }
0x6f: {  	_ =	shalt  }
0x70: {  	_ =	shalt  }
0x71: {  	_ =	shalt  }
0x72: {  	_ =	shalt  }
0x73: {  	_ =	shalt  }
0x74: {  	_ =	shalt  }
0x75: {  	_ =	shalt  }
0x76: {  	_ =	shalt  }
0x77: {  	_ =	shalt  }
0x78: {  	_ =	shalt  }
0x79: {  	_ =	shalt  }
0x7a: {  	_ =	shalt  }
0x7b: {  	_ =	shalt  }
0x7c: {  	_ =	shalt  }
0x7d: {  	_ =	shalt  }
0x7e: {  	_ =	shalt  }
0x7f: {  	_ =	shalt  }
0x80: {  	_ =	shalt  }
0x81: {  	_ =	shalt  }
0x82: {  	_ =	shalt  }
0x83: {  	_ =	shalt  }
0x84: {  	_ =	shalt  }
0x85: {  	_ =	shalt  }
0x86: {  	_ =	shalt  }
0x87: {  	_ =	shalt  }
.Lfunc_end0:
.L_simem_size_0:
called_computation.3_lowered:
.L_overlay_start_0:
0x88: {  	s2 =	sld [smem:$0x3FD9]  }
0x89: {  	s3 =	sld [smem:$0x3FFE];
	_ =	sdelay $0x1  }
0x8a: {  	s1 =	srdreg.scid  }
0x8b: {  	s0 =	sand.u32 $0x1, s1  }
0x8c: {  	s17 =	sshll.u32 s0, $0xA;
	s2 =	sadd.s32 s3, s2  }
0x8d: {  	s2 =	sadd.s32 s2, s17  }
0x8e: {  	[smem:$0x3FBC] =	sst s2  }
0x8f: {  	_ = 	snop  }
0x90: {  	s2 =	sld [smem:$0x3FD0];
	(tm) =	ssettm $0x1  }
0x91: {  	s18 =	sld [smem:$0x3FFB];
	_ =	sdelay $0x3  }
0x92: {  	_ =	strace s18  }
0x93: {  	s3 =	sld [smem:$0x3FFC];
	_ =	sdelay $0x3  }
0x94: {  	_ =	strace s3  }
0x95: {  	s3 =	sld [smem:$0x3FFD];
	_ =	sdelay $0x3  }
0x96: {  	_ =	strace s3  }
0x97: {  	_ =	strace $0x8FFFFFFF  }
0x98: {  	s19 =	sld [smem:$0x3FDB];
	_ =	sdelay $0x1  }
0x99: {  	s4 =	simm.s32 $_scs_section_size  }
0x9a: {  	s5 =	simm.s32 $_size__tile_overlayer_lowered;
	s6 =	simm.s32 $_tile_overlayer_lowered  }
0x9b: {  	s22 =	simm.s32 $0x1BFF;
	s21 =	sshll.u32 s6, $0x1;
	s3 =	sadd.s32 s4, s19  }
0x9c: {  	s7 =	simm.s32 $0x0;
	s20 =	sshll.u32 s5, $0x1;
	s5 =	sadd.s32 s21, s3  }
0x9d: {  	[timem:s7], [sflag:s22] =	dma.local [hbm:s5], s20  }
0x9e: {  	_ =	swait.ge [sflag:s22], s20  }
0x9f: {  	s4 =	ssub.s32 $0x0, s20;
	[sflag:s22] =	ssyncset.done $0x0  }
0xa0: {  	[sflag:s22] =	ssyncadd.s32 s4;
	_ =	sdelay $0x1  }
0xa1: {  	s23 =	simm.s32 $0x1B8B  }
0xa2: {  	_ =	swait.ge [sflag:s23], $0x1  }
0xa3: {  	[sflag:s23] =	ssyncset.done $0x0  }
0xa4: {  	s25 =	simm.s32 $0x1B8E;
	s24 =	sld [smem:$0x3FFE];
	[sflag:s23] =	ssyncadd.s32 $0xFFFFFFFF  }
0xa5: {  	s26 =	simm.s32 $execute0_lowered;
	[smem:$0x3FD2] =	sst s25  }
0xa6: {  	s5 =	sshll.u32 s26, $0x1;
	_ =	strace $0x8000004F;
	[dreg:$0x1] =	wrdreg $0xFFFFFFFF  }
0xa7: {  	s28 =	simm.s32 $_size_execute0_lowered;
	s3 =	sadd.s32 s3, s5;
	[dreg:$0x0] =	wrdreg $0x0  }
0xa8: {  	s5 =	sshll.u32 s28, $0x1;
	[dreg:$0x2] =	wrdreg s3  }
0xa9: {  	[dreg:$0x3] =	wrdreg s5  }
0xaa: {  	[dreg:$0x4] =	wrdreg $0xC0  }
0xab: {  	_ =	task [dreg:s7], $0x5FFFF  }
0xac: {  	[dreg:$0x1] =	wrdreg $0xFFFFFFFF  }
0xad: {  	[dreg:$0x0] =	wrdreg $0x60  }
0xae: {  	[dreg:$0x2] =	wrdreg s24  }
0xaf: {  	[dreg:$0x3] =	wrdreg s2  }
0xb0: {  	[dreg:$0x4] =	wrdreg $0x120000  }
0xb1: {  	[dreg:$0x5] =	wrdreg $0x9  }
0xb2: {  	_ =	task.clear_ibuf [dreg:s7], $0x6FFFF;
	_ =	strace $0x9000004F  }
0xb3: {  	s29 =	simm.s32 $0x9;
	_ =	strace $0x80000051  }
0xb4: {  	_ =	swait.ge [sflag:s29], $0x1  }
0xb5: {  	[sflag:s29] =	ssyncadd.s32 $0xFFFFFFFF  }
0xb6: {  	_ =	strace $0x90000051  }
0xb7: {  	_ =	sfence  }
0xb8: {  	s30 =	sld [smem:$0x0];
	_ =	sdelay $0x2  }
0xb9: {  	s31 =	sshll.u32 s1, $0xD;
	s1 =	sshrl.u32 s1, $0x2  }
0xba: {  	s3 =	sand.u32 $0x4000, s31;
	s1 =	sadd.s32 s1, s30  }
0xbb: {  	s0 =	sor.u32 s3, s0;
	s1 =	sshll.u32 s1, $0x11  }
0xbc: {  	s0 =	sor.u32 s1, s0  }
0xbd: {  	s0 =	sadd.s32 $0x8F2B, s0  }
0xbe: {  	[sflag:s0] =	ssyncadd.remote.s32 $0x1  }
0xbf: {  	_ =	sfence.sel $0xFFFF  }
0xc0: {  	[dreg:$0x0] =	wrdreg $0xFFFFFFFF;
	(pc) =	sbr.abs _section_cstart, $3  }
0xc1: {  	[dreg:$0x1] =	wrdreg $0xFFFFFFFF  }
0xc2: {  	_ =	task.clear_ibuf [dreg:s7], $0x2FFFF;
	_ =	strace $0x9FFFFFFF  }
0xc3: {  	(tm) =	ssettm $0x7FFFFFFF  }
tec
execute0_lowered:
.L_overlay_start_1:
0x0: {  	(tag) =	ssettag $0x1  }
0x1: {  	s0 =	rddreg [dreg:$0x0]  }
0x2: {  	s5 =	rddreg [dreg:$0x1]  }
0x3: {  	s1 =	rddreg [dreg:$0x2];
	s2 =	srdreg.scid;
	s3 =	simm.s32 $0x0  }
0x4: {  	s25 =	stileid.u32;
	s14 =	simm.s32 $0x80;
	s15 =	simm.s32 $0xA000  }
0x5: {  	s16 =	simm.s32 $0xC000;
	s17 =	simm.s32 $0x100;
	s18 =	simm.s32 $0xE000  }
0x6: {  	s19 =	simm.s32 $0x180;
	s20 =	simm.s32 $0x10000;
	s21 =	simm.s32 $0x1  }
0x7: {  	s22 =	simm.s32 $0x2;
	s23 =	simm.s32 $0x3;
	s24 =	simm.s32 $0x4  }
0x8: {  	s28 =	simm.s32 $0x9F00;
	s29 =	simm.s32 $0x9F80;
	s30 =	simm.s32 $0x0  }
0x9: {  	s4 =	sand.u32 $0x1, s2;
	[smem:$0x7FF] =	sst s3;
	s7 =	smul.u32 $0x9E00, s25  }
0xa: {  	s9 =	smul.u32 $0xA00, s25;
	s31 =	sshll.u32 s25, $0x6;
	s25 =	simm.s32 $0x9E00  }
0xb: {  	s6 =	smul.u32 $0x9E000, s4;
	_ =	strace $0x80000050;
	s4 =	ssub.s32 $0x2, s4  }
0xc: {  	s10 =	sadd.s32 s9, s0;
	s26 =	sshrl.u32 s4, $0x1;
	s5 =	sadd.s32 s5, s9  }
0xd: {  	s13 =	sadd.s32 s7, s1;
	s12 =	sshrl.u32 s7, $0x3;
	s9 =	simm.s32 $0x5  }
0xe: {  	s8 =	sshrl.u32 s6, $0x3;
	s6 =	sadd.s32 s7, s6;
	s11 =	ssub.s32 s4, s26  }
0xf: {  	s4 =	sadd.s32 $0x17000, s10;
	s10 =	simm.s32 $0x5000;
	s13 =	sshrl.u32 s13, $0x3  }
0x10: {  	s26 =	simm.s32 $0x9E80;
	s8 =	sadd.s32 s8, s0;
	s6 =	sshrl.u32 s6, $0x3  }
0x11: {  	s0 =	sadd.s32 s6, s0;
	s6 =	sadd.s32 $0x21000, s8;
	s8 =	smax.u32 s11, $0x1  }
0x12: {  	s7 =	sadd.s32 $0x48800, s0;
	s11 =	sadd.s32 s12, s6;
	s12 =	sor.u32 $0x1C05, s31  }
.LBB2_1:
0x13: {  	[tilespmem:s3], [sflag:$0x5] =	stream.linear.gather [hbm4b:s4+s3], $0x5000, $0x38;
	[tilespmem:$0x1BE00] =	vst v63  }
0x14: {  	_ =	swait.ge [sflag:s9], $0x5000  }
0x15: {  	[sflag:s9] =	ssyncset.done $0x0  }
0x16: {  	[sflag:s9] =	ssyncadd.s32 $0xFFFFB000  }
0x17: {  	[tilespmem:s10], [sflag:$0x5] =	stream.linear.gather [hbm4b:s5+s3], $0x5000, $0x38;
	[tilespmem:$0x1BE00] =	vst v63  }
0x18: {  	_ =	swait.ge [sflag:s9], $0x5000  }
0x19: {  	[sflag:s9] =	ssyncset.done $0x0  }
0x1a: {  	[sflag:s9] =	ssyncadd.s32 $0xFFFFB000  }
0x1b: {  	[spmem:s13], [sflag:s12] =	dma.local [hbm:s11], $0x13C0  }
0x1c: {  	_ =	swait.ge [sflag:s9], $0x13C0  }
0x1d: {  	[sflag:s9] =	ssyncset.done $0x0  }
0x1e: {  	[sflag:s9] =	ssyncadd.s32 $0xFFFFEC40  }
0x1f: {  	[bflag:$0x0] =	sbarrier.arrive $0xFFFF  }
0x20: {  	[tilespmem:s15], [sflag:$0x1] =	stream.indirect.gather [hbm4b:s6+s14], $0x40, s3, s14, $0xb8;
	[tilespmem:$0x1BE00] =	vst v63  }
0x21: {  	_ = 	snop  }
0x22: {  	[tilespmem:s16], [sflag:$0x2] =	stream.indirect.gather [hbm4b:s6+s14], $0x40, s14, s14, $0xb8;
	[tilespmem:$0x1BE00] =	vst v63  }
0x23: {  	_ = 	snop  }
0x24: {  	[tilespmem:s18], [sflag:$0x3] =	stream.indirect.gather [hbm4b:s6+s14], $0x40, s17, s14, $0xb8;
	[tilespmem:$0x1BE00] =	vst v63  }
0x25: {  	_ = 	snop  }
0x26: {  	[tilespmem:s20], [sflag:$0x4] =	stream.indirect.gather [hbm4b:s6+s14], $0x40, s19, s14, $0xb8;
	[tilespmem:$0x1BE00] =	vst v63  }
0x27: {  	_ =	swait.ge [sflag:s21], $0x2000  }
0x28: {  	[sflag:s21] =	ssyncset.done $0x0  }
0x29: {  	s0 =	simm.s32 $0x5000;
	[sflag:s21] =	ssyncadd.s32 $0xFFFFE000  }
0x2a: {  	[spmem:s1] =	stream.indirect.scatter.add.f32 [tilespmem:s15], [sflag:$0x5], $0x40, s0, s14, $0xb8;
	[tilespmem:$0x1BE00] =	vst v63  }
0x2b: {  	_ =	swait.ge [sflag:s9], $0x2000  }
0x2c: {  	[sflag:s9] =	ssyncset.done $0x0  }
0x2d: {  	s2 =	simm.s32 $0x200;
	[sflag:s9] =	ssyncadd.s32 $0xFFFFE000  }
0x2e: {  	[tilespmem:s15], [sflag:$0x1] =	stream.indirect.gather [hbm4b:s6+s14], $0x40, s2, s14, $0xb8;
	[tilespmem:$0x1BE00] =	vst v63  }
0x2f: {  	_ =	swait.ge [sflag:s22], $0x2000  }
0x30: {  	[sflag:s22] =	ssyncset.done $0x0  }
0x31: {  	s2 =	simm.s32 $0x5080;
	[sflag:s22] =	ssyncadd.s32 $0xFFFFE000  }
0x32: {  	[spmem:s1] =	stream.indirect.scatter.add.f32 [tilespmem:s16], [sflag:$0x5], $0x40, s2, s14, $0xb8;
	[tilespmem:$0x1BE00] =	vst v63  }
0x33: {  	_ =	swait.ge [sflag:s9], $0x2000  }
0x34: {  	[sflag:s9] =	ssyncset.done $0x0  }
0x35: {  	s2 =	simm.s32 $0x280;
	[sflag:s9] =	ssyncadd.s32 $0xFFFFE000  }
0x36: {  	[tilespmem:s16], [sflag:$0x2] =	stream.indirect.gather [hbm4b:s6+s14], $0x40, s2, s14, $0xb8;
	[tilespmem:$0x1BE00] =	vst v63  }
0x37: {  	_ =	swait.ge [sflag:s23], $0x2000  }
0x38: {  	[sflag:s23] =	ssyncset.done $0x0  }
0x39: {  	s2 =	simm.s32 $0x5100;
	[sflag:s23] =	ssyncadd.s32 $0xFFFFE000  }
0x3a: {  	[spmem:s1] =	stream.indirect.scatter.add.f32 [tilespmem:s18], [sflag:$0x5], $0x40, s2, s14, $0xb8;
	[tilespmem:$0x1BE00] =	vst v63  }
0x3b: {  	_ =	swait.ge [sflag:s9], $0x2000  }
0x3c: {  	[sflag:s9] =	ssyncset.done $0x0  }
0x3d: {  	s2 =	simm.s32 $0x300;
	[sflag:s9] =	ssyncadd.s32 $0xFFFFE000  }
0x3e: {  	[tilespmem:s18], [sflag:$0x3] =	stream.indirect.gather [hbm4b:s6+s14], $0x40, s2, s14, $0xb8;
	[tilespmem:$0x1BE00] =	vst v63  }
0x3f: {  	_ =	swait.ge [sflag:s24], $0x2000  }
0x40: {  	[sflag:s24] =	ssyncset.done $0x0  }
0x41: {  	s2 =	simm.s32 $0x5180;
	[sflag:s24] =	ssyncadd.s32 $0xFFFFE000  }
0x42: {  	[spmem:s1] =	stream.indirect.scatter.add.f32 [tilespmem:s20], [sflag:$0x5], $0x40, s2, s14, $0xb8;
	[tilespmem:$0x1BE00] =	vst v63  }
0x43: {  	_ =	swait.ge [sflag:s9], $0x2000  }
0x44: {  	[sflag:s9] =	ssyncset.done $0x0  }
0x45: {  	s31 =	simm.s32 $0x800;
	s0 =	simm.s32 $0x380;
	[sflag:s9] =	ssyncadd.s32 $0xFFFFE000  }
.LBB2_2:
0x46: {  	[tilespmem:s20], [sflag:$0x4] =	stream.indirect.gather [hbm4b:s6+s14], $0x40, s0, s14, $0xb8;
	[tilespmem:$0x1BE00] =	vst v63  }
0x47: {  	s0 =	smov.u32 s31  }
0x48: {  	p0 =	sne.s32 s31, $0x13000;
	s31 =	sadd.s32 $0x800, s31;
	_ =	swait.ge [sflag:s21], $0x2000  }
0x49: {  	s0 =	sshra.s32 s0, $0x2;
	[sflag:s21] =	ssyncset.done $0x0  }
0x4a: {  	s2 =	sadd.s32 $0x5000, s0;
	[sflag:s21] =	ssyncadd.s32 $0xFFFFE000  }
0x4b: {  	[spmem:s1] =	stream.indirect.scatter.add.f32 [tilespmem:s15], [sflag:$0x5], $0x40, s2, s14, $0xb8;
	[tilespmem:$0x1BE00] =	vst v63  }
0x4c: {  	_ =	swait.ge [sflag:s9], $0x2000  }
0x4d: {  	[sflag:s9] =	ssyncset.done $0x0  }
0x4e: {  	s2 =	sadd.s32 $0x200, s0;
	[sflag:s9] =	ssyncadd.s32 $0xFFFFE000  }
0x4f: {  	[tilespmem:s15], [sflag:$0x1] =	stream.indirect.gather [hbm4b:s6+s14], $0x40, s2, s14, $0xb8;
	[tilespmem:$0x1BE00] =	vst v63  }
0x50: {  	_ =	swait.ge [sflag:s22], $0x2000  }
0x51: {  	[sflag:s22] =	ssyncset.done $0x0  }
0x52: {  	s2 =	sadd.s32 $0x5080, s0;
	[sflag:s22] =	ssyncadd.s32 $0xFFFFE000  }
0x53: {  	[spmem:s1] =	stream.indirect.scatter.add.f32 [tilespmem:s16], [sflag:$0x5], $0x40, s2, s14, $0xb8;
	[tilespmem:$0x1BE00] =	vst v63  }
0x54: {  	_ =	swait.ge [sflag:s9], $0x2000  }
0x55: {  	[sflag:s9] =	ssyncset.done $0x0  }
0x56: {  	s2 =	sadd.s32 $0x280, s0;
	[sflag:s9] =	ssyncadd.s32 $0xFFFFE000  }
0x57: {  	[tilespmem:s16], [sflag:$0x2] =	stream.indirect.gather [hbm4b:s6+s14], $0x40, s2, s14, $0xb8;
	[tilespmem:$0x1BE00] =	vst v63  }
0x58: {  	_ =	swait.ge [sflag:s23], $0x2000  }
0x59: {  	[sflag:s23] =	ssyncset.done $0x0  }
0x5a: {  	s2 =	sadd.s32 $0x5100, s0;
	[sflag:s23] =	ssyncadd.s32 $0xFFFFE000  }
0x5b: {  	[spmem:s1] =	stream.indirect.scatter.add.f32 [tilespmem:s18], [sflag:$0x5], $0x40, s2, s14, $0xb8;
	[tilespmem:$0x1BE00] =	vst v63  }
0x5c: {  	_ =	swait.ge [sflag:s9], $0x2000  }
0x5d: {  	[sflag:s9] =	ssyncset.done $0x0  }
0x5e: {  	s2 =	sadd.s32 $0x300, s0;
	[sflag:s9] =	ssyncadd.s32 $0xFFFFE000  }
0x5f: {  	[tilespmem:s18], [sflag:$0x3] =	stream.indirect.gather [hbm4b:s6+s14], $0x40, s2, s14, $0xb8;
	[tilespmem:$0x1BE00] =	vst v63  }
0x60: {  	_ =	swait.ge [sflag:s24], $0x2000  }
0x61: {  	[sflag:s24] =	ssyncset.done $0x0  }
.Ltmp0:
0x62: {  	s2 =	sadd.s32 $0x5180, s0;
	[sflag:s24] =	ssyncadd.s32 $0xFFFFE000;
	(pc) =	sbr.rel @p0 .LBB2_2-.Ltmp0, $4  }
0x63: {  	[spmem:s1] =	stream.indirect.scatter.add.f32 [tilespmem:s20], [sflag:$0x5], $0x40, s2, s14, $0xb8;
	[tilespmem:$0x1BE00] =	vst v63  }
0x64: {  	_ =	swait.ge [sflag:s9], $0x2000  }
0x65: {  	[sflag:s9] =	ssyncset.done $0x0  }
0x66: {  	s0 =	sadd.s32 $0x380, s0;
	[sflag:s9] =	ssyncadd.s32 $0xFFFFE000  }
0x67: {  	[tilespmem:s20], [sflag:$0x4] =	stream.indirect.gather [hbm4b:s6+s14], $0x40, s0, s14, $0xb8;
	[tilespmem:$0x1BE00] =	vst v63  }
0x68: {  	_ =	swait.ge [sflag:s21], $0x2000  }
0x69: {  	[sflag:s21] =	ssyncset.done $0x0  }
0x6a: {  	[sflag:s21] =	ssyncadd.s32 $0xFFFFE000  }
0x6b: {  	[spmem:s1] =	stream.indirect.scatter.add.f32 [tilespmem:s15], [sflag:$0x5], $0x40, s25, s14, $0xb8;
	[tilespmem:$0x1BE00] =	vst v63  }
0x6c: {  	_ =	swait.ge [sflag:s9], $0x2000  }
0x6d: {  	[sflag:s9] =	ssyncset.done $0x0  }
0x6e: {  	[sflag:s9] =	ssyncadd.s32 $0xFFFFE000  }
0x6f: {  	_ =	swait.ge [sflag:s22], $0x2000  }
0x70: {  	[sflag:s22] =	ssyncset.done $0x0  }
0x71: {  	[sflag:s22] =	ssyncadd.s32 $0xFFFFE000  }
0x72: {  	[spmem:s1] =	stream.indirect.scatter.add.f32 [tilespmem:s16], [sflag:$0x5], $0x40, s26, s14, $0xb8;
	[tilespmem:$0x1BE00] =	vst v63  }
0x73: {  	_ =	swait.ge [sflag:s9], $0x2000  }
0x74: {  	[sflag:s9] =	ssyncset.done $0x0  }
0x75: {  	[sflag:s9] =	ssyncadd.s32 $0xFFFFE000  }
0x76: {  	_ =	swait.ge [sflag:s23], $0x2000  }
0x77: {  	[sflag:s23] =	ssyncset.done $0x0  }
0x78: {  	[sflag:s23] =	ssyncadd.s32 $0xFFFFE000  }
0x79: {  	[spmem:s1] =	stream.indirect.scatter.add.f32 [tilespmem:s18], [sflag:$0x5], $0x40, s28, s14, $0xb8;
	[tilespmem:$0x1BE00] =	vst v63  }
0x7a: {  	_ =	swait.ge [sflag:s9], $0x2000  }
0x7b: {  	[sflag:s9] =	ssyncset.done $0x0  }
0x7c: {  	[sflag:s9] =	ssyncadd.s32 $0xFFFFE000  }
0x7d: {  	_ =	swait.ge [sflag:s24], $0x2000  }
0x7e: {  	[sflag:s24] =	ssyncset.done $0x0  }
0x7f: {  	[sflag:s24] =	ssyncadd.s32 $0xFFFFE000  }
0x80: {  	[spmem:s1] =	stream.indirect.scatter.add.f32 [tilespmem:s20], [sflag:$0x5], $0x40, s29, s14, $0xb8;
	[tilespmem:$0x1BE00] =	vst v63  }
0x81: {  	_ =	swait.ge [sflag:s9], $0x2000  }
0x82: {  	s30 =	sadd.s32 $0x1, s30;
	[sflag:s9] =	ssyncset.done $0x0  }
0x83: {  	p0 =	sne.s32 s30, s8;
	[sflag:s9] =	ssyncadd.s32 $0xFFFFE000  }
.Ltmp1:
0x84: {  	[bflag:$0x0] =	sbarrier.arrive $0xFFFF;
	(pc) =	sbr.rel @p0 .LBB2_1-.Ltmp1, $4  }
0x85: {  	[hbm:s7], [sflag:s12] =	dma.local [spmem:s13], $0x13C0  }
0x86: {  	_ =	swait.ge [sflag:s9], $0x13C0  }
0x87: {  	[sflag:s9] =	ssyncset.done $0x0  }
0x88: {  	[sflag:s9] =	ssyncadd.s32 $0xFFFFEC40  }
0x89: {  	_ =	sfence.sel $0x180000  }
0x8a: {  	[bflag:$0x0] =	sbarrier.arrive $0xFFFF  }
0x8b: {  	_ =	strace $0x90000050  }
0x8c: {  	s0 =	stileid.u32;
	[bflag:$0x2] =	sbarrier.arrive $0xFFFF  }
0x8d: {  	p0 =	sne.s32 s0, $0x0;
	s0 =	rddreg [dreg:$0x3]  }
0x8e: {  	s0 =	sadd.s32 @!p0 $0x100000, s0  }
0x8f: {  	[sflag:s0] =	ssyncadd.tile.s32 @!p0 $0x1;
	_ =	shalt  }
.Lfunc_end2:
_tile_overlayer_lowered:
.L_overlay_start_2:
0x90: {  	(tag) =	ssettag $0x2  }
0x91: {  	s0 =	rddreg [dreg:$0x0];
	s2 =	stileid.u32  }
0x92: {  	s1 =	rddreg [dreg:$0x1];
	p0 =	sne.s32 s2, $0x0  }
0x93: {  	s3 =	rddreg [dreg:$0x2];
	[bflag:$0x3] =	sbarrier.arrive $0xFFFF;
	s2 =	simm.s32 @!p0 $0x1C05  }
0x94: {  	[timem:s3], [sflag:s2] =	dma.local @!p0 [hbm:s0], s1  }
0x95: {  	s0 =	simm.s32 @!p0 $0x5  }
0x96: {  	_ =	swait.ge @!p0 [sflag:s0], s1  }
0x97: {  	s1 =	ssub.s32 @!p0 $0x0, s1;
	[sflag:s0] =	ssyncset.done @!p0 $0x0  }
0x98: {  	[sflag:s0] =	ssyncadd.s32 @!p0 s1  }
0x99: {  	[bflag:$0x3] =	sbarrier.arrive $0xFFFF  }
0x9a: {  	_ =	shalt  }

</sc_bundles>
